<compile_context>
chip_gen: v7x
topology: tpu7x:2x2x1
jax: 0.10.2.dev20260603
libtpu: 0.0.44.dev20260713+nightly
codegen_flags: <defaults>
</compile_context>

<pallas_src>
import functools

import jax
import jax.numpy as jnp
from jax import lax
from jax.experimental import pallas as pl
from jax.experimental.pallas import tpu as pltpu
from jax.experimental.pallas import tpu_sc as plsc

DIM = 64
HIST = 50
NC = 2
NS = 16
NW = NC * NS

NB = 16


@functools.partial(jax.jit, static_argnames=("batch",))
def _sc_gather(idx, weight, batch):
    b_per_w = batch // NW
    num_slabs = b_per_w // NB
    mesh = plsc.VectorSubcoreMesh(core_axis_name="c", subcore_axis_name="s")

    @functools.partial(
        pl.kernel,
        mesh=mesh,
        out_type=jax.ShapeDtypeStruct((batch, HIST, DIM), jnp.float32),
        scratch_types=[
            pltpu.VMEM((2, NB, HIST), jnp.int32),
            pltpu.VMEM((2, NB, HIST, DIM), jnp.float32),
            pltpu.SemaphoreType.DMA,
            pltpu.SemaphoreType.DMA,
        ],
        compiler_params=pltpu.CompilerParams(use_tc_tiling_on_sc=False),
    )
    def body(idx_hbm, table_hbm, out_hbm, idx_v, rows_v, sem0, sem1):
        wid = lax.axis_index("s") * NC + lax.axis_index("c")
        base = wid * b_per_w
        sems = (sem0, sem1)

        def fire(s, p):
            b0 = pl.multiple_of(base + s * NB, NB)
            pltpu.sync_copy(idx_hbm.at[pl.ds(b0, NB)], idx_v.at[p])
            for i in range(NB):
                pltpu.async_copy(
                    table_hbm.at[idx_v.at[p].at[i]],
                    rows_v.at[p].at[i],
                    sems[p],
                )

        def drain_store(s, p):
            for i in range(NB):
                pltpu.make_async_copy(
                    table_hbm.at[pl.ds(0, HIST)],
                    rows_v.at[p].at[i],
                    sems[p],
                ).wait()
            b0 = pl.multiple_of(base + s * NB, NB)
            pltpu.sync_copy(rows_v.at[p], out_hbm.at[pl.ds(b0, NB)])

        fire(0, 0)

        def step2(s2, carry):
            for p in range(2):
                s = s2 * 2 + p

                @pl.when(s + 1 < num_slabs)
                def _():
                    fire(s + 1, (p + 1) % 2)

                drain_store(s, p)
            return carry

        lax.fori_loop(0, num_slabs // 2, step2, 0)

    return body(idx, weight)


def kernel(input, weight):
    b, h = input.shape
    return _sc_gather(input.astype(jnp.int32), weight, b)

# --- scband reference (transcript-rebuilt; emitter-appended) ---
"""Pipeline reference for scband-wrapped-embedding-28905129902658 (READ-ONLY COPY).

The authoritative reference and input builder live on the scoring server;
editing this copy changes nothing except your own understanding.
"""

import jax, jax.numpy as jnp
import numpy as np

NUM_EMBEDDINGS = 1000000
EMBEDDING_DIM = 64
BATCH = 16384
HIST = 50

def setup_inputs(seed: int = 0) -> dict:
    key = jax.random.key(seed)
    k1, k2 = jax.random.split(key)
    input_idx = jax.random.randint(k1, (BATCH, HIST), 0, NUM_EMBEDDINGS, dtype=jnp.int64 if jax.config.jax_enable_x64 else jnp.int32)
    weight = jax.random.normal(k2, (NUM_EMBEDDINGS, EMBEDDING_DIM), dtype=jnp.float32)
    return {"input": input_idx, "weight": weight}

def reference(input, weight):
    # WrappedEmbedding.forward -> nn.Embedding lookup
    return jnp.take(weight, input, axis=0)

if __name__ == "__main__":
    import jax
    _d = setup_inputs()
    print(jax.jit(kernel)(*tuple(_d.values())))

</pallas_src>

<mosaic_0001>
#map = affine_map<(d0, d1) -> (0, 0)>
#map1 = affine_map<(d0, d1) -> (0, 0, 0)>
module attributes {stable_mosaic.version = 14 : i64} {
  func.func @body(%arg0: i32, %arg1: i32, %arg2: memref<16384x50xi32, #tpu.memory_space<hbm>>, %arg3: memref<1000000x64xf32, #tpu.memory_space<hbm>>, %arg4: memref<16384x50x64xf32, #tpu.memory_space<hbm>>, %arg5: memref<2x16x50xi32, #tpu.memory_space<vmem>>, %arg6: memref<2x16x50x64xf32, #tpu.memory_space<vmem>>, %arg7: memref<!tpu.dma_semaphore, #tpu.memory_space<semaphore_mem>>, %arg8: memref<!tpu.dma_semaphore, #tpu.memory_space<semaphore_mem>>) attributes {dimension_semantics = [#tpu.dimension_semantics<core_parallel>, #tpu.dimension_semantics<subcore_parallel>], iteration_bounds = array<i64: 2, 16>, scalar_prefetch = 0 : i64, scratch_operands = 4 : i64, tpu.core_type = #tpu.core_type<sc_vector_subcore>, window_params = [{transform_indices = #map}, {transform_indices = #map}, {transform_indices = #map1}]} {
    %mul3A = arith.constant 2 : i32
    %mul3A_0 = arith.muli %arg1, %mul3A : i32
    %add3A = arith.addi %mul3A_0, %arg0 : i32
    %mul3A_1 = arith.constant 512 : i32
    %mul3A_2 = arith.muli %add3A, %mul3A_1 : i32
    %add3A_3 = arith.constant 0 : i32
    %add3A_4 = arith.addi %mul3A_2, %add3A_3 : i32
    %multiple_of3A = tpu.assume_multiple %add3A_4, 16 : i32
    %run_scoped3A = arith.constant 0 : i32
    "tpu.region"() ({
      %run_scoped3A_377 = tpu.sem_alloc : memref<!tpu.dma_semaphore, #tpu.memory_space<semaphore_mem>>
      %dma_start3A_378 = arith.constant 0 : i32
      %dma_start3A_379 = arith.constant 0 : i32
      %dma_start3A_380 = tpu.memref_slice %arg5[%run_scoped3A, %dma_start3A_378, %dma_start3A_379] : memref<2x16x50xi32, #tpu.memory_space<vmem>> -> memref<1x16x50xi32, #tpu.memory_space<vmem>>
      %dma_start3A_381 = tpu.memref_squeeze %dma_start3A_380 : memref<1x16x50xi32, #tpu.memory_space<vmem>> -> memref<16x50xi32, #tpu.memory_space<vmem>>
      %dma_start3A_382 = arith.constant 0 : i32
      %dma_start3A_383 = tpu.memref_slice %arg2[%multiple_of3A, %dma_start3A_382] : memref<16384x50xi32, #tpu.memory_space<hbm>> -> memref<16x50xi32, #tpu.memory_space<hbm>>
      %dma_start3A_384 = arith.constant 0 : i32
      %dma_start3A_385 = arith.constant 0 : i32
      %dma_start3A_386 = tpu.memref_slice %arg5[%run_scoped3A, %dma_start3A_384, %dma_start3A_385] : memref<2x16x50xi32, #tpu.memory_space<vmem>> -> memref<1x16x50xi32, #tpu.memory_space<vmem>>
      %dma_start3A_387 = tpu.memref_squeeze %dma_start3A_386 : memref<1x16x50xi32, #tpu.memory_space<vmem>> -> memref<16x50xi32, #tpu.memory_space<vmem>>
      %dma_start3A_388 = arith.constant 0 : i32
      %dma_start3A_389 = tpu.memref_slice %arg2[%multiple_of3A, %dma_start3A_388] : memref<16384x50xi32, #tpu.memory_space<hbm>> -> memref<16x50xi32, #tpu.memory_space<hbm>>
      tpu.enqueue_dma source(%dma_start3A_389 : memref<16x50xi32, #tpu.memory_space<hbm>>) target(%dma_start3A_387 : memref<16x50xi32, #tpu.memory_space<vmem>>) target_semaphore(%run_scoped3A_377 : memref<!tpu.dma_semaphore, #tpu.memory_space<semaphore_mem>>)
      %dma_wait3A = arith.constant 0 : i32
      %dma_wait3A_390 = arith.constant 0 : i32
      %dma_wait3A_391 = tpu.memref_slice %arg5[%run_scoped3A, %dma_wait3A, %dma_wait3A_390] : memref<2x16x50xi32, #tpu.memory_space<vmem>> -> memref<1x16x50xi32, #tpu.memory_space<vmem>>
      %dma_wait3A_392 = tpu.memref_squeeze %dma_wait3A_391 : memref<1x16x50xi32, #tpu.memory_space<vmem>> -> memref<16x50xi32, #tpu.memory_space<vmem>>
      %dma_wait3A_393 = arith.constant 0 : i32
      %dma_wait3A_394 = tpu.memref_slice %arg2[%multiple_of3A, %dma_wait3A_393] : memref<16384x50xi32, #tpu.memory_space<hbm>> -> memref<16x50xi32, #tpu.memory_space<hbm>>
      %dma_wait3A_395 = arith.constant 0 : i32
      %dma_wait3A_396 = arith.constant 0 : i32
      %dma_wait3A_397 = tpu.memref_slice %arg5[%run_scoped3A, %dma_wait3A_395, %dma_wait3A_396] : memref<2x16x50xi32, #tpu.memory_space<vmem>> -> memref<1x16x50xi32, #tpu.memory_space<vmem>>
      %dma_wait3A_398 = tpu.memref_squeeze %dma_wait3A_397 : memref<1x16x50xi32, #tpu.memory_space<vmem>> -> memref<16x50xi32, #tpu.memory_space<vmem>>
      %dma_wait3A_399 = arith.constant 0 : i32
      %dma_wait3A_400 = tpu.memref_slice %arg2[%multiple_of3A, %dma_wait3A_399] : memref<16384x50xi32, #tpu.memory_space<hbm>> -> memref<16x50xi32, #tpu.memory_space<hbm>>
      tpu.wait_dma2 semaphore(%run_scoped3A_377 : memref<!tpu.dma_semaphore, #tpu.memory_space<semaphore_mem>>) src(%dma_wait3A_400 : memref<16x50xi32, #tpu.memory_space<hbm>>) dst(%dma_wait3A_398 : memref<16x50xi32, #tpu.memory_space<vmem>>)
      tpu.yield
    }) : () -> ()
    %dma_start3A = arith.constant 0 : i32
    %dma_start3A_5 = arith.constant 0 : i32
    %dma_start3A_6 = arith.constant 0 : i32
    %dma_start3A_7 = arith.constant 0 : i32
    %dma_start3A_8 = arith.constant 0 : i32
    %dma_start3A_9 = arith.constant 0 : i32
    %dma_start3A_10 = arith.constant 0 : i32
    %dma_start3A_11 = tpu.memref_slice %arg6[%dma_start3A_6, %dma_start3A_8, %dma_start3A_9, %dma_start3A_10] : memref<2x16x50x64xf32, #tpu.memory_space<vmem>> -> memref<1x16x50x64xf32, #tpu.memory_space<vmem>>
    %dma_start3A_12 = tpu.memref_squeeze %dma_start3A_11 : memref<1x16x50x64xf32, #tpu.memory_space<vmem>> -> memref<16x50x64xf32, #tpu.memory_space<vmem>>
    %dma_start3A_13 = arith.constant 0 : i32
    %dma_start3A_14 = arith.constant 0 : i32
    %dma_start3A_15 = tpu.memref_slice %dma_start3A_12[%dma_start3A_7, %dma_start3A_13, %dma_start3A_14] : memref<16x50x64xf32, #tpu.memory_space<vmem>> -> memref<1x50x64xf32, #tpu.memory_space<vmem>>
    %dma_start3A_16 = tpu.memref_squeeze %dma_start3A_15 : memref<1x50x64xf32, #tpu.memory_space<vmem>> -> memref<50x64xf32, #tpu.memory_space<vmem>>
    %dma_start3A_17 = arith.constant 0 : i32
    %dma_start3A_18 = arith.constant 0 : i32
    %dma_start3A_19 = tpu.memref_slice %arg5[%dma_start3A, %dma_start3A_17, %dma_start3A_18] : memref<2x16x50xi32, #tpu.memory_space<vmem>> -> memref<1x16x50xi32, #tpu.memory_space<vmem>>
    %dma_start3A_20 = tpu.memref_squeeze %dma_start3A_19 : memref<1x16x50xi32, #tpu.memory_space<vmem>> -> memref<16x50xi32, #tpu.memory_space<vmem>>
    %dma_start3A_21 = arith.constant 0 : i32
    %dma_start3A_22 = tpu.memref_slice %dma_start3A_20[%dma_start3A_5, %dma_start3A_21] : memref<16x50xi32, #tpu.memory_space<vmem>> -> memref<1x50xi32, #tpu.memory_space<vmem>>
    %dma_start3A_23 = tpu.memref_squeeze %dma_start3A_22 : memref<1x50xi32, #tpu.memory_space<vmem>> -> memref<50xi32, #tpu.memory_space<vmem>>
    %dma_start3A_24 = arith.constant 0 : i32
    %dma_start3A_25 = arith.constant 0 : i32
    %dma_start3A_26 = tpu.memref_slice %arg3[%dma_start3A_24, %dma_start3A_25] : memref<1000000x64xf32, #tpu.memory_space<hbm>> -> memref<1000000x64xf32, #tpu.memory_space<hbm>>
    tpu.enqueue_indirect_dma source(%dma_start3A_26 : memref<1000000x64xf32, #tpu.memory_space<hbm>>) target(%dma_start3A_16 : memref<50x64xf32, #tpu.memory_space<vmem>>) offsets(%dma_start3A_23 : memref<50xi32, #tpu.memory_space<vmem>>) semaphore(%arg7 : memref<!tpu.dma_semaphore, #tpu.memory_space<semaphore_mem>>)
    %dma_start3A_27 = arith.constant 0 : i32
    %dma_start3A_28 = arith.constant 1 : i32
    %dma_start3A_29 = arith.constant 0 : i32
    %dma_start3A_30 = arith.constant 1 : i32
    %dma_start3A_31 = arith.constant 0 : i32
    %dma_start3A_32 = arith.constant 0 : i32
    %dma_start3A_33 = arith.constant 0 : i32
    %dma_start3A_34 = tpu.memref_slice %arg6[%dma_start3A_29, %dma_start3A_31, %dma_start3A_32, %dma_start3A_33] : memref<2x16x50x64xf32, #tpu.memory_space<vmem>> -> memref<1x16x50x64xf32, #tpu.memory_space<vmem>>
    %dma_start3A_35 = tpu.memref_squeeze %dma_start3A_34 : memref<1x16x50x64xf32, #tpu.memory_space<vmem>> -> memref<16x50x64xf32, #tpu.memory_space<vmem>>
    %dma_start3A_36 = arith.constant 0 : i32
    %dma_start3A_37 = arith.constant 0 : i32
    %dma_start3A_38 = tpu.memref_slice %dma_start3A_35[%dma_start3A_30, %dma_start3A_36, %dma_start3A_37] : memref<16x50x64xf32, #tpu.memory_space<vmem>> -> memref<1x50x64xf32, #tpu.memory_space<vmem>>
    %dma_start3A_39 = tpu.memref_squeeze %dma_start3A_38 : memref<1x50x64xf32, #tpu.memory_space<vmem>> -> memref<50x64xf32, #tpu.memory_space<vmem>>
    %dma_start3A_40 = arith.constant 0 : i32
    %dma_start3A_41 = arith.constant 0 : i32
    %dma_start3A_42 = tpu.memref_slice %arg5[%dma_start3A_27, %dma_start3A_40, %dma_start3A_41] : memref<2x16x50xi32, #tpu.memory_space<vmem>> -> memref<1x16x50xi32, #tpu.memory_space<vmem>>
    %dma_start3A_43 = tpu.memref_squeeze %dma_start3A_42 : memref<1x16x50xi32, #tpu.memory_space<vmem>> -> memref<16x50xi32, #tpu.memory_space<vmem>>
    %dma_start3A_44 = arith.constant 0 : i32
    %dma_start3A_45 = tpu.memref_slice %dma_start3A_43[%dma_start3A_28, %dma_start3A_44] : memref<16x50xi32, #tpu.memory_space<vmem>> -> memref<1x50xi32, #tpu.memory_space<vmem>>
    %dma_start3A_46 = tpu.memref_squeeze %dma_start3A_45 : memref<1x50xi32, #tpu.memory_space<vmem>> -> memref<50xi32, #tpu.memory_space<vmem>>
    %dma_start3A_47 = arith.constant 0 : i32
    %dma_start3A_48 = arith.constant 0 : i32
    %dma_start3A_49 = tpu.memref_slice %arg3[%dma_start3A_47, %dma_start3A_48] : memref<1000000x64xf32, #tpu.memory_space<hbm>> -> memref<1000000x64xf32, #tpu.memory_space<hbm>>
    tpu.enqueue_indirect_dma source(%dma_start3A_49 : memref<1000000x64xf32, #tpu.memory_space<hbm>>) target(%dma_start3A_39 : memref<50x64xf32, #tpu.memory_space<vmem>>) offsets(%dma_start3A_46 : memref<50xi32, #tpu.memory_space<vmem>>) semaphore(%arg7 : memref<!tpu.dma_semaphore, #tpu.memory_space<semaphore_mem>>)
    %dma_start3A_50 = arith.constant 0 : i32
    %dma_start3A_51 = arith.constant 2 : i32
    %dma_start3A_52 = arith.constant 0 : i32
    %dma_start3A_53 = arith.constant 2 : i32
    %dma_start3A_54 = arith.constant 0 : i32
    %dma_start3A_55 = arith.constant 0 : i32
    %dma_start3A_56 = arith.constant 0 : i32
    %dma_start3A_57 = tpu.memref_slice %arg6[%dma_start3A_52, %dma_start3A_54, %dma_start3A_55, %dma_start3A_56] : memref<2x16x50x64xf32, #tpu.memory_space<vmem>> -> memref<1x16x50x64xf32, #tpu.memory_space<vmem>>
    %dma_start3A_58 = tpu.memref_squeeze %dma_start3A_57 : memref<1x16x50x64xf32, #tpu.memory_space<vmem>> -> memref<16x50x64xf32, #tpu.memory_space<vmem>>
    %dma_start3A_59 = arith.constant 0 : i32
    %dma_start3A_60 = arith.constant 0 : i32
    %dma_start3A_61 = tpu.memref_slice %dma_start3A_58[%dma_start3A_53, %dma_start3A_59, %dma_start3A_60] : memref<16x50x64xf32, #tpu.memory_space<vmem>> -> memref<1x50x64xf32, #tpu.memory_space<vmem>>
    %dma_start3A_62 = tpu.memref_squeeze %dma_start3A_61 : memref<1x50x64xf32, #tpu.memory_space<vmem>> -> memref<50x64xf32, #tpu.memory_space<vmem>>
    %dma_start3A_63 = arith.constant 0 : i32
    %dma_start3A_64 = arith.constant 0 : i32
    %dma_start3A_65 = tpu.memref_slice %arg5[%dma_start3A_50, %dma_start3A_63, %dma_start3A_64] : memref<2x16x50xi32, #tpu.memory_space<vmem>> -> memref<1x16x50xi32, #tpu.memory_space<vmem>>
    %dma_start3A_66 = tpu.memref_squeeze %dma_start3A_65 : memref<1x16x50xi32, #tpu.memory_space<vmem>> -> memref<16x50xi32, #tpu.memory_space<vmem>>
    %dma_start3A_67 = arith.constant 0 : i32
    %dma_start3A_68 = tpu.memref_slice %dma_start3A_66[%dma_start3A_51, %dma_start3A_67] : memref<16x50xi32, #tpu.memory_space<vmem>> -> memref<1x50xi32, #tpu.memory_space<vmem>>
    %dma_start3A_69 = tpu.memref_squeeze %dma_start3A_68 : memref<1x50xi32, #tpu.memory_space<vmem>> -> memref<50xi32, #tpu.memory_space<vmem>>
    %dma_start3A_70 = arith.constant 0 : i32
    %dma_start3A_71 = arith.constant 0 : i32
    %dma_start3A_72 = tpu.memref_slice %arg3[%dma_start3A_70, %dma_start3A_71] : memref<1000000x64xf32, #tpu.memory_space<hbm>> -> memref<1000000x64xf32, #tpu.memory_space<hbm>>
    tpu.enqueue_indirect_dma source(%dma_start3A_72 : memref<1000000x64xf32, #tpu.memory_space<hbm>>) target(%dma_start3A_62 : memref<50x64xf32, #tpu.memory_space<vmem>>) offsets(%dma_start3A_69 : memref<50xi32, #tpu.memory_space<vmem>>) semaphore(%arg7 : memref<!tpu.dma_semaphore, #tpu.memory_space<semaphore_mem>>)
    %dma_start3A_73 = arith.constant 0 : i32
    %dma_start3A_74 = arith.constant 3 : i32
    %dma_start3A_75 = arith.constant 0 : i32
    %dma_start3A_76 = arith.constant 3 : i32
    %dma_start3A_77 = arith.constant 0 : i32
    %dma_start3A_78 = arith.constant 0 : i32
    %dma_start3A_79 = arith.constant 0 : i32
    %dma_start3A_80 = tpu.memref_slice %arg6[%dma_start3A_75, %dma_start3A_77, %dma_start3A_78, %dma_start3A_79] : memref<2x16x50x64xf32, #tpu.memory_space<vmem>> -> memref<1x16x50x64xf32, #tpu.memory_space<vmem>>
    %dma_start3A_81 = tpu.memref_squeeze %dma_start3A_80 : memref<1x16x50x64xf32, #tpu.memory_space<vmem>> -> memref<16x50x64xf32, #tpu.memory_space<vmem>>
    %dma_start3A_82 = arith.constant 0 : i32
    %dma_start3A_83 = arith.constant 0 : i32
    %dma_start3A_84 = tpu.memref_slice %dma_start3A_81[%dma_start3A_76, %dma_start3A_82, %dma_start3A_83] : memref<16x50x64xf32, #tpu.memory_space<vmem>> -> memref<1x50x64xf32, #tpu.memory_space<vmem>>
    %dma_start3A_85 = tpu.memref_squeeze %dma_start3A_84 : memref<1x50x64xf32, #tpu.memory_space<vmem>> -> memref<50x64xf32, #tpu.memory_space<vmem>>
    %dma_start3A_86 = arith.constant 0 : i32
    %dma_start3A_87 = arith.constant 0 : i32
    %dma_start3A_88 = tpu.memref_slice %arg5[%dma_start3A_73, %dma_start3A_86, %dma_start3A_87] : memref<2x16x50xi32, #tpu.memory_space<vmem>> -> memref<1x16x50xi32, #tpu.memory_space<vmem>>
    %dma_start3A_89 = tpu.memref_squeeze %dma_start3A_88 : memref<1x16x50xi32, #tpu.memory_space<vmem>> -> memref<16x50xi32, #tpu.memory_space<vmem>>
    %dma_start3A_90 = arith.constant 0 : i32
    %dma_start3A_91 = tpu.memref_slice %dma_start3A_89[%dma_start3A_74, %dma_start3A_90] : memref<16x50xi32, #tpu.memory_space<vmem>> -> memref<1x50xi32, #tpu.memory_space<vmem>>
    %dma_start3A_92 = tpu.memref_squeeze %dma_start3A_91 : memref<1x50xi32, #tpu.memory_space<vmem>> -> memref<50xi32, #tpu.memory_space<vmem>>
    %dma_start3A_93 = arith.constant 0 : i32
    %dma_start3A_94 = arith.constant 0 : i32
    %dma_start3A_95 = tpu.memref_slice %arg3[%dma_start3A_93, %dma_start3A_94] : memref<1000000x64xf32, #tpu.memory_space<hbm>> -> memref<1000000x64xf32, #tpu.memory_space<hbm>>
    tpu.enqueue_indirect_dma source(%dma_start3A_95 : memref<1000000x64xf32, #tpu.memory_space<hbm>>) target(%dma_start3A_85 : memref<50x64xf32, #tpu.memory_space<vmem>>) offsets(%dma_start3A_92 : memref<50xi32, #tpu.memory_space<vmem>>) semaphore(%arg7 : memref<!tpu.dma_semaphore, #tpu.memory_space<semaphore_mem>>)
    %dma_start3A_96 = arith.constant 0 : i32
    %dma_start3A_97 = arith.constant 4 : i32
    %dma_start3A_98 = arith.constant 0 : i32
    %dma_start3A_99 = arith.constant 4 : i32
    %dma_start3A_100 = arith.constant 0 : i32
    %dma_start3A_101 = arith.constant 0 : i32
    %dma_start3A_102 = arith.constant 0 : i32
    %dma_start3A_103 = tpu.memref_slice %arg6[%dma_start3A_98, %dma_start3A_100, %dma_start3A_101, %dma_start3A_102] : memref<2x16x50x64xf32, #tpu.memory_space<vmem>> -> memref<1x16x50x64xf32, #tpu.memory_space<vmem>>
    %dma_start3A_104 = tpu.memref_squeeze %dma_start3A_103 : memref<1x16x50x64xf32, #tpu.memory_space<vmem>> -> memref<16x50x64xf32, #tpu.memory_space<vmem>>
    %dma_start3A_105 = arith.constant 0 : i32
    %dma_start3A_106 = arith.constant 0 : i32
    %dma_start3A_107 = tpu.memref_slice %dma_start3A_104[%dma_start3A_99, %dma_start3A_105, %dma_start3A_106] : memref<16x50x64xf32, #tpu.memory_space<vmem>> -> memref<1x50x64xf32, #tpu.memory_space<vmem>>
    %dma_start3A_108 = tpu.memref_squeeze %dma_start3A_107 : memref<1x50x64xf32, #tpu.memory_space<vmem>> -> memref<50x64xf32, #tpu.memory_space<vmem>>
    %dma_start3A_109 = arith.constant 0 : i32
    %dma_start3A_110 = arith.constant 0 : i32
    %dma_start3A_111 = tpu.memref_slice %arg5[%dma_start3A_96, %dma_start3A_109, %dma_start3A_110] : memref<2x16x50xi32, #tpu.memory_space<vmem>> -> memref<1x16x50xi32, #tpu.memory_space<vmem>>
    %dma_start3A_112 = tpu.memref_squeeze %dma_start3A_111 : memref<1x16x50xi32, #tpu.memory_space<vmem>> -> memref<16x50xi32, #tpu.memory_space<vmem>>
    %dma_start3A_113 = arith.constant 0 : i32
    %dma_start3A_114 = tpu.memref_slice %dma_start3A_112[%dma_start3A_97, %dma_start3A_113] : memref<16x50xi32, #tpu.memory_space<vmem>> -> memref<1x50xi32, #tpu.memory_space<vmem>>
    %dma_start3A_115 = tpu.memref_squeeze %dma_start3A_114 : memref<1x50xi32, #tpu.memory_space<vmem>> -> memref<50xi32, #tpu.memory_space<vmem>>
    %dma_start3A_116 = arith.constant 0 : i32
    %dma_start3A_117 = arith.constant 0 : i32
    %dma_start3A_118 = tpu.memref_slice %arg3[%dma_start3A_116, %dma_start3A_117] : memref<1000000x64xf32, #tpu.memory_space<hbm>> -> memref<1000000x64xf32, #tpu.memory_space<hbm>>
    tpu.enqueue_indirect_dma source(%dma_start3A_118 : memref<1000000x64xf32, #tpu.memory_space<hbm>>) target(%dma_start3A_108 : memref<50x64xf32, #tpu.memory_space<vmem>>) offsets(%dma_start3A_115 : memref<50xi32, #tpu.memory_space<vmem>>) semaphore(%arg7 : memref<!tpu.dma_semaphore, #tpu.memory_space<semaphore_mem>>)
    %dma_start3A_119 = arith.constant 0 : i32
    %dma_start3A_120 = arith.constant 5 : i32
    %dma_start3A_121 = arith.constant 0 : i32
    %dma_start3A_122 = arith.constant 5 : i32
    %dma_start3A_123 = arith.constant 0 : i32
    %dma_start3A_124 = arith.constant 0 : i32
    %dma_start3A_125 = arith.constant 0 : i32
    %dma_start3A_126 = tpu.memref_slice %arg6[%dma_start3A_121, %dma_start3A_123, %dma_start3A_124, %dma_start3A_125] : memref<2x16x50x64xf32, #tpu.memory_space<vmem>> -> memref<1x16x50x64xf32, #tpu.memory_space<vmem>>
    %dma_start3A_127 = tpu.memref_squeeze %dma_start3A_126 : memref<1x16x50x64xf32, #tpu.memory_space<vmem>> -> memref<16x50x64xf32, #tpu.memory_space<vmem>>
    %dma_start3A_128 = arith.constant 0 : i32
    %dma_start3A_129 = arith.constant 0 : i32
    %dma_start3A_130 = tpu.memref_slice %dma_start3A_127[%dma_start3A_122, %dma_start3A_128, %dma_start3A_129] : memref<16x50x64xf32, #tpu.memory_space<vmem>> -> memref<1x50x64xf32, #tpu.memory_space<vmem>>
    %dma_start3A_131 = tpu.memref_squeeze %dma_start3A_130 : memref<1x50x64xf32, #tpu.memory_space<vmem>> -> memref<50x64xf32, #tpu.memory_space<vmem>>
    %dma_start3A_132 = arith.constant 0 : i32
    %dma_start3A_133 = arith.constant 0 : i32
    %dma_start3A_134 = tpu.memref_slice %arg5[%dma_start3A_119, %dma_start3A_132, %dma_start3A_133] : memref<2x16x50xi32, #tpu.memory_space<vmem>> -> memref<1x16x50xi32, #tpu.memory_space<vmem>>
    %dma_start3A_135 = tpu.memref_squeeze %dma_start3A_134 : memref<1x16x50xi32, #tpu.memory_space<vmem>> -> memref<16x50xi32, #tpu.memory_space<vmem>>
    %dma_start3A_136 = arith.constant 0 : i32
    %dma_start3A_137 = tpu.memref_slice %dma_start3A_135[%dma_start3A_120, %dma_start3A_136] : memref<16x50xi32, #tpu.memory_space<vmem>> -> memref<1x50xi32, #tpu.memory_space<vmem>>
    %dma_start3A_138 = tpu.memref_squeeze %dma_start3A_137 : memref<1x50xi32, #tpu.memory_space<vmem>> -> memref<50xi32, #tpu.memory_space<vmem>>
    %dma_start3A_139 = arith.constant 0 : i32
    %dma_start3A_140 = arith.constant 0 : i32
    %dma_start3A_141 = tpu.memref_slice %arg3[%dma_start3A_139, %dma_start3A_140] : memref<1000000x64xf32, #tpu.memory_space<hbm>> -> memref<1000000x64xf32, #tpu.memory_space<hbm>>
    tpu.enqueue_indirect_dma source(%dma_start3A_141 : memref<1000000x64xf32, #tpu.memory_space<hbm>>) target(%dma_start3A_131 : memref<50x64xf32, #tpu.memory_space<vmem>>) offsets(%dma_start3A_138 : memref<50xi32, #tpu.memory_space<vmem>>) semaphore(%arg7 : memref<!tpu.dma_semaphore, #tpu.memory_space<semaphore_mem>>)
    %dma_start3A_142 = arith.constant 0 : i32
    %dma_start3A_143 = arith.constant 6 : i32
    %dma_start3A_144 = arith.constant 0 : i32
    %dma_start3A_145 = arith.constant 6 : i32
    %dma_start3A_146 = arith.constant 0 : i32
    %dma_start3A_147 = arith.constant 0 : i32
    %dma_start3A_148 = arith.constant 0 : i32
    %dma_start3A_149 = tpu.memref_slice %arg6[%dma_start3A_144, %dma_start3A_146, %dma_start3A_147, %dma_start3A_148] : memref<2x16x50x64xf32, #tpu.memory_space<vmem>> -> memref<1x16x50x64xf32, #tpu.memory_space<vmem>>
    %dma_start3A_150 = tpu.memref_squeeze %dma_start3A_149 : memref<1x16x50x64xf32, #tpu.memory_space<vmem>> -> memref<16x50x64xf32, #tpu.memory_space<vmem>>
    %dma_start3A_151 = arith.constant 0 : i32
    %dma_start3A_152 = arith.constant 0 : i32
    %dma_start3A_153 = tpu.memref_slice %dma_start3A_150[%dma_start3A_145, %dma_start3A_151, %dma_start3A_152] : memref<16x50x64xf32, #tpu.memory_space<vmem>> -> memref<1x50x64xf32, #tpu.memory_space<vmem>>
    %dma_start3A_154 = tpu.memref_squeeze %dma_start3A_153 : memref<1x50x64xf32, #tpu.memory_space<vmem>> -> memref<50x64xf32, #tpu.memory_space<vmem>>
    %dma_start3A_155 = arith.constant 0 : i32
    %dma_start3A_156 = arith.constant 0 : i32
    %dma_start3A_157 = tpu.memref_slice %arg5[%dma_start3A_142, %dma_start3A_155, %dma_start3A_156] : memref<2x16x50xi32, #tpu.memory_space<vmem>> -> memref<1x16x50xi32, #tpu.memory_space<vmem>>
    %dma_start3A_158 = tpu.memref_squeeze %dma_start3A_157 : memref<1x16x50xi32, #tpu.memory_space<vmem>> -> memref<16x50xi32, #tpu.memory_space<vmem>>
    %dma_start3A_159 = arith.constant 0 : i32
    %dma_start3A_160 = tpu.memref_slice %dma_start3A_158[%dma_start3A_143, %dma_start3A_159] : memref<16x50xi32, #tpu.memory_space<vmem>> -> memref<1x50xi32, #tpu.memory_space<vmem>>
    %dma_start3A_161 = tpu.memref_squeeze %dma_start3A_160 : memref<1x50xi32, #tpu.memory_space<vmem>> -> memref<50xi32, #tpu.memory_space<vmem>>
    %dma_start3A_162 = arith.constant 0 : i32
    %dma_start3A_163 = arith.constant 0 : i32
    %dma_start3A_164 = tpu.memref_slice %arg3[%dma_start3A_162, %dma_start3A_163] : memref<1000000x64xf32, #tpu.memory_space<hbm>> -> memref<1000000x64xf32, #tpu.memory_space<hbm>>
    tpu.enqueue_indirect_dma source(%dma_start3A_164 : memref<1000000x64xf32, #tpu.memory_space<hbm>>) target(%dma_start3A_154 : memref<50x64xf32, #tpu.memory_space<vmem>>) offsets(%dma_start3A_161 : memref<50xi32, #tpu.memory_space<vmem>>) semaphore(%arg7 : memref<!tpu.dma_semaphore, #tpu.memory_space<semaphore_mem>>)
    %dma_start3A_165 = arith.constant 0 : i32
    %dma_start3A_166 = arith.constant 7 : i32
    %dma_start3A_167 = arith.constant 0 : i32
    %dma_start3A_168 = arith.constant 7 : i32
    %dma_start3A_169 = arith.constant 0 : i32
    %dma_start3A_170 = arith.constant 0 : i32
    %dma_start3A_171 = arith.constant 0 : i32
    %dma_start3A_172 = tpu.memref_slice %arg6[%dma_start3A_167, %dma_start3A_169, %dma_start3A_170, %dma_start3A_171] : memref<2x16x50x64xf32, #tpu.memory_space<vmem>> -> memref<1x16x50x64xf32, #tpu.memory_space<vmem>>
    %dma_start3A_173 = tpu.memref_squeeze %dma_start3A_172 : memref<1x16x50x64xf32, #tpu.memory_space<vmem>> -> memref<16x50x64xf32, #tpu.memory_space<vmem>>
    %dma_start3A_174 = arith.constant 0 : i32
    %dma_start3A_175 = arith.constant 0 : i32
    %dma_start3A_176 = tpu.memref_slice %dma_start3A_173[%dma_start3A_168, %dma_start3A_174, %dma_start3A_175] : memref<16x50x64xf32, #tpu.memory_space<vmem>> -> memref<1x50x64xf32, #tpu.memory_space<vmem>>
    %dma_start3A_177 = tpu.memref_squeeze %dma_start3A_176 : memref<1x50x64xf32, #tpu.memory_space<vmem>> -> memref<50x64xf32, #tpu.memory_space<vmem>>
    %dma_start3A_178 = arith.constant 0 : i32
    %dma_start3A_179 = arith.constant 0 : i32
    %dma_start3A_180 = tpu.memref_slice %arg5[%dma_start3A_165, %dma_start3A_178, %dma_start3A_179] : memref<2x16x50xi32, #tpu.memory_space<vmem>> -> memref<1x16x50xi32, #tpu.memory_space<vmem>>
    %dma_start3A_181 = tpu.memref_squeeze %dma_start3A_180 : memref<1x16x50xi32, #tpu.memory_space<vmem>> -> memref<16x50xi32, #tpu.memory_space<vmem>>
    %dma_start3A_182 = arith.constant 0 : i32
    %dma_start3A_183 = tpu.memref_slice %dma_start3A_181[%dma_start3A_166, %dma_start3A_182] : memref<16x50xi32, #tpu.memory_space<vmem>> -> memref<1x50xi32, #tpu.memory_space<vmem>>
    %dma_start3A_184 = tpu.memref_squeeze %dma_start3A_183 : memref<1x50xi32, #tpu.memory_space<vmem>> -> memref<50xi32, #tpu.memory_space<vmem>>
    %dma_start3A_185 = arith.constant 0 : i32
    %dma_start3A_186 = arith.constant 0 : i32
    %dma_start3A_187 = tpu.memref_slice %arg3[%dma_start3A_185, %dma_start3A_186] : memref<1000000x64xf32, #tpu.memory_space<hbm>> -> memref<1000000x64xf32, #tpu.memory_space<hbm>>
    tpu.enqueue_indirect_dma source(%dma_start3A_187 : memref<1000000x64xf32, #tpu.memory_space<hbm>>) target(%dma_start3A_177 : memref<50x64xf32, #tpu.memory_space<vmem>>) offsets(%dma_start3A_184 : memref<50xi32, #tpu.memory_space<vmem>>) semaphore(%arg7 : memref<!tpu.dma_semaphore, #tpu.memory_space<semaphore_mem>>)
    %dma_start3A_188 = arith.constant 0 : i32
    %dma_start3A_189 = arith.constant 8 : i32
    %dma_start3A_190 = arith.constant 0 : i32
    %dma_start3A_191 = arith.constant 8 : i32
    %dma_start3A_192 = arith.constant 0 : i32
    %dma_start3A_193 = arith.constant 0 : i32
    %dma_start3A_194 = arith.constant 0 : i32
    %dma_start3A_195 = tpu.memref_slice %arg6[%dma_start3A_190, %dma_start3A_192, %dma_start3A_193, %dma_start3A_194] : memref<2x16x50x64xf32, #tpu.memory_space<vmem>> -> memref<1x16x50x64xf32, #tpu.memory_space<vmem>>
    %dma_start3A_196 = tpu.memref_squeeze %dma_start3A_195 : memref<1x16x50x64xf32, #tpu.memory_space<vmem>> -> memref<16x50x64xf32, #tpu.memory_space<vmem>>
    %dma_start3A_197 = arith.constant 0 : i32
    %dma_start3A_198 = arith.constant 0 : i32
    %dma_start3A_199 = tpu.memref_slice %dma_start3A_196[%dma_start3A_191, %dma_start3A_197, %dma_start3A_198] : memref<16x50x64xf32, #tpu.memory_space<vmem>> -> memref<1x50x64xf32, #tpu.memory_space<vmem>>
    %dma_start3A_200 = tpu.memref_squeeze %dma_start3A_199 : memref<1x50x64xf32, #tpu.memory_space<vmem>> -> memref<50x64xf32, #tpu.memory_space<vmem>>
    %dma_start3A_201 = arith.constant 0 : i32
    %dma_start3A_202 = arith.constant 0 : i32
    %dma_start3A_203 = tpu.memref_slice %arg5[%dma_start3A_188, %dma_start3A_201, %dma_start3A_202] : memref<2x16x50xi32, #tpu.memory_space<vmem>> -> memref<1x16x50xi32, #tpu.memory_space<vmem>>
    %dma_start3A_204 = tpu.memref_squeeze %dma_start3A_203 : memref<1x16x50xi32, #tpu.memory_space<vmem>> -> memref<16x50xi32, #tpu.memory_space<vmem>>
    %dma_start3A_205 = arith.constant 0 : i32
    %dma_start3A_206 = tpu.memref_slice %dma_start3A_204[%dma_start3A_189, %dma_start3A_205] : memref<16x50xi32, #tpu.memory_space<vmem>> -> memref<1x50xi32, #tpu.memory_space<vmem>>
    %dma_start3A_207 = tpu.memref_squeeze %dma_start3A_206 : memref<1x50xi32, #tpu.memory_space<vmem>> -> memref<50xi32, #tpu.memory_space<vmem>>
    %dma_start3A_208 = arith.constant 0 : i32
    %dma_start3A_209 = arith.constant 0 : i32
    %dma_start3A_210 = tpu.memref_slice %arg3[%dma_start3A_208, %dma_start3A_209] : memref<1000000x64xf32, #tpu.memory_space<hbm>> -> memref<1000000x64xf32, #tpu.memory_space<hbm>>
    tpu.enqueue_indirect_dma source(%dma_start3A_210 : memref<1000000x64xf32, #tpu.memory_space<hbm>>) target(%dma_start3A_200 : memref<50x64xf32, #tpu.memory_space<vmem>>) offsets(%dma_start3A_207 : memref<50xi32, #tpu.memory_space<vmem>>) semaphore(%arg7 : memref<!tpu.dma_semaphore, #tpu.memory_space<semaphore_mem>>)
    %dma_start3A_211 = arith.constant 0 : i32
    %dma_start3A_212 = arith.constant 9 : i32
    %dma_start3A_213 = arith.constant 0 : i32
    %dma_start3A_214 = arith.constant 9 : i32
    %dma_start3A_215 = arith.constant 0 : i32
    %dma_start3A_216 = arith.constant 0 : i32
    %dma_start3A_217 = arith.constant 0 : i32
    %dma_start3A_218 = tpu.memref_slice %arg6[%dma_start3A_213, %dma_start3A_215, %dma_start3A_216, %dma_start3A_217] : memref<2x16x50x64xf32, #tpu.memory_space<vmem>> -> memref<1x16x50x64xf32, #tpu.memory_space<vmem>>
    %dma_start3A_219 = tpu.memref_squeeze %dma_start3A_218 : memref<1x16x50x64xf32, #tpu.memory_space<vmem>> -> memref<16x50x64xf32, #tpu.memory_space<vmem>>
    %dma_start3A_220 = arith.constant 0 : i32
    %dma_start3A_221 = arith.constant 0 : i32
    %dma_start3A_222 = tpu.memref_slice %dma_start3A_219[%dma_start3A_214, %dma_start3A_220, %dma_start3A_221] : memref<16x50x64xf32, #tpu.memory_space<vmem>> -> memref<1x50x64xf32, #tpu.memory_space<vmem>>
    %dma_start3A_223 = tpu.memref_squeeze %dma_start3A_222 : memref<1x50x64xf32, #tpu.memory_space<vmem>> -> memref<50x64xf32, #tpu.memory_space<vmem>>
    %dma_start3A_224 = arith.constant 0 : i32
    %dma_start3A_225 = arith.constant 0 : i32
    %dma_start3A_226 = tpu.memref_slice %arg5[%dma_start3A_211, %dma_start3A_224, %dma_start3A_225] : memref<2x16x50xi32, #tpu.memory_space<vmem>> -> memref<1x16x50xi32, #tpu.memory_space<vmem>>
    %dma_start3A_227 = tpu.memref_squeeze %dma_start3A_226 : memref<1x16x50xi32, #tpu.memory_space<vmem>> -> memref<16x50xi32, #tpu.memory_space<vmem>>
    %dma_start3A_228 = arith.constant 0 : i32
    %dma_start3A_229 = tpu.memref_slice %dma_start3A_227[%dma_start3A_212, %dma_start3A_228] : memref<16x50xi32, #tpu.memory_space<vmem>> -> memref<1x50xi32, #tpu.memory_space<vmem>>
    %dma_start3A_230 = tpu.memref_squeeze %dma_start3A_229 : memref<1x50xi32, #tpu.memory_space<vmem>> -> memref<50xi32, #tpu.memory_space<vmem>>
    %dma_start3A_231 = arith.constant 0 : i32
    %dma_start3A_232 = arith.constant 0 : i32
    %dma_start3A_233 = tpu.memref_slice %arg3[%dma_start3A_231, %dma_start3A_232] : memref<1000000x64xf32, #tpu.memory_space<hbm>> -> memref<1000000x64xf32, #tpu.memory_space<hbm>>
    tpu.enqueue_indirect_dma source(%dma_start3A_233 : memref<1000000x64xf32, #tpu.memory_space<hbm>>) target(%dma_start3A_223 : memref<50x64xf32, #tpu.memory_space<vmem>>) offsets(%dma_start3A_230 : memref<50xi32, #tpu.memory_space<vmem>>) semaphore(%arg7 : memref<!tpu.dma_semaphore, #tpu.memory_space<semaphore_mem>>)
    %dma_start3A_234 = arith.constant 0 : i32
    %dma_start3A_235 = arith.constant 10 : i32
    %dma_start3A_236 = arith.constant 0 : i32
    %dma_start3A_237 = arith.constant 10 : i32
    %dma_start3A_238 = arith.constant 0 : i32
    %dma_start3A_239 = arith.constant 0 : i32
    %dma_start3A_240 = arith.constant 0 : i32
    %dma_start3A_241 = tpu.memref_slice %arg6[%dma_start3A_236, %dma_start3A_238, %dma_start3A_239, %dma_start3A_240] : memref<2x16x50x64xf32, #tpu.memory_space<vmem>> -> memref<1x16x50x64xf32, #tpu.memory_space<vmem>>
    %dma_start3A_242 = tpu.memref_squeeze %dma_start3A_241 : memref<1x16x50x64xf32, #tpu.memory_space<vmem>> -> memref<16x50x64xf32, #tpu.memory_space<vmem>>
    %dma_start3A_243 = arith.constant 0 : i32
    %dma_start3A_244 = arith.constant 0 : i32
    %dma_start3A_245 = tpu.memref_slice %dma_start3A_242[%dma_start3A_237, %dma_start3A_243, %dma_start3A_244] : memref<16x50x64xf32, #tpu.memory_space<vmem>> -> memref<1x50x64xf32, #tpu.memory_space<vmem>>
    %dma_start3A_246 = tpu.memref_squeeze %dma_start3A_245 : memref<1x50x64xf32, #tpu.memory_space<vmem>> -> memref<50x64xf32, #tpu.memory_space<vmem>>
    %dma_start3A_247 = arith.constant 0 : i32
    %dma_start3A_248 = arith.constant 0 : i32
    %dma_start3A_249 = tpu.memref_slice %arg5[%dma_start3A_234, %dma_start3A_247, %dma_start3A_248] : memref<2x16x50xi32, #tpu.memory_space<vmem>> -> memref<1x16x50xi32, #tpu.memory_space<vmem>>
    %dma_start3A_250 = tpu.memref_squeeze %dma_start3A_249 : memref<1x16x50xi32, #tpu.memory_space<vmem>> -> memref<16x50xi32, #tpu.memory_space<vmem>>
    %dma_start3A_251 = arith.constant 0 : i32
    %dma_start3A_252 = tpu.memref_slice %dma_start3A_250[%dma_start3A_235, %dma_start3A_251] : memref<16x50xi32, #tpu.memory_space<vmem>> -> memref<1x50xi32, #tpu.memory_space<vmem>>
    %dma_start3A_253 = tpu.memref_squeeze %dma_start3A_252 : memref<1x50xi32, #tpu.memory_space<vmem>> -> memref<50xi32, #tpu.memory_space<vmem>>
    %dma_start3A_254 = arith.constant 0 : i32
    %dma_start3A_255 = arith.constant 0 : i32
    %dma_start3A_256 = tpu.memref_slice %arg3[%dma_start3A_254, %dma_start3A_255] : memref<1000000x64xf32, #tpu.memory_space<hbm>> -> memref<1000000x64xf32, #tpu.memory_space<hbm>>
    tpu.enqueue_indirect_dma source(%dma_start3A_256 : memref<1000000x64xf32, #tpu.memory_space<hbm>>) target(%dma_start3A_246 : memref<50x64xf32, #tpu.memory_space<vmem>>) offsets(%dma_start3A_253 : memref<50xi32, #tpu.memory_space<vmem>>) semaphore(%arg7 : memref<!tpu.dma_semaphore, #tpu.memory_space<semaphore_mem>>)
    %dma_start3A_257 = arith.constant 0 : i32
    %dma_start3A_258 = arith.constant 11 : i32
    %dma_start3A_259 = arith.constant 0 : i32
    %dma_start3A_260 = arith.constant 11 : i32
    %dma_start3A_261 = arith.constant 0 : i32
    %dma_start3A_262 = arith.constant 0 : i32
    %dma_start3A_263 = arith.constant 0 : i32
    %dma_start3A_264 = tpu.memref_slice %arg6[%dma_start3A_259, %dma_start3A_261, %dma_start3A_262, %dma_start3A_263] : memref<2x16x50x64xf32, #tpu.memory_space<vmem>> -> memref<1x16x50x64xf32, #tpu.memory_space<vmem>>
    %dma_start3A_265 = tpu.memref_squeeze %dma_start3A_264 : memref<1x16x50x64xf32, #tpu.memory_space<vmem>> -> memref<16x50x64xf32, #tpu.memory_space<vmem>>
    %dma_start3A_266 = arith.constant 0 : i32
    %dma_start3A_267 = arith.constant 0 : i32
    %dma_start3A_268 = tpu.memref_slice %dma_start3A_265[%dma_start3A_260, %dma_start3A_266, %dma_start3A_267] : memref<16x50x64xf32, #tpu.memory_space<vmem>> -> memref<1x50x64xf32, #tpu.memory_space<vmem>>
    %dma_start3A_269 = tpu.memref_squeeze %dma_start3A_268 : memref<1x50x64xf32, #tpu.memory_space<vmem>> -> memref<50x64xf32, #tpu.memory_space<vmem>>
    %dma_start3A_270 = arith.constant 0 : i32
    %dma_start3A_271 = arith.constant 0 : i32
    %dma_start3A_272 = tpu.memref_slice %arg5[%dma_start3A_257, %dma_start3A_270, %dma_start3A_271] : memref<2x16x50xi32, #tpu.memory_space<vmem>> -> memref<1x16x50xi32, #tpu.memory_space<vmem>>
    %dma_start3A_273 = tpu.memref_squeeze %dma_start3A_272 : memref<1x16x50xi32, #tpu.memory_space<vmem>> -> memref<16x50xi32, #tpu.memory_space<vmem>>
    %dma_start3A_274 = arith.constant 0 : i32
    %dma_start3A_275 = tpu.memref_slice %dma_start3A_273[%dma_start3A_258, %dma_start3A_274] : memref<16x50xi32, #tpu.memory_space<vmem>> -> memref<1x50xi32, #tpu.memory_space<vmem>>
    %dma_start3A_276 = tpu.memref_squeeze %dma_start3A_275 : memref<1x50xi32, #tpu.memory_space<vmem>> -> memref<50xi32, #tpu.memory_space<vmem>>
    %dma_start3A_277 = arith.constant 0 : i32
    %dma_start3A_278 = arith.constant 0 : i32
    %dma_start3A_279 = tpu.memref_slice %arg3[%dma_start3A_277, %dma_start3A_278] : memref<1000000x64xf32, #tpu.memory_space<hbm>> -> memref<1000000x64xf32, #tpu.memory_space<hbm>>
    tpu.enqueue_indirect_dma source(%dma_start3A_279 : memref<1000000x64xf32, #tpu.memory_space<hbm>>) target(%dma_start3A_269 : memref<50x64xf32, #tpu.memory_space<vmem>>) offsets(%dma_start3A_276 : memref<50xi32, #tpu.memory_space<vmem>>) semaphore(%arg7 : memref<!tpu.dma_semaphore, #tpu.memory_space<semaphore_mem>>)
    %dma_start3A_280 = arith.constant 0 : i32
    %dma_start3A_281 = arith.constant 12 : i32
    %dma_start3A_282 = arith.constant 0 : i32
    %dma_start3A_283 = arith.constant 12 : i32
    %dma_start3A_284 = arith.constant 0 : i32
    %dma_start3A_285 = arith.constant 0 : i32
    %dma_start3A_286 = arith.constant 0 : i32
    %dma_start3A_287 = tpu.memref_slice %arg6[%dma_start3A_282, %dma_start3A_284, %dma_start3A_285, %dma_start3A_286] : memref<2x16x50x64xf32, #tpu.memory_space<vmem>> -> memref<1x16x50x64xf32, #tpu.memory_space<vmem>>
    %dma_start3A_288 = tpu.memref_squeeze %dma_start3A_287 : memref<1x16x50x64xf32, #tpu.memory_space<vmem>> -> memref<16x50x64xf32, #tpu.memory_space<vmem>>
    %dma_start3A_289 = arith.constant 0 : i32
    %dma_start3A_290 = arith.constant 0 : i32
    %dma_start3A_291 = tpu.memref_slice %dma_start3A_288[%dma_start3A_283, %dma_start3A_289, %dma_start3A_290] : memref<16x50x64xf32, #tpu.memory_space<vmem>> -> memref<1x50x64xf32, #tpu.memory_space<vmem>>
    %dma_start3A_292 = tpu.memref_squeeze %dma_start3A_291 : memref<1x50x64xf32, #tpu.memory_space<vmem>> -> memref<50x64xf32, #tpu.memory_space<vmem>>
    %dma_start3A_293 = arith.constant 0 : i32
    %dma_start3A_294 = arith.constant 0 : i32
    %dma_start3A_295 = tpu.memref_slice %arg5[%dma_start3A_280, %dma_start3A_293, %dma_start3A_294] : memref<2x16x50xi32, #tpu.memory_space<vmem>> -> memref<1x16x50xi32, #tpu.memory_space<vmem>>
    %dma_start3A_296 = tpu.memref_squeeze %dma_start3A_295 : memref<1x16x50xi32, #tpu.memory_space<vmem>> -> memref<16x50xi32, #tpu.memory_space<vmem>>
    %dma_start3A_297 = arith.constant 0 : i32
    %dma_start3A_298 = tpu.memref_slice %dma_start3A_296[%dma_start3A_281, %dma_start3A_297] : memref<16x50xi32, #tpu.memory_space<vmem>> -> memref<1x50xi32, #tpu.memory_space<vmem>>
    %dma_start3A_299 = tpu.memref_squeeze %dma_start3A_298 : memref<1x50xi32, #tpu.memory_space<vmem>> -> memref<50xi32, #tpu.memory_space<vmem>>
    %dma_start3A_300 = arith.constant 0 : i32
    %dma_start3A_301 = arith.constant 0 : i32
    %dma_start3A_302 = tpu.memref_slice %arg3[%dma_start3A_300, %dma_start3A_301] : memref<1000000x64xf32, #tpu.memory_space<hbm>> -> memref<1000000x64xf32, #tpu.memory_space<hbm>>
    tpu.enqueue_indirect_dma source(%dma_start3A_302 : memref<1000000x64xf32, #tpu.memory_space<hbm>>) target(%dma_start3A_292 : memref<50x64xf32, #tpu.memory_space<vmem>>) offsets(%dma_start3A_299 : memref<50xi32, #tpu.memory_space<vmem>>) semaphore(%arg7 : memref<!tpu.dma_semaphore, #tpu.memory_space<semaphore_mem>>)
    %dma_start3A_303 = arith.constant 0 : i32
    %dma_start3A_304 = arith.constant 13 : i32
    %dma_start3A_305 = arith.constant 0 : i32
    %dma_start3A_306 = arith.constant 13 : i32
    %dma_start3A_307 = arith.constant 0 : i32
    %dma_start3A_308 = arith.constant 0 : i32
    %dma_start3A_309 = arith.constant 0 : i32
    %dma_start3A_310 = tpu.memref_slice %arg6[%dma_start3A_305, %dma_start3A_307, %dma_start3A_308, %dma_start3A_309] : memref<2x16x50x64xf32, #tpu.memory_space<vmem>> -> memref<1x16x50x64xf32, #tpu.memory_space<vmem>>
    %dma_start3A_311 = tpu.memref_squeeze %dma_start3A_310 : memref<1x16x50x64xf32, #tpu.memory_space<vmem>> -> memref<16x50x64xf32, #tpu.memory_space<vmem>>
    %dma_start3A_312 = arith.constant 0 : i32
    %dma_start3A_313 = arith.constant 0 : i32
    %dma_start3A_314 = tpu.memref_slice %dma_start3A_311[%dma_start3A_306, %dma_start3A_312, %dma_start3A_313] : memref<16x50x64xf32, #tpu.memory_space<vmem>> -> memref<1x50x64xf32, #tpu.memory_space<vmem>>
    %dma_start3A_315 = tpu.memref_squeeze %dma_start3A_314 : memref<1x50x64xf32, #tpu.memory_space<vmem>> -> memref<50x64xf32, #tpu.memory_space<vmem>>
    %dma_start3A_316 = arith.constant 0 : i32
    %dma_start3A_317 = arith.constant 0 : i32
    %dma_start3A_318 = tpu.memref_slice %arg5[%dma_start3A_303, %dma_start3A_316, %dma_start3A_317] : memref<2x16x50xi32, #tpu.memory_space<vmem>> -> memref<1x16x50xi32, #tpu.memory_space<vmem>>
    %dma_start3A_319 = tpu.memref_squeeze %dma_start3A_318 : memref<1x16x50xi32, #tpu.memory_space<vmem>> -> memref<16x50xi32, #tpu.memory_space<vmem>>
    %dma_start3A_320 = arith.constant 0 : i32
    %dma_start3A_321 = tpu.memref_slice %dma_start3A_319[%dma_start3A_304, %dma_start3A_320] : memref<16x50xi32, #tpu.memory_space<vmem>> -> memref<1x50xi32, #tpu.memory_space<vmem>>
    %dma_start3A_322 = tpu.memref_squeeze %dma_start3A_321 : memref<1x50xi32, #tpu.memory_space<vmem>> -> memref<50xi32, #tpu.memory_space<vmem>>
    %dma_start3A_323 = arith.constant 0 : i32
    %dma_start3A_324 = arith.constant 0 : i32
    %dma_start3A_325 = tpu.memref_slice %arg3[%dma_start3A_323, %dma_start3A_324] : memref<1000000x64xf32, #tpu.memory_space<hbm>> -> memref<1000000x64xf32, #tpu.memory_space<hbm>>
    tpu.enqueue_indirect_dma source(%dma_start3A_325 : memref<1000000x64xf32, #tpu.memory_space<hbm>>) target(%dma_start3A_315 : memref<50x64xf32, #tpu.memory_space<vmem>>) offsets(%dma_start3A_322 : memref<50xi32, #tpu.memory_space<vmem>>) semaphore(%arg7 : memref<!tpu.dma_semaphore, #tpu.memory_space<semaphore_mem>>)
    %dma_start3A_326 = arith.constant 0 : i32
    %dma_start3A_327 = arith.constant 14 : i32
    %dma_start3A_328 = arith.constant 0 : i32
    %dma_start3A_329 = arith.constant 14 : i32
    %dma_start3A_330 = arith.constant 0 : i32
    %dma_start3A_331 = arith.constant 0 : i32
    %dma_start3A_332 = arith.constant 0 : i32
    %dma_start3A_333 = tpu.memref_slice %arg6[%dma_start3A_328, %dma_start3A_330, %dma_start3A_331, %dma_start3A_332] : memref<2x16x50x64xf32, #tpu.memory_space<vmem>> -> memref<1x16x50x64xf32, #tpu.memory_space<vmem>>
    %dma_start3A_334 = tpu.memref_squeeze %dma_start3A_333 : memref<1x16x50x64xf32, #tpu.memory_space<vmem>> -> memref<16x50x64xf32, #tpu.memory_space<vmem>>
    %dma_start3A_335 = arith.constant 0 : i32
    %dma_start3A_336 = arith.constant 0 : i32
    %dma_start3A_337 = tpu.memref_slice %dma_start3A_334[%dma_start3A_329, %dma_start3A_335, %dma_start3A_336] : memref<16x50x64xf32, #tpu.memory_space<vmem>> -> memref<1x50x64xf32, #tpu.memory_space<vmem>>
    %dma_start3A_338 = tpu.memref_squeeze %dma_start3A_337 : memref<1x50x64xf32, #tpu.memory_space<vmem>> -> memref<50x64xf32, #tpu.memory_space<vmem>>
    %dma_start3A_339 = arith.constant 0 : i32
    %dma_start3A_340 = arith.constant 0 : i32
    %dma_start3A_341 = tpu.memref_slice %arg5[%dma_start3A_326, %dma_start3A_339, %dma_start3A_340] : memref<2x16x50xi32, #tpu.memory_space<vmem>> -> memref<1x16x50xi32, #tpu.memory_space<vmem>>
    %dma_start3A_342 = tpu.memref_squeeze %dma_start3A_341 : memref<1x16x50xi32, #tpu.memory_space<vmem>> -> memref<16x50xi32, #tpu.memory_space<vmem>>
    %dma_start3A_343 = arith.constant 0 : i32
    %dma_start3A_344 = tpu.memref_slice %dma_start3A_342[%dma_start3A_327, %dma_start3A_343] : memref<16x50xi32, #tpu.memory_space<vmem>> -> memref<1x50xi32, #tpu.memory_space<vmem>>
    %dma_start3A_345 = tpu.memref_squeeze %dma_start3A_344 : memref<1x50xi32, #tpu.memory_space<vmem>> -> memref<50xi32, #tpu.memory_space<vmem>>
    %dma_start3A_346 = arith.constant 0 : i32
    %dma_start3A_347 = arith.constant 0 : i32
    %dma_start3A_348 = tpu.memref_slice %arg3[%dma_start3A_346, %dma_start3A_347] : memref<1000000x64xf32, #tpu.memory_space<hbm>> -> memref<1000000x64xf32, #tpu.memory_space<hbm>>
    tpu.enqueue_indirect_dma source(%dma_start3A_348 : memref<1000000x64xf32, #tpu.memory_space<hbm>>) target(%dma_start3A_338 : memref<50x64xf32, #tpu.memory_space<vmem>>) offsets(%dma_start3A_345 : memref<50xi32, #tpu.memory_space<vmem>>) semaphore(%arg7 : memref<!tpu.dma_semaphore, #tpu.memory_space<semaphore_mem>>)
    %dma_start3A_349 = arith.constant 0 : i32
    %dma_start3A_350 = arith.constant 15 : i32
    %dma_start3A_351 = arith.constant 0 : i32
    %dma_start3A_352 = arith.constant 15 : i32
    %dma_start3A_353 = arith.constant 0 : i32
    %dma_start3A_354 = arith.constant 0 : i32
    %dma_start3A_355 = arith.constant 0 : i32
    %dma_start3A_356 = tpu.memref_slice %arg6[%dma_start3A_351, %dma_start3A_353, %dma_start3A_354, %dma_start3A_355] : memref<2x16x50x64xf32, #tpu.memory_space<vmem>> -> memref<1x16x50x64xf32, #tpu.memory_space<vmem>>
    %dma_start3A_357 = tpu.memref_squeeze %dma_start3A_356 : memref<1x16x50x64xf32, #tpu.memory_space<vmem>> -> memref<16x50x64xf32, #tpu.memory_space<vmem>>
    %dma_start3A_358 = arith.constant 0 : i32
    %dma_start3A_359 = arith.constant 0 : i32
    %dma_start3A_360 = tpu.memref_slice %dma_start3A_357[%dma_start3A_352, %dma_start3A_358, %dma_start3A_359] : memref<16x50x64xf32, #tpu.memory_space<vmem>> -> memref<1x50x64xf32, #tpu.memory_space<vmem>>
    %dma_start3A_361 = tpu.memref_squeeze %dma_start3A_360 : memref<1x50x64xf32, #tpu.memory_space<vmem>> -> memref<50x64xf32, #tpu.memory_space<vmem>>
    %dma_start3A_362 = arith.constant 0 : i32
    %dma_start3A_363 = arith.constant 0 : i32
    %dma_start3A_364 = tpu.memref_slice %arg5[%dma_start3A_349, %dma_start3A_362, %dma_start3A_363] : memref<2x16x50xi32, #tpu.memory_space<vmem>> -> memref<1x16x50xi32, #tpu.memory_space<vmem>>
    %dma_start3A_365 = tpu.memref_squeeze %dma_start3A_364 : memref<1x16x50xi32, #tpu.memory_space<vmem>> -> memref<16x50xi32, #tpu.memory_space<vmem>>
    %dma_start3A_366 = arith.constant 0 : i32
    %dma_start3A_367 = tpu.memref_slice %dma_start3A_365[%dma_start3A_350, %dma_start3A_366] : memref<16x50xi32, #tpu.memory_space<vmem>> -> memref<1x50xi32, #tpu.memory_space<vmem>>
    %dma_start3A_368 = tpu.memref_squeeze %dma_start3A_367 : memref<1x50xi32, #tpu.memory_space<vmem>> -> memref<50xi32, #tpu.memory_space<vmem>>
    %dma_start3A_369 = arith.constant 0 : i32
    %dma_start3A_370 = arith.constant 0 : i32
    %dma_start3A_371 = tpu.memref_slice %arg3[%dma_start3A_369, %dma_start3A_370] : memref<1000000x64xf32, #tpu.memory_space<hbm>> -> memref<1000000x64xf32, #tpu.memory_space<hbm>>
    tpu.enqueue_indirect_dma source(%dma_start3A_371 : memref<1000000x64xf32, #tpu.memory_space<hbm>>) target(%dma_start3A_361 : memref<50x64xf32, #tpu.memory_space<vmem>>) offsets(%dma_start3A_368 : memref<50xi32, #tpu.memory_space<vmem>>) semaphore(%arg7 : memref<!tpu.dma_semaphore, #tpu.memory_space<semaphore_mem>>)
    %scan3A = arith.constant 0 : i32
    %scan3A_372 = arith.constant 0 : i32
    %scan3A_373 = arith.constant 16 : i32
    %scan3A_374 = arith.addi %scan3A_372, %scan3A_373 : i32
    %scan3A_375 = arith.constant 1 : i32
    scf.for %scan3A_377 = %scan3A_372 to %scan3A_374 step %scan3A_375  : i32 {
      %mul3A_378 = arith.constant 2 : i32
      %mul3A_379 = arith.muli %scan3A_377, %mul3A_378 : i32
      %add3A_380 = arith.constant 0 : i32
      %add3A_381 = arith.addi %mul3A_379, %add3A_380 : i32
      %add3A_382 = arith.constant 1 : i32
      %add3A_383 = arith.addi %add3A_381, %add3A_382 : i32
      %lt3A = arith.constant 32 : i32
      %lt3A_384 = arith.cmpi slt, %add3A_383, %lt3A : i32
      %convert_element_type3A = arith.extui %lt3A_384 : i1 to i32
      %cond3A = arith.constant 0 : i32
      %cond3A_385 = arith.cmpi ne, %convert_element_type3A, %cond3A : i32
      scf.if %cond3A_385 {
        %add3A_1238 = arith.constant 1 : i32
        %add3A_1239 = arith.addi %add3A_381, %add3A_1238 : i32
        %mul3A_1240 = arith.constant 16 : i32
        %mul3A_1241 = arith.muli %add3A_1239, %mul3A_1240 : i32
        %add3A_1242 = arith.addi %mul3A_2, %mul3A_1241 : i32
        %multiple_of3A_1243 = tpu.assume_multiple %add3A_1242, 16 : i32
        %run_scoped3A_1244 = arith.constant 1 : i32
        "tpu.region"() ({
          %run_scoped3A_1613 = tpu.sem_alloc : memref<!tpu.dma_semaphore, #tpu.memory_space<semaphore_mem>>
          %dma_start3A_1614 = arith.constant 0 : i32
          %dma_start3A_1615 = arith.constant 0 : i32
          %dma_start3A_1616 = tpu.memref_slice %arg5[%run_scoped3A_1244, %dma_start3A_1614, %dma_start3A_1615] : memref<2x16x50xi32, #tpu.memory_space<vmem>> -> memref<1x16x50xi32, #tpu.memory_space<vmem>>
          %dma_start3A_1617 = tpu.memref_squeeze %dma_start3A_1616 : memref<1x16x50xi32, #tpu.memory_space<vmem>> -> memref<16x50xi32, #tpu.memory_space<vmem>>
          %dma_start3A_1618 = arith.constant 0 : i32
          %dma_start3A_1619 = tpu.memref_slice %arg2[%multiple_of3A_1243, %dma_start3A_1618] : memref<16384x50xi32, #tpu.memory_space<hbm>> -> memref<16x50xi32, #tpu.memory_space<hbm>>
          %dma_start3A_1620 = arith.constant 0 : i32
          %dma_start3A_1621 = arith.constant 0 : i32
          %dma_start3A_1622 = tpu.memref_slice %arg5[%run_scoped3A_1244, %dma_start3A_1620, %dma_start3A_1621] : memref<2x16x50xi32, #tpu.memory_space<vmem>> -> memref<1x16x50xi32, #tpu.memory_space<vmem>>
          %dma_start3A_1623 = tpu.memref_squeeze %dma_start3A_1622 : memref<1x16x50xi32, #tpu.memory_space<vmem>> -> memref<16x50xi32, #tpu.memory_space<vmem>>
          %dma_start3A_1624 = arith.constant 0 : i32
          %dma_start3A_1625 = tpu.memref_slice %arg2[%multiple_of3A_1243, %dma_start3A_1624] : memref<16384x50xi32, #tpu.memory_space<hbm>> -> memref<16x50xi32, #tpu.memory_space<hbm>>
          tpu.enqueue_dma source(%dma_start3A_1625 : memref<16x50xi32, #tpu.memory_space<hbm>>) target(%dma_start3A_1623 : memref<16x50xi32, #tpu.memory_space<vmem>>) target_semaphore(%run_scoped3A_1613 : memref<!tpu.dma_semaphore, #tpu.memory_space<semaphore_mem>>)
          %dma_wait3A_1626 = arith.constant 0 : i32
          %dma_wait3A_1627 = arith.constant 0 : i32
          %dma_wait3A_1628 = tpu.memref_slice %arg5[%run_scoped3A_1244, %dma_wait3A_1626, %dma_wait3A_1627] : memref<2x16x50xi32, #tpu.memory_space<vmem>> -> memref<1x16x50xi32, #tpu.memory_space<vmem>>
          %dma_wait3A_1629 = tpu.memref_squeeze %dma_wait3A_1628 : memref<1x16x50xi32, #tpu.memory_space<vmem>> -> memref<16x50xi32, #tpu.memory_space<vmem>>
          %dma_wait3A_1630 = arith.constant 0 : i32
          %dma_wait3A_1631 = tpu.memref_slice %arg2[%multiple_of3A_1243, %dma_wait3A_1630] : memref<16384x50xi32, #tpu.memory_space<hbm>> -> memref<16x50xi32, #tpu.memory_space<hbm>>
          %dma_wait3A_1632 = arith.constant 0 : i32
          %dma_wait3A_1633 = arith.constant 0 : i32
          %dma_wait3A_1634 = tpu.memref_slice %arg5[%run_scoped3A_1244, %dma_wait3A_1632, %dma_wait3A_1633] : memref<2x16x50xi32, #tpu.memory_space<vmem>> -> memref<1x16x50xi32, #tpu.memory_space<vmem>>
          %dma_wait3A_1635 = tpu.memref_squeeze %dma_wait3A_1634 : memref<1x16x50xi32, #tpu.memory_space<vmem>> -> memref<16x50xi32, #tpu.memory_space<vmem>>
          %dma_wait3A_1636 = arith.constant 0 : i32
          %dma_wait3A_1637 = tpu.memref_slice %arg2[%multiple_of3A_1243, %dma_wait3A_1636] : memref<16384x50xi32, #tpu.memory_space<hbm>> -> memref<16x50xi32, #tpu.memory_space<hbm>>
          tpu.wait_dma2 semaphore(%run_scoped3A_1613 : memref<!tpu.dma_semaphore, #tpu.memory_space<semaphore_mem>>) src(%dma_wait3A_1637 : memref<16x50xi32, #tpu.memory_space<hbm>>) dst(%dma_wait3A_1635 : memref<16x50xi32, #tpu.memory_space<vmem>>)
          tpu.yield
        }) : () -> ()
        %dma_start3A_1245 = arith.constant 1 : i32
        %dma_start3A_1246 = arith.constant 0 : i32
        %dma_start3A_1247 = arith.constant 1 : i32
        %dma_start3A_1248 = arith.constant 0 : i32
        %dma_start3A_1249 = arith.constant 0 : i32
        %dma_start3A_1250 = arith.constant 0 : i32
        %dma_start3A_1251 = arith.constant 0 : i32
        %dma_start3A_1252 = tpu.memref_slice %arg6[%dma_start3A_1247, %dma_start3A_1249, %dma_start3A_1250, %dma_start3A_1251] : memref<2x16x50x64xf32, #tpu.memory_space<vmem>> -> memref<1x16x50x64xf32, #tpu.memory_space<vmem>>
        %dma_start3A_1253 = tpu.memref_squeeze %dma_start3A_1252 : memref<1x16x50x64xf32, #tpu.memory_space<vmem>> -> memref<16x50x64xf32, #tpu.memory_space<vmem>>
        %dma_start3A_1254 = arith.constant 0 : i32
        %dma_start3A_1255 = arith.constant 0 : i32
        %dma_start3A_1256 = tpu.memref_slice %dma_start3A_1253[%dma_start3A_1248, %dma_start3A_1254, %dma_start3A_1255] : memref<16x50x64xf32, #tpu.memory_space<vmem>> -> memref<1x50x64xf32, #tpu.memory_space<vmem>>
        %dma_start3A_1257 = tpu.memref_squeeze %dma_start3A_1256 : memref<1x50x64xf32, #tpu.memory_space<vmem>> -> memref<50x64xf32, #tpu.memory_space<vmem>>
        %dma_start3A_1258 = arith.constant 0 : i32
        %dma_start3A_1259 = arith.constant 0 : i32
        %dma_start3A_1260 = tpu.memref_slice %arg5[%dma_start3A_1245, %dma_start3A_1258, %dma_start3A_1259] : memref<2x16x50xi32, #tpu.memory_space<vmem>> -> memref<1x16x50xi32, #tpu.memory_space<vmem>>
        %dma_start3A_1261 = tpu.memref_squeeze %dma_start3A_1260 : memref<1x16x50xi32, #tpu.memory_space<vmem>> -> memref<16x50xi32, #tpu.memory_space<vmem>>
        %dma_start3A_1262 = arith.constant 0 : i32
        %dma_start3A_1263 = tpu.memref_slice %dma_start3A_1261[%dma_start3A_1246, %dma_start3A_1262] : memref<16x50xi32, #tpu.memory_space<vmem>> -> memref<1x50xi32, #tpu.memory_space<vmem>>
        %dma_start3A_1264 = tpu.memref_squeeze %dma_start3A_1263 : memref<1x50xi32, #tpu.memory_space<vmem>> -> memref<50xi32, #tpu.memory_space<vmem>>
        %dma_start3A_1265 = arith.constant 0 : i32
        %dma_start3A_1266 = arith.constant 0 : i32
        %dma_start3A_1267 = tpu.memref_slice %arg3[%dma_start3A_1265, %dma_start3A_1266] : memref<1000000x64xf32, #tpu.memory_space<hbm>> -> memref<1000000x64xf32, #tpu.memory_space<hbm>>
        tpu.enqueue_indirect_dma source(%dma_start3A_1267 : memref<1000000x64xf32, #tpu.memory_space<hbm>>) target(%dma_start3A_1257 : memref<50x64xf32, #tpu.memory_space<vmem>>) offsets(%dma_start3A_1264 : memref<50xi32, #tpu.memory_space<vmem>>) semaphore(%arg8 : memref<!tpu.dma_semaphore, #tpu.memory_space<semaphore_mem>>)
        %dma_start3A_1268 = arith.constant 1 : i32
        %dma_start3A_1269 = arith.constant 1 : i32
        %dma_start3A_1270 = arith.constant 1 : i32
        %dma_start3A_1271 = arith.constant 1 : i32
        %dma_start3A_1272 = arith.constant 0 : i32
        %dma_start3A_1273 = arith.constant 0 : i32
        %dma_start3A_1274 = arith.constant 0 : i32
        %dma_start3A_1275 = tpu.memref_slice %arg6[%dma_start3A_1270, %dma_start3A_1272, %dma_start3A_1273, %dma_start3A_1274] : memref<2x16x50x64xf32, #tpu.memory_space<vmem>> -> memref<1x16x50x64xf32, #tpu.memory_space<vmem>>
        %dma_start3A_1276 = tpu.memref_squeeze %dma_start3A_1275 : memref<1x16x50x64xf32, #tpu.memory_space<vmem>> -> memref<16x50x64xf32, #tpu.memory_space<vmem>>
        %dma_start3A_1277 = arith.constant 0 : i32
        %dma_start3A_1278 = arith.constant 0 : i32
        %dma_start3A_1279 = tpu.memref_slice %dma_start3A_1276[%dma_start3A_1271, %dma_start3A_1277, %dma_start3A_1278] : memref<16x50x64xf32, #tpu.memory_space<vmem>> -> memref<1x50x64xf32, #tpu.memory_space<vmem>>
        %dma_start3A_1280 = tpu.memref_squeeze %dma_start3A_1279 : memref<1x50x64xf32, #tpu.memory_space<vmem>> -> memref<50x64xf32, #tpu.memory_space<vmem>>
        %dma_start3A_1281 = arith.constant 0 : i32
        %dma_start3A_1282 = arith.constant 0 : i32
        %dma_start3A_1283 = tpu.memref_slice %arg5[%dma_start3A_1268, %dma_start3A_1281, %dma_start3A_1282] : memref<2x16x50xi32, #tpu.memory_space<vmem>> -> memref<1x16x50xi32, #tpu.memory_space<vmem>>
        %dma_start3A_1284 = tpu.memref_squeeze %dma_start3A_1283 : memref<1x16x50xi32, #tpu.memory_space<vmem>> -> memref<16x50xi32, #tpu.memory_space<vmem>>
        %dma_start3A_1285 = arith.constant 0 : i32
        %dma_start3A_1286 = tpu.memref_slice %dma_start3A_1284[%dma_start3A_1269, %dma_start3A_1285] : memref<16x50xi32, #tpu.memory_space<vmem>> -> memref<1x50xi32, #tpu.memory_space<vmem>>
        %dma_start3A_1287 = tpu.memref_squeeze %dma_start3A_1286 : memref<1x50xi32, #tpu.memory_space<vmem>> -> memref<50xi32, #tpu.memory_space<vmem>>
        %dma_start3A_1288 = arith.constant 0 : i32
        %dma_start3A_1289 = arith.constant 0 : i32
        %dma_start3A_1290 = tpu.memref_slice %arg3[%dma_start3A_1288, %dma_start3A_1289] : memref<1000000x64xf32, #tpu.memory_space<hbm>> -> memref<1000000x64xf32, #tpu.memory_space<hbm>>
        tpu.enqueue_indirect_dma source(%dma_start3A_1290 : memref<1000000x64xf32, #tpu.memory_space<hbm>>) target(%dma_start3A_1280 : memref<50x64xf32, #tpu.memory_space<vmem>>) offsets(%dma_start3A_1287 : memref<50xi32, #tpu.memory_space<vmem>>) semaphore(%arg8 : memref<!tpu.dma_semaphore, #tpu.memory_space<semaphore_mem>>)
        %dma_start3A_1291 = arith.constant 1 : i32
        %dma_start3A_1292 = arith.constant 2 : i32
        %dma_start3A_1293 = arith.constant 1 : i32
        %dma_start3A_1294 = arith.constant 2 : i32
        %dma_start3A_1295 = arith.constant 0 : i32
        %dma_start3A_1296 = arith.constant 0 : i32
        %dma_start3A_1297 = arith.constant 0 : i32
        %dma_start3A_1298 = tpu.memref_slice %arg6[%dma_start3A_1293, %dma_start3A_1295, %dma_start3A_1296, %dma_start3A_1297] : memref<2x16x50x64xf32, #tpu.memory_space<vmem>> -> memref<1x16x50x64xf32, #tpu.memory_space<vmem>>
        %dma_start3A_1299 = tpu.memref_squeeze %dma_start3A_1298 : memref<1x16x50x64xf32, #tpu.memory_space<vmem>> -> memref<16x50x64xf32, #tpu.memory_space<vmem>>
        %dma_start3A_1300 = arith.constant 0 : i32
        %dma_start3A_1301 = arith.constant 0 : i32
        %dma_start3A_1302 = tpu.memref_slice %dma_start3A_1299[%dma_start3A_1294, %dma_start3A_1300, %dma_start3A_1301] : memref<16x50x64xf32, #tpu.memory_space<vmem>> -> memref<1x50x64xf32, #tpu.memory_space<vmem>>
        %dma_start3A_1303 = tpu.memref_squeeze %dma_start3A_1302 : memref<1x50x64xf32, #tpu.memory_space<vmem>> -> memref<50x64xf32, #tpu.memory_space<vmem>>
        %dma_start3A_1304 = arith.constant 0 : i32
        %dma_start3A_1305 = arith.constant 0 : i32
        %dma_start3A_1306 = tpu.memref_slice %arg5[%dma_start3A_1291, %dma_start3A_1304, %dma_start3A_1305] : memref<2x16x50xi32, #tpu.memory_space<vmem>> -> memref<1x16x50xi32, #tpu.memory_space<vmem>>
        %dma_start3A_1307 = tpu.memref_squeeze %dma_start3A_1306 : memref<1x16x50xi32, #tpu.memory_space<vmem>> -> memref<16x50xi32, #tpu.memory_space<vmem>>
        %dma_start3A_1308 = arith.constant 0 : i32
        %dma_start3A_1309 = tpu.memref_slice %dma_start3A_1307[%dma_start3A_1292, %dma_start3A_1308] : memref<16x50xi32, #tpu.memory_space<vmem>> -> memref<1x50xi32, #tpu.memory_space<vmem>>
        %dma_start3A_1310 = tpu.memref_squeeze %dma_start3A_1309 : memref<1x50xi32, #tpu.memory_space<vmem>> -> memref<50xi32, #tpu.memory_space<vmem>>
        %dma_start3A_1311 = arith.constant 0 : i32
        %dma_start3A_1312 = arith.constant 0 : i32
        %dma_start3A_1313 = tpu.memref_slice %arg3[%dma_start3A_1311, %dma_start3A_1312] : memref<1000000x64xf32, #tpu.memory_space<hbm>> -> memref<1000000x64xf32, #tpu.memory_space<hbm>>
        tpu.enqueue_indirect_dma source(%dma_start3A_1313 : memref<1000000x64xf32, #tpu.memory_space<hbm>>) target(%dma_start3A_1303 : memref<50x64xf32, #tpu.memory_space<vmem>>) offsets(%dma_start3A_1310 : memref<50xi32, #tpu.memory_space<vmem>>) semaphore(%arg8 : memref<!tpu.dma_semaphore, #tpu.memory_space<semaphore_mem>>)
        %dma_start3A_1314 = arith.constant 1 : i32
        %dma_start3A_1315 = arith.constant 3 : i32
        %dma_start3A_1316 = arith.constant 1 : i32
        %dma_start3A_1317 = arith.constant 3 : i32
        %dma_start3A_1318 = arith.constant 0 : i32
        %dma_start3A_1319 = arith.constant 0 : i32
        %dma_start3A_1320 = arith.constant 0 : i32
        %dma_start3A_1321 = tpu.memref_slice %arg6[%dma_start3A_1316, %dma_start3A_1318, %dma_start3A_1319, %dma_start3A_1320] : memref<2x16x50x64xf32, #tpu.memory_space<vmem>> -> memref<1x16x50x64xf32, #tpu.memory_space<vmem>>
        %dma_start3A_1322 = tpu.memref_squeeze %dma_start3A_1321 : memref<1x16x50x64xf32, #tpu.memory_space<vmem>> -> memref<16x50x64xf32, #tpu.memory_space<vmem>>
        %dma_start3A_1323 = arith.constant 0 : i32
        %dma_start3A_1324 = arith.constant 0 : i32
        %dma_start3A_1325 = tpu.memref_slice %dma_start3A_1322[%dma_start3A_1317, %dma_start3A_1323, %dma_start3A_1324] : memref<16x50x64xf32, #tpu.memory_space<vmem>> -> memref<1x50x64xf32, #tpu.memory_space<vmem>>
        %dma_start3A_1326 = tpu.memref_squeeze %dma_start3A_1325 : memref<1x50x64xf32, #tpu.memory_space<vmem>> -> memref<50x64xf32, #tpu.memory_space<vmem>>
        %dma_start3A_1327 = arith.constant 0 : i32
        %dma_start3A_1328 = arith.constant 0 : i32
        %dma_start3A_1329 = tpu.memref_slice %arg5[%dma_start3A_1314, %dma_start3A_1327, %dma_start3A_1328] : memref<2x16x50xi32, #tpu.memory_space<vmem>> -> memref<1x16x50xi32, #tpu.memory_space<vmem>>
        %dma_start3A_1330 = tpu.memref_squeeze %dma_start3A_1329 : memref<1x16x50xi32, #tpu.memory_space<vmem>> -> memref<16x50xi32, #tpu.memory_space<vmem>>
        %dma_start3A_1331 = arith.constant 0 : i32
        %dma_start3A_1332 = tpu.memref_slice %dma_start3A_1330[%dma_start3A_1315, %dma_start3A_1331] : memref<16x50xi32, #tpu.memory_space<vmem>> -> memref<1x50xi32, #tpu.memory_space<vmem>>
        %dma_start3A_1333 = tpu.memref_squeeze %dma_start3A_1332 : memref<1x50xi32, #tpu.memory_space<vmem>> -> memref<50xi32, #tpu.memory_space<vmem>>
        %dma_start3A_1334 = arith.constant 0 : i32
        %dma_start3A_1335 = arith.constant 0 : i32
        %dma_start3A_1336 = tpu.memref_slice %arg3[%dma_start3A_1334, %dma_start3A_1335] : memref<1000000x64xf32, #tpu.memory_space<hbm>> -> memref<1000000x64xf32, #tpu.memory_space<hbm>>
        tpu.enqueue_indirect_dma source(%dma_start3A_1336 : memref<1000000x64xf32, #tpu.memory_space<hbm>>) target(%dma_start3A_1326 : memref<50x64xf32, #tpu.memory_space<vmem>>) offsets(%dma_start3A_1333 : memref<50xi32, #tpu.memory_space<vmem>>) semaphore(%arg8 : memref<!tpu.dma_semaphore, #tpu.memory_space<semaphore_mem>>)
        %dma_start3A_1337 = arith.constant 1 : i32
        %dma_start3A_1338 = arith.constant 4 : i32
        %dma_start3A_1339 = arith.constant 1 : i32
        %dma_start3A_1340 = arith.constant 4 : i32
        %dma_start3A_1341 = arith.constant 0 : i32
        %dma_start3A_1342 = arith.constant 0 : i32
        %dma_start3A_1343 = arith.constant 0 : i32
        %dma_start3A_1344 = tpu.memref_slice %arg6[%dma_start3A_1339, %dma_start3A_1341, %dma_start3A_1342, %dma_start3A_1343] : memref<2x16x50x64xf32, #tpu.memory_space<vmem>> -> memref<1x16x50x64xf32, #tpu.memory_space<vmem>>
        %dma_start3A_1345 = tpu.memref_squeeze %dma_start3A_1344 : memref<1x16x50x64xf32, #tpu.memory_space<vmem>> -> memref<16x50x64xf32, #tpu.memory_space<vmem>>
        %dma_start3A_1346 = arith.constant 0 : i32
        %dma_start3A_1347 = arith.constant 0 : i32
        %dma_start3A_1348 = tpu.memref_slice %dma_start3A_1345[%dma_start3A_1340, %dma_start3A_1346, %dma_start3A_1347] : memref<16x50x64xf32, #tpu.memory_space<vmem>> -> memref<1x50x64xf32, #tpu.memory_space<vmem>>
        %dma_start3A_1349 = tpu.memref_squeeze %dma_start3A_1348 : memref<1x50x64xf32, #tpu.memory_space<vmem>> -> memref<50x64xf32, #tpu.memory_space<vmem>>
        %dma_start3A_1350 = arith.constant 0 : i32
        %dma_start3A_1351 = arith.constant 0 : i32
        %dma_start3A_1352 = tpu.memref_slice %arg5[%dma_start3A_1337, %dma_start3A_1350, %dma_start3A_1351] : memref<2x16x50xi32, #tpu.memory_space<vmem>> -> memref<1x16x50xi32, #tpu.memory_space<vmem>>
        %dma_start3A_1353 = tpu.memref_squeeze %dma_start3A_1352 : memref<1x16x50xi32, #tpu.memory_space<vmem>> -> memref<16x50xi32, #tpu.memory_space<vmem>>
        %dma_start3A_1354 = arith.constant 0 : i32
        %dma_start3A_1355 = tpu.memref_slice %dma_start3A_1353[%dma_start3A_1338, %dma_start3A_1354] : memref<16x50xi32, #tpu.memory_space<vmem>> -> memref<1x50xi32, #tpu.memory_space<vmem>>
        %dma_start3A_1356 = tpu.memref_squeeze %dma_start3A_1355 : memref<1x50xi32, #tpu.memory_space<vmem>> -> memref<50xi32, #tpu.memory_space<vmem>>
        %dma_start3A_1357 = arith.constant 0 : i32
        %dma_start3A_1358 = arith.constant 0 : i32
        %dma_start3A_1359 = tpu.memref_slice %arg3[%dma_start3A_1357, %dma_start3A_1358] : memref<1000000x64xf32, #tpu.memory_space<hbm>> -> memref<1000000x64xf32, #tpu.memory_space<hbm>>
        tpu.enqueue_indirect_dma source(%dma_start3A_1359 : memref<1000000x64xf32, #tpu.memory_space<hbm>>) target(%dma_start3A_1349 : memref<50x64xf32, #tpu.memory_space<vmem>>) offsets(%dma_start3A_1356 : memref<50xi32, #tpu.memory_space<vmem>>) semaphore(%arg8 : memref<!tpu.dma_semaphore, #tpu.memory_space<semaphore_mem>>)
        %dma_start3A_1360 = arith.constant 1 : i32
        %dma_start3A_1361 = arith.constant 5 : i32
        %dma_start3A_1362 = arith.constant 1 : i32
        %dma_start3A_1363 = arith.constant 5 : i32
        %dma_start3A_1364 = arith.constant 0 : i32
        %dma_start3A_1365 = arith.constant 0 : i32
        %dma_start3A_1366 = arith.constant 0 : i32
        %dma_start3A_1367 = tpu.memref_slice %arg6[%dma_start3A_1362, %dma_start3A_1364, %dma_start3A_1365, %dma_start3A_1366] : memref<2x16x50x64xf32, #tpu.memory_space<vmem>> -> memref<1x16x50x64xf32, #tpu.memory_space<vmem>>
        %dma_start3A_1368 = tpu.memref_squeeze %dma_start3A_1367 : memref<1x16x50x64xf32, #tpu.memory_space<vmem>> -> memref<16x50x64xf32, #tpu.memory_space<vmem>>
        %dma_start3A_1369 = arith.constant 0 : i32
        %dma_start3A_1370 = arith.constant 0 : i32
        %dma_start3A_1371 = tpu.memref_slice %dma_start3A_1368[%dma_start3A_1363, %dma_start3A_1369, %dma_start3A_1370] : memref<16x50x64xf32, #tpu.memory_space<vmem>> -> memref<1x50x64xf32, #tpu.memory_space<vmem>>
        %dma_start3A_1372 = tpu.memref_squeeze %dma_start3A_1371 : memref<1x50x64xf32, #tpu.memory_space<vmem>> -> memref<50x64xf32, #tpu.memory_space<vmem>>
        %dma_start3A_1373 = arith.constant 0 : i32
        %dma_start3A_1374 = arith.constant 0 : i32
        %dma_start3A_1375 = tpu.memref_slice %arg5[%dma_start3A_1360, %dma_start3A_1373, %dma_start3A_1374] : memref<2x16x50xi32, #tpu.memory_space<vmem>> -> memref<1x16x50xi32, #tpu.memory_space<vmem>>
        %dma_start3A_1376 = tpu.memref_squeeze %dma_start3A_1375 : memref<1x16x50xi32, #tpu.memory_space<vmem>> -> memref<16x50xi32, #tpu.memory_space<vmem>>
        %dma_start3A_1377 = arith.constant 0 : i32
        %dma_start3A_1378 = tpu.memref_slice %dma_start3A_1376[%dma_start3A_1361, %dma_start3A_1377] : memref<16x50xi32, #tpu.memory_space<vmem>> -> memref<1x50xi32, #tpu.memory_space<vmem>>
        %dma_start3A_1379 = tpu.memref_squeeze %dma_start3A_1378 : memref<1x50xi32, #tpu.memory_space<vmem>> -> memref<50xi32, #tpu.memory_space<vmem>>
        %dma_start3A_1380 = arith.constant 0 : i32
        %dma_start3A_1381 = arith.constant 0 : i32
        %dma_start3A_1382 = tpu.memref_slice %arg3[%dma_start3A_1380, %dma_start3A_1381] : memref<1000000x64xf32, #tpu.memory_space<hbm>> -> memref<1000000x64xf32, #tpu.memory_space<hbm>>
        tpu.enqueue_indirect_dma source(%dma_start3A_1382 : memref<1000000x64xf32, #tpu.memory_space<hbm>>) target(%dma_start3A_1372 : memref<50x64xf32, #tpu.memory_space<vmem>>) offsets(%dma_start3A_1379 : memref<50xi32, #tpu.memory_space<vmem>>) semaphore(%arg8 : memref<!tpu.dma_semaphore, #tpu.memory_space<semaphore_mem>>)
        %dma_start3A_1383 = arith.constant 1 : i32
        %dma_start3A_1384 = arith.constant 6 : i32
        %dma_start3A_1385 = arith.constant 1 : i32
        %dma_start3A_1386 = arith.constant 6 : i32
        %dma_start3A_1387 = arith.constant 0 : i32
        %dma_start3A_1388 = arith.constant 0 : i32
        %dma_start3A_1389 = arith.constant 0 : i32
        %dma_start3A_1390 = tpu.memref_slice %arg6[%dma_start3A_1385, %dma_start3A_1387, %dma_start3A_1388, %dma_start3A_1389] : memref<2x16x50x64xf32, #tpu.memory_space<vmem>> -> memref<1x16x50x64xf32, #tpu.memory_space<vmem>>
        %dma_start3A_1391 = tpu.memref_squeeze %dma_start3A_1390 : memref<1x16x50x64xf32, #tpu.memory_space<vmem>> -> memref<16x50x64xf32, #tpu.memory_space<vmem>>
        %dma_start3A_1392 = arith.constant 0 : i32
        %dma_start3A_1393 = arith.constant 0 : i32
        %dma_start3A_1394 = tpu.memref_slice %dma_start3A_1391[%dma_start3A_1386, %dma_start3A_1392, %dma_start3A_1393] : memref<16x50x64xf32, #tpu.memory_space<vmem>> -> memref<1x50x64xf32, #tpu.memory_space<vmem>>
        %dma_start3A_1395 = tpu.memref_squeeze %dma_start3A_1394 : memref<1x50x64xf32, #tpu.memory_space<vmem>> -> memref<50x64xf32, #tpu.memory_space<vmem>>
        %dma_start3A_1396 = arith.constant 0 : i32
        %dma_start3A_1397 = arith.constant 0 : i32
        %dma_start3A_1398 = tpu.memref_slice %arg5[%dma_start3A_1383, %dma_start3A_1396, %dma_start3A_1397] : memref<2x16x50xi32, #tpu.memory_space<vmem>> -> memref<1x16x50xi32, #tpu.memory_space<vmem>>
        %dma_start3A_1399 = tpu.memref_squeeze %dma_start3A_1398 : memref<1x16x50xi32, #tpu.memory_space<vmem>> -> memref<16x50xi32, #tpu.memory_space<vmem>>
        %dma_start3A_1400 = arith.constant 0 : i32
        %dma_start3A_1401 = tpu.memref_slice %dma_start3A_1399[%dma_start3A_1384, %dma_start3A_1400] : memref<16x50xi32, #tpu.memory_space<vmem>> -> memref<1x50xi32, #tpu.memory_space<vmem>>
        %dma_start3A_1402 = tpu.memref_squeeze %dma_start3A_1401 : memref<1x50xi32, #tpu.memory_space<vmem>> -> memref<50xi32, #tpu.memory_space<vmem>>
        %dma_start3A_1403 = arith.constant 0 : i32
        %dma_start3A_1404 = arith.constant 0 : i32
        %dma_start3A_1405 = tpu.memref_slice %arg3[%dma_start3A_1403, %dma_start3A_1404] : memref<1000000x64xf32, #tpu.memory_space<hbm>> -> memref<1000000x64xf32, #tpu.memory_space<hbm>>
        tpu.enqueue_indirect_dma source(%dma_start3A_1405 : memref<1000000x64xf32, #tpu.memory_space<hbm>>) target(%dma_start3A_1395 : memref<50x64xf32, #tpu.memory_space<vmem>>) offsets(%dma_start3A_1402 : memref<50xi32, #tpu.memory_space<vmem>>) semaphore(%arg8 : memref<!tpu.dma_semaphore, #tpu.memory_space<semaphore_mem>>)
        %dma_start3A_1406 = arith.constant 1 : i32
        %dma_start3A_1407 = arith.constant 7 : i32
        %dma_start3A_1408 = arith.constant 1 : i32
        %dma_start3A_1409 = arith.constant 7 : i32
        %dma_start3A_1410 = arith.constant 0 : i32
        %dma_start3A_1411 = arith.constant 0 : i32
        %dma_start3A_1412 = arith.constant 0 : i32
        %dma_start3A_1413 = tpu.memref_slice %arg6[%dma_start3A_1408, %dma_start3A_1410, %dma_start3A_1411, %dma_start3A_1412] : memref<2x16x50x64xf32, #tpu.memory_space<vmem>> -> memref<1x16x50x64xf32, #tpu.memory_space<vmem>>
        %dma_start3A_1414 = tpu.memref_squeeze %dma_start3A_1413 : memref<1x16x50x64xf32, #tpu.memory_space<vmem>> -> memref<16x50x64xf32, #tpu.memory_space<vmem>>
        %dma_start3A_1415 = arith.constant 0 : i32
        %dma_start3A_1416 = arith.constant 0 : i32
        %dma_start3A_1417 = tpu.memref_slice %dma_start3A_1414[%dma_start3A_1409, %dma_start3A_1415, %dma_start3A_1416] : memref<16x50x64xf32, #tpu.memory_space<vmem>> -> memref<1x50x64xf32, #tpu.memory_space<vmem>>
        %dma_start3A_1418 = tpu.memref_squeeze %dma_start3A_1417 : memref<1x50x64xf32, #tpu.memory_space<vmem>> -> memref<50x64xf32, #tpu.memory_space<vmem>>
        %dma_start3A_1419 = arith.constant 0 : i32
        %dma_start3A_1420 = arith.constant 0 : i32
        %dma_start3A_1421 = tpu.memref_slice %arg5[%dma_start3A_1406, %dma_start3A_1419, %dma_start3A_1420] : memref<2x16x50xi32, #tpu.memory_space<vmem>> -> memref<1x16x50xi32, #tpu.memory_space<vmem>>
        %dma_start3A_1422 = tpu.memref_squeeze %dma_start3A_1421 : memref<1x16x50xi32, #tpu.memory_space<vmem>> -> memref<16x50xi32, #tpu.memory_space<vmem>>
        %dma_start3A_1423 = arith.constant 0 : i32
        %dma_start3A_1424 = tpu.memref_slice %dma_start3A_1422[%dma_start3A_1407, %dma_start3A_1423] : memref<16x50xi32, #tpu.memory_space<vmem>> -> memref<1x50xi32, #tpu.memory_space<vmem>>
        %dma_start3A_1425 = tpu.memref_squeeze %dma_start3A_1424 : memref<1x50xi32, #tpu.memory_space<vmem>> -> memref<50xi32, #tpu.memory_space<vmem>>
        %dma_start3A_1426 = arith.constant 0 : i32
        %dma_start3A_1427 = arith.constant 0 : i32
        %dma_start3A_1428 = tpu.memref_slice %arg3[%dma_start3A_1426, %dma_start3A_1427] : memref<1000000x64xf32, #tpu.memory_space<hbm>> -> memref<1000000x64xf32, #tpu.memory_space<hbm>>
        tpu.enqueue_indirect_dma source(%dma_start3A_1428 : memref<1000000x64xf32, #tpu.memory_space<hbm>>) target(%dma_start3A_1418 : memref<50x64xf32, #tpu.memory_space<vmem>>) offsets(%dma_start3A_1425 : memref<50xi32, #tpu.memory_space<vmem>>) semaphore(%arg8 : memref<!tpu.dma_semaphore, #tpu.memory_space<semaphore_mem>>)
        %dma_start3A_1429 = arith.constant 1 : i32
        %dma_start3A_1430 = arith.constant 8 : i32
        %dma_start3A_1431 = arith.constant 1 : i32
        %dma_start3A_1432 = arith.constant 8 : i32
        %dma_start3A_1433 = arith.constant 0 : i32
        %dma_start3A_1434 = arith.constant 0 : i32
        %dma_start3A_1435 = arith.constant 0 : i32
        %dma_start3A_1436 = tpu.memref_slice %arg6[%dma_start3A_1431, %dma_start3A_1433, %dma_start3A_1434, %dma_start3A_1435] : memref<2x16x50x64xf32, #tpu.memory_space<vmem>> -> memref<1x16x50x64xf32, #tpu.memory_space<vmem>>
        %dma_start3A_1437 = tpu.memref_squeeze %dma_start3A_1436 : memref<1x16x50x64xf32, #tpu.memory_space<vmem>> -> memref<16x50x64xf32, #tpu.memory_space<vmem>>
        %dma_start3A_1438 = arith.constant 0 : i32
        %dma_start3A_1439 = arith.constant 0 : i32
        %dma_start3A_1440 = tpu.memref_slice %dma_start3A_1437[%dma_start3A_1432, %dma_start3A_1438, %dma_start3A_1439] : memref<16x50x64xf32, #tpu.memory_space<vmem>> -> memref<1x50x64xf32, #tpu.memory_space<vmem>>
        %dma_start3A_1441 = tpu.memref_squeeze %dma_start3A_1440 : memref<1x50x64xf32, #tpu.memory_space<vmem>> -> memref<50x64xf32, #tpu.memory_space<vmem>>
        %dma_start3A_1442 = arith.constant 0 : i32
        %dma_start3A_1443 = arith.constant 0 : i32
        %dma_start3A_1444 = tpu.memref_slice %arg5[%dma_start3A_1429, %dma_start3A_1442, %dma_start3A_1443] : memref<2x16x50xi32, #tpu.memory_space<vmem>> -> memref<1x16x50xi32, #tpu.memory_space<vmem>>
        %dma_start3A_1445 = tpu.memref_squeeze %dma_start3A_1444 : memref<1x16x50xi32, #tpu.memory_space<vmem>> -> memref<16x50xi32, #tpu.memory_space<vmem>>
        %dma_start3A_1446 = arith.constant 0 : i32
        %dma_start3A_1447 = tpu.memref_slice %dma_start3A_1445[%dma_start3A_1430, %dma_start3A_1446] : memref<16x50xi32, #tpu.memory_space<vmem>> -> memref<1x50xi32, #tpu.memory_space<vmem>>
        %dma_start3A_1448 = tpu.memref_squeeze %dma_start3A_1447 : memref<1x50xi32, #tpu.memory_space<vmem>> -> memref<50xi32, #tpu.memory_space<vmem>>
        %dma_start3A_1449 = arith.constant 0 : i32
        %dma_start3A_1450 = arith.constant 0 : i32
        %dma_start3A_1451 = tpu.memref_slice %arg3[%dma_start3A_1449, %dma_start3A_1450] : memref<1000000x64xf32, #tpu.memory_space<hbm>> -> memref<1000000x64xf32, #tpu.memory_space<hbm>>
        tpu.enqueue_indirect_dma source(%dma_start3A_1451 : memref<1000000x64xf32, #tpu.memory_space<hbm>>) target(%dma_start3A_1441 : memref<50x64xf32, #tpu.memory_space<vmem>>) offsets(%dma_start3A_1448 : memref<50xi32, #tpu.memory_space<vmem>>) semaphore(%arg8 : memref<!tpu.dma_semaphore, #tpu.memory_space<semaphore_mem>>)
        %dma_start3A_1452 = arith.constant 1 : i32
        %dma_start3A_1453 = arith.constant 9 : i32
        %dma_start3A_1454 = arith.constant 1 : i32
        %dma_start3A_1455 = arith.constant 9 : i32
        %dma_start3A_1456 = arith.constant 0 : i32
        %dma_start3A_1457 = arith.constant 0 : i32
        %dma_start3A_1458 = arith.constant 0 : i32
        %dma_start3A_1459 = tpu.memref_slice %arg6[%dma_start3A_1454, %dma_start3A_1456, %dma_start3A_1457, %dma_start3A_1458] : memref<2x16x50x64xf32, #tpu.memory_space<vmem>> -> memref<1x16x50x64xf32, #tpu.memory_space<vmem>>
        %dma_start3A_1460 = tpu.memref_squeeze %dma_start3A_1459 : memref<1x16x50x64xf32, #tpu.memory_space<vmem>> -> memref<16x50x64xf32, #tpu.memory_space<vmem>>
        %dma_start3A_1461 = arith.constant 0 : i32
        %dma_start3A_1462 = arith.constant 0 : i32
        %dma_start3A_1463 = tpu.memref_slice %dma_start3A_1460[%dma_start3A_1455, %dma_start3A_1461, %dma_start3A_1462] : memref<16x50x64xf32, #tpu.memory_space<vmem>> -> memref<1x50x64xf32, #tpu.memory_space<vmem>>
        %dma_start3A_1464 = tpu.memref_squeeze %dma_start3A_1463 : memref<1x50x64xf32, #tpu.memory_space<vmem>> -> memref<50x64xf32, #tpu.memory_space<vmem>>
        %dma_start3A_1465 = arith.constant 0 : i32
        %dma_start3A_1466 = arith.constant 0 : i32
        %dma_start3A_1467 = tpu.memref_slice %arg5[%dma_start3A_1452, %dma_start3A_1465, %dma_start3A_1466] : memref<2x16x50xi32, #tpu.memory_space<vmem>> -> memref<1x16x50xi32, #tpu.memory_space<vmem>>
        %dma_start3A_1468 = tpu.memref_squeeze %dma_start3A_1467 : memref<1x16x50xi32, #tpu.memory_space<vmem>> -> memref<16x50xi32, #tpu.memory_space<vmem>>
        %dma_start3A_1469 = arith.constant 0 : i32
        %dma_start3A_1470 = tpu.memref_slice %dma_start3A_1468[%dma_start3A_1453, %dma_start3A_1469] : memref<16x50xi32, #tpu.memory_space<vmem>> -> memref<1x50xi32, #tpu.memory_space<vmem>>
        %dma_start3A_1471 = tpu.memref_squeeze %dma_start3A_1470 : memref<1x50xi32, #tpu.memory_space<vmem>> -> memref<50xi32, #tpu.memory_space<vmem>>
        %dma_start3A_1472 = arith.constant 0 : i32
        %dma_start3A_1473 = arith.constant 0 : i32
        %dma_start3A_1474 = tpu.memref_slice %arg3[%dma_start3A_1472, %dma_start3A_1473] : memref<1000000x64xf32, #tpu.memory_space<hbm>> -> memref<1000000x64xf32, #tpu.memory_space<hbm>>
        tpu.enqueue_indirect_dma source(%dma_start3A_1474 : memref<1000000x64xf32, #tpu.memory_space<hbm>>) target(%dma_start3A_1464 : memref<50x64xf32, #tpu.memory_space<vmem>>) offsets(%dma_start3A_1471 : memref<50xi32, #tpu.memory_space<vmem>>) semaphore(%arg8 : memref<!tpu.dma_semaphore, #tpu.memory_space<semaphore_mem>>)
        %dma_start3A_1475 = arith.constant 1 : i32
        %dma_start3A_1476 = arith.constant 10 : i32
        %dma_start3A_1477 = arith.constant 1 : i32
        %dma_start3A_1478 = arith.constant 10 : i32
        %dma_start3A_1479 = arith.constant 0 : i32
        %dma_start3A_1480 = arith.constant 0 : i32
        %dma_start3A_1481 = arith.constant 0 : i32
        %dma_start3A_1482 = tpu.memref_slice %arg6[%dma_start3A_1477, %dma_start3A_1479, %dma_start3A_1480, %dma_start3A_1481] : memref<2x16x50x64xf32, #tpu.memory_space<vmem>> -> memref<1x16x50x64xf32, #tpu.memory_space<vmem>>
        %dma_start3A_1483 = tpu.memref_squeeze %dma_start3A_1482 : memref<1x16x50x64xf32, #tpu.memory_space<vmem>> -> memref<16x50x64xf32, #tpu.memory_space<vmem>>
        %dma_start3A_1484 = arith.constant 0 : i32
        %dma_start3A_1485 = arith.constant 0 : i32
        %dma_start3A_1486 = tpu.memref_slice %dma_start3A_1483[%dma_start3A_1478, %dma_start3A_1484, %dma_start3A_1485] : memref<16x50x64xf32, #tpu.memory_space<vmem>> -> memref<1x50x64xf32, #tpu.memory_space<vmem>>
        %dma_start3A_1487 = tpu.memref_squeeze %dma_start3A_1486 : memref<1x50x64xf32, #tpu.memory_space<vmem>> -> memref<50x64xf32, #tpu.memory_space<vmem>>
        %dma_start3A_1488 = arith.constant 0 : i32
        %dma_start3A_1489 = arith.constant 0 : i32
        %dma_start3A_1490 = tpu.memref_slice %arg5[%dma_start3A_1475, %dma_start3A_1488, %dma_start3A_1489] : memref<2x16x50xi32, #tpu.memory_space<vmem>> -> memref<1x16x50xi32, #tpu.memory_space<vmem>>
        %dma_start3A_1491 = tpu.memref_squeeze %dma_start3A_1490 : memref<1x16x50xi32, #tpu.memory_space<vmem>> -> memref<16x50xi32, #tpu.memory_space<vmem>>
        %dma_start3A_1492 = arith.constant 0 : i32
        %dma_start3A_1493 = tpu.memref_slice %dma_start3A_1491[%dma_start3A_1476, %dma_start3A_1492] : memref<16x50xi32, #tpu.memory_space<vmem>> -> memref<1x50xi32, #tpu.memory_space<vmem>>
        %dma_start3A_1494 = tpu.memref_squeeze %dma_start3A_1493 : memref<1x50xi32, #tpu.memory_space<vmem>> -> memref<50xi32, #tpu.memory_space<vmem>>
        %dma_start3A_1495 = arith.constant 0 : i32
        %dma_start3A_1496 = arith.constant 0 : i32
        %dma_start3A_1497 = tpu.memref_slice %arg3[%dma_start3A_1495, %dma_start3A_1496] : memref<1000000x64xf32, #tpu.memory_space<hbm>> -> memref<1000000x64xf32, #tpu.memory_space<hbm>>
        tpu.enqueue_indirect_dma source(%dma_start3A_1497 : memref<1000000x64xf32, #tpu.memory_space<hbm>>) target(%dma_start3A_1487 : memref<50x64xf32, #tpu.memory_space<vmem>>) offsets(%dma_start3A_1494 : memref<50xi32, #tpu.memory_space<vmem>>) semaphore(%arg8 : memref<!tpu.dma_semaphore, #tpu.memory_space<semaphore_mem>>)
        %dma_start3A_1498 = arith.constant 1 : i32
        %dma_start3A_1499 = arith.constant 11 : i32
        %dma_start3A_1500 = arith.constant 1 : i32
        %dma_start3A_1501 = arith.constant 11 : i32
        %dma_start3A_1502 = arith.constant 0 : i32
        %dma_start3A_1503 = arith.constant 0 : i32
        %dma_start3A_1504 = arith.constant 0 : i32
        %dma_start3A_1505 = tpu.memref_slice %arg6[%dma_start3A_1500, %dma_start3A_1502, %dma_start3A_1503, %dma_start3A_1504] : memref<2x16x50x64xf32, #tpu.memory_space<vmem>> -> memref<1x16x50x64xf32, #tpu.memory_space<vmem>>
        %dma_start3A_1506 = tpu.memref_squeeze %dma_start3A_1505 : memref<1x16x50x64xf32, #tpu.memory_space<vmem>> -> memref<16x50x64xf32, #tpu.memory_space<vmem>>
        %dma_start3A_1507 = arith.constant 0 : i32
        %dma_start3A_1508 = arith.constant 0 : i32
        %dma_start3A_1509 = tpu.memref_slice %dma_start3A_1506[%dma_start3A_1501, %dma_start3A_1507, %dma_start3A_1508] : memref<16x50x64xf32, #tpu.memory_space<vmem>> -> memref<1x50x64xf32, #tpu.memory_space<vmem>>
        %dma_start3A_1510 = tpu.memref_squeeze %dma_start3A_1509 : memref<1x50x64xf32, #tpu.memory_space<vmem>> -> memref<50x64xf32, #tpu.memory_space<vmem>>
        %dma_start3A_1511 = arith.constant 0 : i32
        %dma_start3A_1512 = arith.constant 0 : i32
        %dma_start3A_1513 = tpu.memref_slice %arg5[%dma_start3A_1498, %dma_start3A_1511, %dma_start3A_1512] : memref<2x16x50xi32, #tpu.memory_space<vmem>> -> memref<1x16x50xi32, #tpu.memory_space<vmem>>
        %dma_start3A_1514 = tpu.memref_squeeze %dma_start3A_1513 : memref<1x16x50xi32, #tpu.memory_space<vmem>> -> memref<16x50xi32, #tpu.memory_space<vmem>>
        %dma_start3A_1515 = arith.constant 0 : i32
        %dma_start3A_1516 = tpu.memref_slice %dma_start3A_1514[%dma_start3A_1499, %dma_start3A_1515] : memref<16x50xi32, #tpu.memory_space<vmem>> -> memref<1x50xi32, #tpu.memory_space<vmem>>
        %dma_start3A_1517 = tpu.memref_squeeze %dma_start3A_1516 : memref<1x50xi32, #tpu.memory_space<vmem>> -> memref<50xi32, #tpu.memory_space<vmem>>
        %dma_start3A_1518 = arith.constant 0 : i32
        %dma_start3A_1519 = arith.constant 0 : i32
        %dma_start3A_1520 = tpu.memref_slice %arg3[%dma_start3A_1518, %dma_start3A_1519] : memref<1000000x64xf32, #tpu.memory_space<hbm>> -> memref<1000000x64xf32, #tpu.memory_space<hbm>>
        tpu.enqueue_indirect_dma source(%dma_start3A_1520 : memref<1000000x64xf32, #tpu.memory_space<hbm>>) target(%dma_start3A_1510 : memref<50x64xf32, #tpu.memory_space<vmem>>) offsets(%dma_start3A_1517 : memref<50xi32, #tpu.memory_space<vmem>>) semaphore(%arg8 : memref<!tpu.dma_semaphore, #tpu.memory_space<semaphore_mem>>)
        %dma_start3A_1521 = arith.constant 1 : i32
        %dma_start3A_1522 = arith.constant 12 : i32
        %dma_start3A_1523 = arith.constant 1 : i32
        %dma_start3A_1524 = arith.constant 12 : i32
        %dma_start3A_1525 = arith.constant 0 : i32
        %dma_start3A_1526 = arith.constant 0 : i32
        %dma_start3A_1527 = arith.constant 0 : i32
        %dma_start3A_1528 = tpu.memref_slice %arg6[%dma_start3A_1523, %dma_start3A_1525, %dma_start3A_1526, %dma_start3A_1527] : memref<2x16x50x64xf32, #tpu.memory_space<vmem>> -> memref<1x16x50x64xf32, #tpu.memory_space<vmem>>
        %dma_start3A_1529 = tpu.memref_squeeze %dma_start3A_1528 : memref<1x16x50x64xf32, #tpu.memory_space<vmem>> -> memref<16x50x64xf32, #tpu.memory_space<vmem>>
        %dma_start3A_1530 = arith.constant 0 : i32
        %dma_start3A_1531 = arith.constant 0 : i32
        %dma_start3A_1532 = tpu.memref_slice %dma_start3A_1529[%dma_start3A_1524, %dma_start3A_1530, %dma_start3A_1531] : memref<16x50x64xf32, #tpu.memory_space<vmem>> -> memref<1x50x64xf32, #tpu.memory_space<vmem>>
        %dma_start3A_1533 = tpu.memref_squeeze %dma_start3A_1532 : memref<1x50x64xf32, #tpu.memory_space<vmem>> -> memref<50x64xf32, #tpu.memory_space<vmem>>
        %dma_start3A_1534 = arith.constant 0 : i32
        %dma_start3A_1535 = arith.constant 0 : i32
        %dma_start3A_1536 = tpu.memref_slice %arg5[%dma_start3A_1521, %dma_start3A_1534, %dma_start3A_1535] : memref<2x16x50xi32, #tpu.memory_space<vmem>> -> memref<1x16x50xi32, #tpu.memory_space<vmem>>
        %dma_start3A_1537 = tpu.memref_squeeze %dma_start3A_1536 : memref<1x16x50xi32, #tpu.memory_space<vmem>> -> memref<16x50xi32, #tpu.memory_space<vmem>>
        %dma_start3A_1538 = arith.constant 0 : i32
        %dma_start3A_1539 = tpu.memref_slice %dma_start3A_1537[%dma_start3A_1522, %dma_start3A_1538] : memref<16x50xi32, #tpu.memory_space<vmem>> -> memref<1x50xi32, #tpu.memory_space<vmem>>
        %dma_start3A_1540 = tpu.memref_squeeze %dma_start3A_1539 : memref<1x50xi32, #tpu.memory_space<vmem>> -> memref<50xi32, #tpu.memory_space<vmem>>
        %dma_start3A_1541 = arith.constant 0 : i32
        %dma_start3A_1542 = arith.constant 0 : i32
        %dma_start3A_1543 = tpu.memref_slice %arg3[%dma_start3A_1541, %dma_start3A_1542] : memref<1000000x64xf32, #tpu.memory_space<hbm>> -> memref<1000000x64xf32, #tpu.memory_space<hbm>>
        tpu.enqueue_indirect_dma source(%dma_start3A_1543 : memref<1000000x64xf32, #tpu.memory_space<hbm>>) target(%dma_start3A_1533 : memref<50x64xf32, #tpu.memory_space<vmem>>) offsets(%dma_start3A_1540 : memref<50xi32, #tpu.memory_space<vmem>>) semaphore(%arg8 : memref<!tpu.dma_semaphore, #tpu.memory_space<semaphore_mem>>)
        %dma_start3A_1544 = arith.constant 1 : i32
        %dma_start3A_1545 = arith.constant 13 : i32
        %dma_start3A_1546 = arith.constant 1 : i32
        %dma_start3A_1547 = arith.constant 13 : i32
        %dma_start3A_1548 = arith.constant 0 : i32
        %dma_start3A_1549 = arith.constant 0 : i32
        %dma_start3A_1550 = arith.constant 0 : i32
        %dma_start3A_1551 = tpu.memref_slice %arg6[%dma_start3A_1546, %dma_start3A_1548, %dma_start3A_1549, %dma_start3A_1550] : memref<2x16x50x64xf32, #tpu.memory_space<vmem>> -> memref<1x16x50x64xf32, #tpu.memory_space<vmem>>
        %dma_start3A_1552 = tpu.memref_squeeze %dma_start3A_1551 : memref<1x16x50x64xf32, #tpu.memory_space<vmem>> -> memref<16x50x64xf32, #tpu.memory_space<vmem>>
        %dma_start3A_1553 = arith.constant 0 : i32
        %dma_start3A_1554 = arith.constant 0 : i32
        %dma_start3A_1555 = tpu.memref_slice %dma_start3A_1552[%dma_start3A_1547, %dma_start3A_1553, %dma_start3A_1554] : memref<16x50x64xf32, #tpu.memory_space<vmem>> -> memref<1x50x64xf32, #tpu.memory_space<vmem>>
        %dma_start3A_1556 = tpu.memref_squeeze %dma_start3A_1555 : memref<1x50x64xf32, #tpu.memory_space<vmem>> -> memref<50x64xf32, #tpu.memory_space<vmem>>
        %dma_start3A_1557 = arith.constant 0 : i32
        %dma_start3A_1558 = arith.constant 0 : i32
        %dma_start3A_1559 = tpu.memref_slice %arg5[%dma_start3A_1544, %dma_start3A_1557, %dma_start3A_1558] : memref<2x16x50xi32, #tpu.memory_space<vmem>> -> memref<1x16x50xi32, #tpu.memory_space<vmem>>
        %dma_start3A_1560 = tpu.memref_squeeze %dma_start3A_1559 : memref<1x16x50xi32, #tpu.memory_space<vmem>> -> memref<16x50xi32, #tpu.memory_space<vmem>>
        %dma_start3A_1561 = arith.constant 0 : i32
        %dma_start3A_1562 = tpu.memref_slice %dma_start3A_1560[%dma_start3A_1545, %dma_start3A_1561] : memref<16x50xi32, #tpu.memory_space<vmem>> -> memref<1x50xi32, #tpu.memory_space<vmem>>
        %dma_start3A_1563 = tpu.memref_squeeze %dma_start3A_1562 : memref<1x50xi32, #tpu.memory_space<vmem>> -> memref<50xi32, #tpu.memory_space<vmem>>
        %dma_start3A_1564 = arith.constant 0 : i32
        %dma_start3A_1565 = arith.constant 0 : i32
        %dma_start3A_1566 = tpu.memref_slice %arg3[%dma_start3A_1564, %dma_start3A_1565] : memref<1000000x64xf32, #tpu.memory_space<hbm>> -> memref<1000000x64xf32, #tpu.memory_space<hbm>>
        tpu.enqueue_indirect_dma source(%dma_start3A_1566 : memref<1000000x64xf32, #tpu.memory_space<hbm>>) target(%dma_start3A_1556 : memref<50x64xf32, #tpu.memory_space<vmem>>) offsets(%dma_start3A_1563 : memref<50xi32, #tpu.memory_space<vmem>>) semaphore(%arg8 : memref<!tpu.dma_semaphore, #tpu.memory_space<semaphore_mem>>)
        %dma_start3A_1567 = arith.constant 1 : i32
        %dma_start3A_1568 = arith.constant 14 : i32
        %dma_start3A_1569 = arith.constant 1 : i32
        %dma_start3A_1570 = arith.constant 14 : i32
        %dma_start3A_1571 = arith.constant 0 : i32
        %dma_start3A_1572 = arith.constant 0 : i32
        %dma_start3A_1573 = arith.constant 0 : i32
        %dma_start3A_1574 = tpu.memref_slice %arg6[%dma_start3A_1569, %dma_start3A_1571, %dma_start3A_1572, %dma_start3A_1573] : memref<2x16x50x64xf32, #tpu.memory_space<vmem>> -> memref<1x16x50x64xf32, #tpu.memory_space<vmem>>
        %dma_start3A_1575 = tpu.memref_squeeze %dma_start3A_1574 : memref<1x16x50x64xf32, #tpu.memory_space<vmem>> -> memref<16x50x64xf32, #tpu.memory_space<vmem>>
        %dma_start3A_1576 = arith.constant 0 : i32
        %dma_start3A_1577 = arith.constant 0 : i32
        %dma_start3A_1578 = tpu.memref_slice %dma_start3A_1575[%dma_start3A_1570, %dma_start3A_1576, %dma_start3A_1577] : memref<16x50x64xf32, #tpu.memory_space<vmem>> -> memref<1x50x64xf32, #tpu.memory_space<vmem>>
        %dma_start3A_1579 = tpu.memref_squeeze %dma_start3A_1578 : memref<1x50x64xf32, #tpu.memory_space<vmem>> -> memref<50x64xf32, #tpu.memory_space<vmem>>
        %dma_start3A_1580 = arith.constant 0 : i32
        %dma_start3A_1581 = arith.constant 0 : i32
        %dma_start3A_1582 = tpu.memref_slice %arg5[%dma_start3A_1567, %dma_start3A_1580, %dma_start3A_1581] : memref<2x16x50xi32, #tpu.memory_space<vmem>> -> memref<1x16x50xi32, #tpu.memory_space<vmem>>
        %dma_start3A_1583 = tpu.memref_squeeze %dma_start3A_1582 : memref<1x16x50xi32, #tpu.memory_space<vmem>> -> memref<16x50xi32, #tpu.memory_space<vmem>>
        %dma_start3A_1584 = arith.constant 0 : i32
        %dma_start3A_1585 = tpu.memref_slice %dma_start3A_1583[%dma_start3A_1568, %dma_start3A_1584] : memref<16x50xi32, #tpu.memory_space<vmem>> -> memref<1x50xi32, #tpu.memory_space<vmem>>
        %dma_start3A_1586 = tpu.memref_squeeze %dma_start3A_1585 : memref<1x50xi32, #tpu.memory_space<vmem>> -> memref<50xi32, #tpu.memory_space<vmem>>
        %dma_start3A_1587 = arith.constant 0 : i32
        %dma_start3A_1588 = arith.constant 0 : i32
        %dma_start3A_1589 = tpu.memref_slice %arg3[%dma_start3A_1587, %dma_start3A_1588] : memref<1000000x64xf32, #tpu.memory_space<hbm>> -> memref<1000000x64xf32, #tpu.memory_space<hbm>>
        tpu.enqueue_indirect_dma source(%dma_start3A_1589 : memref<1000000x64xf32, #tpu.memory_space<hbm>>) target(%dma_start3A_1579 : memref<50x64xf32, #tpu.memory_space<vmem>>) offsets(%dma_start3A_1586 : memref<50xi32, #tpu.memory_space<vmem>>) semaphore(%arg8 : memref<!tpu.dma_semaphore, #tpu.memory_space<semaphore_mem>>)
        %dma_start3A_1590 = arith.constant 1 : i32
        %dma_start3A_1591 = arith.constant 15 : i32
        %dma_start3A_1592 = arith.constant 1 : i32
        %dma_start3A_1593 = arith.constant 15 : i32
        %dma_start3A_1594 = arith.constant 0 : i32
        %dma_start3A_1595 = arith.constant 0 : i32
        %dma_start3A_1596 = arith.constant 0 : i32
        %dma_start3A_1597 = tpu.memref_slice %arg6[%dma_start3A_1592, %dma_start3A_1594, %dma_start3A_1595, %dma_start3A_1596] : memref<2x16x50x64xf32, #tpu.memory_space<vmem>> -> memref<1x16x50x64xf32, #tpu.memory_space<vmem>>
        %dma_start3A_1598 = tpu.memref_squeeze %dma_start3A_1597 : memref<1x16x50x64xf32, #tpu.memory_space<vmem>> -> memref<16x50x64xf32, #tpu.memory_space<vmem>>
        %dma_start3A_1599 = arith.constant 0 : i32
        %dma_start3A_1600 = arith.constant 0 : i32
        %dma_start3A_1601 = tpu.memref_slice %dma_start3A_1598[%dma_start3A_1593, %dma_start3A_1599, %dma_start3A_1600] : memref<16x50x64xf32, #tpu.memory_space<vmem>> -> memref<1x50x64xf32, #tpu.memory_space<vmem>>
        %dma_start3A_1602 = tpu.memref_squeeze %dma_start3A_1601 : memref<1x50x64xf32, #tpu.memory_space<vmem>> -> memref<50x64xf32, #tpu.memory_space<vmem>>
        %dma_start3A_1603 = arith.constant 0 : i32
        %dma_start3A_1604 = arith.constant 0 : i32
        %dma_start3A_1605 = tpu.memref_slice %arg5[%dma_start3A_1590, %dma_start3A_1603, %dma_start3A_1604] : memref<2x16x50xi32, #tpu.memory_space<vmem>> -> memref<1x16x50xi32, #tpu.memory_space<vmem>>
        %dma_start3A_1606 = tpu.memref_squeeze %dma_start3A_1605 : memref<1x16x50xi32, #tpu.memory_space<vmem>> -> memref<16x50xi32, #tpu.memory_space<vmem>>
        %dma_start3A_1607 = arith.constant 0 : i32
        %dma_start3A_1608 = tpu.memref_slice %dma_start3A_1606[%dma_start3A_1591, %dma_start3A_1607] : memref<16x50xi32, #tpu.memory_space<vmem>> -> memref<1x50xi32, #tpu.memory_space<vmem>>
        %dma_start3A_1609 = tpu.memref_squeeze %dma_start3A_1608 : memref<1x50xi32, #tpu.memory_space<vmem>> -> memref<50xi32, #tpu.memory_space<vmem>>
        %dma_start3A_1610 = arith.constant 0 : i32
        %dma_start3A_1611 = arith.constant 0 : i32
        %dma_start3A_1612 = tpu.memref_slice %arg3[%dma_start3A_1610, %dma_start3A_1611] : memref<1000000x64xf32, #tpu.memory_space<hbm>> -> memref<1000000x64xf32, #tpu.memory_space<hbm>>
        tpu.enqueue_indirect_dma source(%dma_start3A_1612 : memref<1000000x64xf32, #tpu.memory_space<hbm>>) target(%dma_start3A_1602 : memref<50x64xf32, #tpu.memory_space<vmem>>) offsets(%dma_start3A_1609 : memref<50xi32, #tpu.memory_space<vmem>>) semaphore(%arg8 : memref<!tpu.dma_semaphore, #tpu.memory_space<semaphore_mem>>)
      } else {
      }
      %dma_wait3A = arith.constant 0 : i32
      %dma_wait3A_386 = arith.constant 0 : i32
      %dma_wait3A_387 = arith.constant 0 : i32
      %dma_wait3A_388 = arith.constant 0 : i32
      %dma_wait3A_389 = arith.constant 0 : i32
      %dma_wait3A_390 = tpu.memref_slice %arg6[%dma_wait3A, %dma_wait3A_387, %dma_wait3A_388, %dma_wait3A_389] : memref<2x16x50x64xf32, #tpu.memory_space<vmem>> -> memref<1x16x50x64xf32, #tpu.memory_space<vmem>>
      %dma_wait3A_391 = tpu.memref_squeeze %dma_wait3A_390 : memref<1x16x50x64xf32, #tpu.memory_space<vmem>> -> memref<16x50x64xf32, #tpu.memory_space<vmem>>
      %dma_wait3A_392 = arith.constant 0 : i32
      %dma_wait3A_393 = arith.constant 0 : i32
      %dma_wait3A_394 = tpu.memref_slice %dma_wait3A_391[%dma_wait3A_386, %dma_wait3A_392, %dma_wait3A_393] : memref<16x50x64xf32, #tpu.memory_space<vmem>> -> memref<1x50x64xf32, #tpu.memory_space<vmem>>
      %dma_wait3A_395 = tpu.memref_squeeze %dma_wait3A_394 : memref<1x50x64xf32, #tpu.memory_space<vmem>> -> memref<50x64xf32, #tpu.memory_space<vmem>>
      %dma_wait3A_396 = arith.constant 0 : i32
      %dma_wait3A_397 = arith.constant 0 : i32
      %dma_wait3A_398 = tpu.memref_slice %arg3[%dma_wait3A_396, %dma_wait3A_397] : memref<1000000x64xf32, #tpu.memory_space<hbm>> -> memref<50x64xf32, #tpu.memory_space<hbm>>
      %dma_wait3A_399 = arith.constant 0 : i32
      %dma_wait3A_400 = arith.constant 0 : i32
      %dma_wait3A_401 = arith.constant 0 : i32
      %dma_wait3A_402 = tpu.memref_slice %arg6[%dma_wait3A, %dma_wait3A_399, %dma_wait3A_400, %dma_wait3A_401] : memref<2x16x50x64xf32, #tpu.memory_space<vmem>> -> memref<1x16x50x64xf32, #tpu.memory_space<vmem>>
      %dma_wait3A_403 = tpu.memref_squeeze %dma_wait3A_402 : memref<1x16x50x64xf32, #tpu.memory_space<vmem>> -> memref<16x50x64xf32, #tpu.memory_space<vmem>>
      %dma_wait3A_404 = arith.constant 0 : i32
      %dma_wait3A_405 = arith.constant 0 : i32
      %dma_wait3A_406 = tpu.memref_slice %dma_wait3A_403[%dma_wait3A_386, %dma_wait3A_404, %dma_wait3A_405] : memref<16x50x64xf32, #tpu.memory_space<vmem>> -> memref<1x50x64xf32, #tpu.memory_space<vmem>>
      %dma_wait3A_407 = tpu.memref_squeeze %dma_wait3A_406 : memref<1x50x64xf32, #tpu.memory_space<vmem>> -> memref<50x64xf32, #tpu.memory_space<vmem>>
      %dma_wait3A_408 = arith.constant 0 : i32
      %dma_wait3A_409 = arith.constant 0 : i32
      %dma_wait3A_410 = tpu.memref_slice %arg3[%dma_wait3A_408, %dma_wait3A_409] : memref<1000000x64xf32, #tpu.memory_space<hbm>> -> memref<50x64xf32, #tpu.memory_space<hbm>>
      tpu.wait_dma2 semaphore(%arg7 : memref<!tpu.dma_semaphore, #tpu.memory_space<semaphore_mem>>) src(%dma_wait3A_410 : memref<50x64xf32, #tpu.memory_space<hbm>>) dst(%dma_wait3A_407 : memref<50x64xf32, #tpu.memory_space<vmem>>)
      %dma_wait3A_411 = arith.constant 0 : i32
      %dma_wait3A_412 = arith.constant 1 : i32
      %dma_wait3A_413 = arith.constant 0 : i32
      %dma_wait3A_414 = arith.constant 0 : i32
      %dma_wait3A_415 = arith.constant 0 : i32
      %dma_wait3A_416 = tpu.memref_slice %arg6[%dma_wait3A_411, %dma_wait3A_413, %dma_wait3A_414, %dma_wait3A_415] : memref<2x16x50x64xf32, #tpu.memory_space<vmem>> -> memref<1x16x50x64xf32, #tpu.memory_space<vmem>>
      %dma_wait3A_417 = tpu.memref_squeeze %dma_wait3A_416 : memref<1x16x50x64xf32, #tpu.memory_space<vmem>> -> memref<16x50x64xf32, #tpu.memory_space<vmem>>
      %dma_wait3A_418 = arith.constant 0 : i32
      %dma_wait3A_419 = arith.constant 0 : i32
      %dma_wait3A_420 = tpu.memref_slice %dma_wait3A_417[%dma_wait3A_412, %dma_wait3A_418, %dma_wait3A_419] : memref<16x50x64xf32, #tpu.memory_space<vmem>> -> memref<1x50x64xf32, #tpu.memory_space<vmem>>
      %dma_wait3A_421 = tpu.memref_squeeze %dma_wait3A_420 : memref<1x50x64xf32, #tpu.memory_space<vmem>> -> memref<50x64xf32, #tpu.memory_space<vmem>>
      %dma_wait3A_422 = arith.constant 0 : i32
      %dma_wait3A_423 = arith.constant 0 : i32
      %dma_wait3A_424 = tpu.memref_slice %arg3[%dma_wait3A_422, %dma_wait3A_423] : memref<1000000x64xf32, #tpu.memory_space<hbm>> -> memref<50x64xf32, #tpu.memory_space<hbm>>
      %dma_wait3A_425 = arith.constant 0 : i32
      %dma_wait3A_426 = arith.constant 0 : i32
      %dma_wait3A_427 = arith.constant 0 : i32
      %dma_wait3A_428 = tpu.memref_slice %arg6[%dma_wait3A_411, %dma_wait3A_425, %dma_wait3A_426, %dma_wait3A_427] : memref<2x16x50x64xf32, #tpu.memory_space<vmem>> -> memref<1x16x50x64xf32, #tpu.memory_space<vmem>>
      %dma_wait3A_429 = tpu.memref_squeeze %dma_wait3A_428 : memref<1x16x50x64xf32, #tpu.memory_space<vmem>> -> memref<16x50x64xf32, #tpu.memory_space<vmem>>
      %dma_wait3A_430 = arith.constant 0 : i32
      %dma_wait3A_431 = arith.constant 0 : i32
      %dma_wait3A_432 = tpu.memref_slice %dma_wait3A_429[%dma_wait3A_412, %dma_wait3A_430, %dma_wait3A_431] : memref<16x50x64xf32, #tpu.memory_space<vmem>> -> memref<1x50x64xf32, #tpu.memory_space<vmem>>
      %dma_wait3A_433 = tpu.memref_squeeze %dma_wait3A_432 : memref<1x50x64xf32, #tpu.memory_space<vmem>> -> memref<50x64xf32, #tpu.memory_space<vmem>>
      %dma_wait3A_434 = arith.constant 0 : i32
      %dma_wait3A_435 = arith.constant 0 : i32
      %dma_wait3A_436 = tpu.memref_slice %arg3[%dma_wait3A_434, %dma_wait3A_435] : memref<1000000x64xf32, #tpu.memory_space<hbm>> -> memref<50x64xf32, #tpu.memory_space<hbm>>
      tpu.wait_dma2 semaphore(%arg7 : memref<!tpu.dma_semaphore, #tpu.memory_space<semaphore_mem>>) src(%dma_wait3A_436 : memref<50x64xf32, #tpu.memory_space<hbm>>) dst(%dma_wait3A_433 : memref<50x64xf32, #tpu.memory_space<vmem>>)
      %dma_wait3A_437 = arith.constant 0 : i32
      %dma_wait3A_438 = arith.constant 2 : i32
      %dma_wait3A_439 = arith.constant 0 : i32
      %dma_wait3A_440 = arith.constant 0 : i32
      %dma_wait3A_441 = arith.constant 0 : i32
      %dma_wait3A_442 = tpu.memref_slice %arg6[%dma_wait3A_437, %dma_wait3A_439, %dma_wait3A_440, %dma_wait3A_441] : memref<2x16x50x64xf32, #tpu.memory_space<vmem>> -> memref<1x16x50x64xf32, #tpu.memory_space<vmem>>
      %dma_wait3A_443 = tpu.memref_squeeze %dma_wait3A_442 : memref<1x16x50x64xf32, #tpu.memory_space<vmem>> -> memref<16x50x64xf32, #tpu.memory_space<vmem>>
      %dma_wait3A_444 = arith.constant 0 : i32
      %dma_wait3A_445 = arith.constant 0 : i32
      %dma_wait3A_446 = tpu.memref_slice %dma_wait3A_443[%dma_wait3A_438, %dma_wait3A_444, %dma_wait3A_445] : memref<16x50x64xf32, #tpu.memory_space<vmem>> -> memref<1x50x64xf32, #tpu.memory_space<vmem>>
      %dma_wait3A_447 = tpu.memref_squeeze %dma_wait3A_446 : memref<1x50x64xf32, #tpu.memory_space<vmem>> -> memref<50x64xf32, #tpu.memory_space<vmem>>
      %dma_wait3A_448 = arith.constant 0 : i32
      %dma_wait3A_449 = arith.constant 0 : i32
      %dma_wait3A_450 = tpu.memref_slice %arg3[%dma_wait3A_448, %dma_wait3A_449] : memref<1000000x64xf32, #tpu.memory_space<hbm>> -> memref<50x64xf32, #tpu.memory_space<hbm>>
      %dma_wait3A_451 = arith.constant 0 : i32
      %dma_wait3A_452 = arith.constant 0 : i32
      %dma_wait3A_453 = arith.constant 0 : i32
      %dma_wait3A_454 = tpu.memref_slice %arg6[%dma_wait3A_437, %dma_wait3A_451, %dma_wait3A_452, %dma_wait3A_453] : memref<2x16x50x64xf32, #tpu.memory_space<vmem>> -> memref<1x16x50x64xf32, #tpu.memory_space<vmem>>
      %dma_wait3A_455 = tpu.memref_squeeze %dma_wait3A_454 : memref<1x16x50x64xf32, #tpu.memory_space<vmem>> -> memref<16x50x64xf32, #tpu.memory_space<vmem>>
      %dma_wait3A_456 = arith.constant 0 : i32
      %dma_wait3A_457 = arith.constant 0 : i32
      %dma_wait3A_458 = tpu.memref_slice %dma_wait3A_455[%dma_wait3A_438, %dma_wait3A_456, %dma_wait3A_457] : memref<16x50x64xf32, #tpu.memory_space<vmem>> -> memref<1x50x64xf32, #tpu.memory_space<vmem>>
      %dma_wait3A_459 = tpu.memref_squeeze %dma_wait3A_458 : memref<1x50x64xf32, #tpu.memory_space<vmem>> -> memref<50x64xf32, #tpu.memory_space<vmem>>
      %dma_wait3A_460 = arith.constant 0 : i32
      %dma_wait3A_461 = arith.constant 0 : i32
      %dma_wait3A_462 = tpu.memref_slice %arg3[%dma_wait3A_460, %dma_wait3A_461] : memref<1000000x64xf32, #tpu.memory_space<hbm>> -> memref<50x64xf32, #tpu.memory_space<hbm>>
      tpu.wait_dma2 semaphore(%arg7 : memref<!tpu.dma_semaphore, #tpu.memory_space<semaphore_mem>>) src(%dma_wait3A_462 : memref<50x64xf32, #tpu.memory_space<hbm>>) dst(%dma_wait3A_459 : memref<50x64xf32, #tpu.memory_space<vmem>>)
      %dma_wait3A_463 = arith.constant 0 : i32
      %dma_wait3A_464 = arith.constant 3 : i32
      %dma_wait3A_465 = arith.constant 0 : i32
      %dma_wait3A_466 = arith.constant 0 : i32
      %dma_wait3A_467 = arith.constant 0 : i32
      %dma_wait3A_468 = tpu.memref_slice %arg6[%dma_wait3A_463, %dma_wait3A_465, %dma_wait3A_466, %dma_wait3A_467] : memref<2x16x50x64xf32, #tpu.memory_space<vmem>> -> memref<1x16x50x64xf32, #tpu.memory_space<vmem>>
      %dma_wait3A_469 = tpu.memref_squeeze %dma_wait3A_468 : memref<1x16x50x64xf32, #tpu.memory_space<vmem>> -> memref<16x50x64xf32, #tpu.memory_space<vmem>>
      %dma_wait3A_470 = arith.constant 0 : i32
      %dma_wait3A_471 = arith.constant 0 : i32
      %dma_wait3A_472 = tpu.memref_slice %dma_wait3A_469[%dma_wait3A_464, %dma_wait3A_470, %dma_wait3A_471] : memref<16x50x64xf32, #tpu.memory_space<vmem>> -> memref<1x50x64xf32, #tpu.memory_space<vmem>>
      %dma_wait3A_473 = tpu.memref_squeeze %dma_wait3A_472 : memref<1x50x64xf32, #tpu.memory_space<vmem>> -> memref<50x64xf32, #tpu.memory_space<vmem>>
      %dma_wait3A_474 = arith.constant 0 : i32
      %dma_wait3A_475 = arith.constant 0 : i32
      %dma_wait3A_476 = tpu.memref_slice %arg3[%dma_wait3A_474, %dma_wait3A_475] : memref<1000000x64xf32, #tpu.memory_space<hbm>> -> memref<50x64xf32, #tpu.memory_space<hbm>>
      %dma_wait3A_477 = arith.constant 0 : i32
      %dma_wait3A_478 = arith.constant 0 : i32
      %dma_wait3A_479 = arith.constant 0 : i32
      %dma_wait3A_480 = tpu.memref_slice %arg6[%dma_wait3A_463, %dma_wait3A_477, %dma_wait3A_478, %dma_wait3A_479] : memref<2x16x50x64xf32, #tpu.memory_space<vmem>> -> memref<1x16x50x64xf32, #tpu.memory_space<vmem>>
      %dma_wait3A_481 = tpu.memref_squeeze %dma_wait3A_480 : memref<1x16x50x64xf32, #tpu.memory_space<vmem>> -> memref<16x50x64xf32, #tpu.memory_space<vmem>>
      %dma_wait3A_482 = arith.constant 0 : i32
      %dma_wait3A_483 = arith.constant 0 : i32
      %dma_wait3A_484 = tpu.memref_slice %dma_wait3A_481[%dma_wait3A_464, %dma_wait3A_482, %dma_wait3A_483] : memref<16x50x64xf32, #tpu.memory_space<vmem>> -> memref<1x50x64xf32, #tpu.memory_space<vmem>>
      %dma_wait3A_485 = tpu.memref_squeeze %dma_wait3A_484 : memref<1x50x64xf32, #tpu.memory_space<vmem>> -> memref<50x64xf32, #tpu.memory_space<vmem>>
      %dma_wait3A_486 = arith.constant 0 : i32
      %dma_wait3A_487 = arith.constant 0 : i32
      %dma_wait3A_488 = tpu.memref_slice %arg3[%dma_wait3A_486, %dma_wait3A_487] : memref<1000000x64xf32, #tpu.memory_space<hbm>> -> memref<50x64xf32, #tpu.memory_space<hbm>>
      tpu.wait_dma2 semaphore(%arg7 : memref<!tpu.dma_semaphore, #tpu.memory_space<semaphore_mem>>) src(%dma_wait3A_488 : memref<50x64xf32, #tpu.memory_space<hbm>>) dst(%dma_wait3A_485 : memref<50x64xf32, #tpu.memory_space<vmem>>)
      %dma_wait3A_489 = arith.constant 0 : i32
      %dma_wait3A_490 = arith.constant 4 : i32
      %dma_wait3A_491 = arith.constant 0 : i32
      %dma_wait3A_492 = arith.constant 0 : i32
      %dma_wait3A_493 = arith.constant 0 : i32
      %dma_wait3A_494 = tpu.memref_slice %arg6[%dma_wait3A_489, %dma_wait3A_491, %dma_wait3A_492, %dma_wait3A_493] : memref<2x16x50x64xf32, #tpu.memory_space<vmem>> -> memref<1x16x50x64xf32, #tpu.memory_space<vmem>>
      %dma_wait3A_495 = tpu.memref_squeeze %dma_wait3A_494 : memref<1x16x50x64xf32, #tpu.memory_space<vmem>> -> memref<16x50x64xf32, #tpu.memory_space<vmem>>
      %dma_wait3A_496 = arith.constant 0 : i32
      %dma_wait3A_497 = arith.constant 0 : i32
      %dma_wait3A_498 = tpu.memref_slice %dma_wait3A_495[%dma_wait3A_490, %dma_wait3A_496, %dma_wait3A_497] : memref<16x50x64xf32, #tpu.memory_space<vmem>> -> memref<1x50x64xf32, #tpu.memory_space<vmem>>
      %dma_wait3A_499 = tpu.memref_squeeze %dma_wait3A_498 : memref<1x50x64xf32, #tpu.memory_space<vmem>> -> memref<50x64xf32, #tpu.memory_space<vmem>>
      %dma_wait3A_500 = arith.constant 0 : i32
      %dma_wait3A_501 = arith.constant 0 : i32
      %dma_wait3A_502 = tpu.memref_slice %arg3[%dma_wait3A_500, %dma_wait3A_501] : memref<1000000x64xf32, #tpu.memory_space<hbm>> -> memref<50x64xf32, #tpu.memory_space<hbm>>
      %dma_wait3A_503 = arith.constant 0 : i32
      %dma_wait3A_504 = arith.constant 0 : i32
      %dma_wait3A_505 = arith.constant 0 : i32
      %dma_wait3A_506 = tpu.memref_slice %arg6[%dma_wait3A_489, %dma_wait3A_503, %dma_wait3A_504, %dma_wait3A_505] : memref<2x16x50x64xf32, #tpu.memory_space<vmem>> -> memref<1x16x50x64xf32, #tpu.memory_space<vmem>>
      %dma_wait3A_507 = tpu.memref_squeeze %dma_wait3A_506 : memref<1x16x50x64xf32, #tpu.memory_space<vmem>> -> memref<16x50x64xf32, #tpu.memory_space<vmem>>
      %dma_wait3A_508 = arith.constant 0 : i32
      %dma_wait3A_509 = arith.constant 0 : i32
      %dma_wait3A_510 = tpu.memref_slice %dma_wait3A_507[%dma_wait3A_490, %dma_wait3A_508, %dma_wait3A_509] : memref<16x50x64xf32, #tpu.memory_space<vmem>> -> memref<1x50x64xf32, #tpu.memory_space<vmem>>
      %dma_wait3A_511 = tpu.memref_squeeze %dma_wait3A_510 : memref<1x50x64xf32, #tpu.memory_space<vmem>> -> memref<50x64xf32, #tpu.memory_space<vmem>>
      %dma_wait3A_512 = arith.constant 0 : i32
      %dma_wait3A_513 = arith.constant 0 : i32
      %dma_wait3A_514 = tpu.memref_slice %arg3[%dma_wait3A_512, %dma_wait3A_513] : memref<1000000x64xf32, #tpu.memory_space<hbm>> -> memref<50x64xf32, #tpu.memory_space<hbm>>
      tpu.wait_dma2 semaphore(%arg7 : memref<!tpu.dma_semaphore, #tpu.memory_space<semaphore_mem>>) src(%dma_wait3A_514 : memref<50x64xf32, #tpu.memory_space<hbm>>) dst(%dma_wait3A_511 : memref<50x64xf32, #tpu.memory_space<vmem>>)
      %dma_wait3A_515 = arith.constant 0 : i32
      %dma_wait3A_516 = arith.constant 5 : i32
      %dma_wait3A_517 = arith.constant 0 : i32
      %dma_wait3A_518 = arith.constant 0 : i32
      %dma_wait3A_519 = arith.constant 0 : i32
      %dma_wait3A_520 = tpu.memref_slice %arg6[%dma_wait3A_515, %dma_wait3A_517, %dma_wait3A_518, %dma_wait3A_519] : memref<2x16x50x64xf32, #tpu.memory_space<vmem>> -> memref<1x16x50x64xf32, #tpu.memory_space<vmem>>
      %dma_wait3A_521 = tpu.memref_squeeze %dma_wait3A_520 : memref<1x16x50x64xf32, #tpu.memory_space<vmem>> -> memref<16x50x64xf32, #tpu.memory_space<vmem>>
      %dma_wait3A_522 = arith.constant 0 : i32
      %dma_wait3A_523 = arith.constant 0 : i32
      %dma_wait3A_524 = tpu.memref_slice %dma_wait3A_521[%dma_wait3A_516, %dma_wait3A_522, %dma_wait3A_523] : memref<16x50x64xf32, #tpu.memory_space<vmem>> -> memref<1x50x64xf32, #tpu.memory_space<vmem>>
      %dma_wait3A_525 = tpu.memref_squeeze %dma_wait3A_524 : memref<1x50x64xf32, #tpu.memory_space<vmem>> -> memref<50x64xf32, #tpu.memory_space<vmem>>
      %dma_wait3A_526 = arith.constant 0 : i32
      %dma_wait3A_527 = arith.constant 0 : i32
      %dma_wait3A_528 = tpu.memref_slice %arg3[%dma_wait3A_526, %dma_wait3A_527] : memref<1000000x64xf32, #tpu.memory_space<hbm>> -> memref<50x64xf32, #tpu.memory_space<hbm>>
      %dma_wait3A_529 = arith.constant 0 : i32
      %dma_wait3A_530 = arith.constant 0 : i32
      %dma_wait3A_531 = arith.constant 0 : i32
      %dma_wait3A_532 = tpu.memref_slice %arg6[%dma_wait3A_515, %dma_wait3A_529, %dma_wait3A_530, %dma_wait3A_531] : memref<2x16x50x64xf32, #tpu.memory_space<vmem>> -> memref<1x16x50x64xf32, #tpu.memory_space<vmem>>
      %dma_wait3A_533 = tpu.memref_squeeze %dma_wait3A_532 : memref<1x16x50x64xf32, #tpu.memory_space<vmem>> -> memref<16x50x64xf32, #tpu.memory_space<vmem>>
      %dma_wait3A_534 = arith.constant 0 : i32
      %dma_wait3A_535 = arith.constant 0 : i32
      %dma_wait3A_536 = tpu.memref_slice %dma_wait3A_533[%dma_wait3A_516, %dma_wait3A_534, %dma_wait3A_535] : memref<16x50x64xf32, #tpu.memory_space<vmem>> -> memref<1x50x64xf32, #tpu.memory_space<vmem>>
      %dma_wait3A_537 = tpu.memref_squeeze %dma_wait3A_536 : memref<1x50x64xf32, #tpu.memory_space<vmem>> -> memref<50x64xf32, #tpu.memory_space<vmem>>
      %dma_wait3A_538 = arith.constant 0 : i32
      %dma_wait3A_539 = arith.constant 0 : i32
      %dma_wait3A_540 = tpu.memref_slice %arg3[%dma_wait3A_538, %dma_wait3A_539] : memref<1000000x64xf32, #tpu.memory_space<hbm>> -> memref<50x64xf32, #tpu.memory_space<hbm>>
      tpu.wait_dma2 semaphore(%arg7 : memref<!tpu.dma_semaphore, #tpu.memory_space<semaphore_mem>>) src(%dma_wait3A_540 : memref<50x64xf32, #tpu.memory_space<hbm>>) dst(%dma_wait3A_537 : memref<50x64xf32, #tpu.memory_space<vmem>>)
      %dma_wait3A_541 = arith.constant 0 : i32
      %dma_wait3A_542 = arith.constant 6 : i32
      %dma_wait3A_543 = arith.constant 0 : i32
      %dma_wait3A_544 = arith.constant 0 : i32
      %dma_wait3A_545 = arith.constant 0 : i32
      %dma_wait3A_546 = tpu.memref_slice %arg6[%dma_wait3A_541, %dma_wait3A_543, %dma_wait3A_544, %dma_wait3A_545] : memref<2x16x50x64xf32, #tpu.memory_space<vmem>> -> memref<1x16x50x64xf32, #tpu.memory_space<vmem>>
      %dma_wait3A_547 = tpu.memref_squeeze %dma_wait3A_546 : memref<1x16x50x64xf32, #tpu.memory_space<vmem>> -> memref<16x50x64xf32, #tpu.memory_space<vmem>>
      %dma_wait3A_548 = arith.constant 0 : i32
      %dma_wait3A_549 = arith.constant 0 : i32
      %dma_wait3A_550 = tpu.memref_slice %dma_wait3A_547[%dma_wait3A_542, %dma_wait3A_548, %dma_wait3A_549] : memref<16x50x64xf32, #tpu.memory_space<vmem>> -> memref<1x50x64xf32, #tpu.memory_space<vmem>>
      %dma_wait3A_551 = tpu.memref_squeeze %dma_wait3A_550 : memref<1x50x64xf32, #tpu.memory_space<vmem>> -> memref<50x64xf32, #tpu.memory_space<vmem>>
      %dma_wait3A_552 = arith.constant 0 : i32
      %dma_wait3A_553 = arith.constant 0 : i32
      %dma_wait3A_554 = tpu.memref_slice %arg3[%dma_wait3A_552, %dma_wait3A_553] : memref<1000000x64xf32, #tpu.memory_space<hbm>> -> memref<50x64xf32, #tpu.memory_space<hbm>>
      %dma_wait3A_555 = arith.constant 0 : i32
      %dma_wait3A_556 = arith.constant 0 : i32
      %dma_wait3A_557 = arith.constant 0 : i32
      %dma_wait3A_558 = tpu.memref_slice %arg6[%dma_wait3A_541, %dma_wait3A_555, %dma_wait3A_556, %dma_wait3A_557] : memref<2x16x50x64xf32, #tpu.memory_space<vmem>> -> memref<1x16x50x64xf32, #tpu.memory_space<vmem>>
      %dma_wait3A_559 = tpu.memref_squeeze %dma_wait3A_558 : memref<1x16x50x64xf32, #tpu.memory_space<vmem>> -> memref<16x50x64xf32, #tpu.memory_space<vmem>>
      %dma_wait3A_560 = arith.constant 0 : i32
      %dma_wait3A_561 = arith.constant 0 : i32
      %dma_wait3A_562 = tpu.memref_slice %dma_wait3A_559[%dma_wait3A_542, %dma_wait3A_560, %dma_wait3A_561] : memref<16x50x64xf32, #tpu.memory_space<vmem>> -> memref<1x50x64xf32, #tpu.memory_space<vmem>>
      %dma_wait3A_563 = tpu.memref_squeeze %dma_wait3A_562 : memref<1x50x64xf32, #tpu.memory_space<vmem>> -> memref<50x64xf32, #tpu.memory_space<vmem>>
      %dma_wait3A_564 = arith.constant 0 : i32
      %dma_wait3A_565 = arith.constant 0 : i32
      %dma_wait3A_566 = tpu.memref_slice %arg3[%dma_wait3A_564, %dma_wait3A_565] : memref<1000000x64xf32, #tpu.memory_space<hbm>> -> memref<50x64xf32, #tpu.memory_space<hbm>>
      tpu.wait_dma2 semaphore(%arg7 : memref<!tpu.dma_semaphore, #tpu.memory_space<semaphore_mem>>) src(%dma_wait3A_566 : memref<50x64xf32, #tpu.memory_space<hbm>>) dst(%dma_wait3A_563 : memref<50x64xf32, #tpu.memory_space<vmem>>)
      %dma_wait3A_567 = arith.constant 0 : i32
      %dma_wait3A_568 = arith.constant 7 : i32
      %dma_wait3A_569 = arith.constant 0 : i32
      %dma_wait3A_570 = arith.constant 0 : i32
      %dma_wait3A_571 = arith.constant 0 : i32
      %dma_wait3A_572 = tpu.memref_slice %arg6[%dma_wait3A_567, %dma_wait3A_569, %dma_wait3A_570, %dma_wait3A_571] : memref<2x16x50x64xf32, #tpu.memory_space<vmem>> -> memref<1x16x50x64xf32, #tpu.memory_space<vmem>>
      %dma_wait3A_573 = tpu.memref_squeeze %dma_wait3A_572 : memref<1x16x50x64xf32, #tpu.memory_space<vmem>> -> memref<16x50x64xf32, #tpu.memory_space<vmem>>
      %dma_wait3A_574 = arith.constant 0 : i32
      %dma_wait3A_575 = arith.constant 0 : i32
      %dma_wait3A_576 = tpu.memref_slice %dma_wait3A_573[%dma_wait3A_568, %dma_wait3A_574, %dma_wait3A_575] : memref<16x50x64xf32, #tpu.memory_space<vmem>> -> memref<1x50x64xf32, #tpu.memory_space<vmem>>
      %dma_wait3A_577 = tpu.memref_squeeze %dma_wait3A_576 : memref<1x50x64xf32, #tpu.memory_space<vmem>> -> memref<50x64xf32, #tpu.memory_space<vmem>>
      %dma_wait3A_578 = arith.constant 0 : i32
      %dma_wait3A_579 = arith.constant 0 : i32
      %dma_wait3A_580 = tpu.memref_slice %arg3[%dma_wait3A_578, %dma_wait3A_579] : memref<1000000x64xf32, #tpu.memory_space<hbm>> -> memref<50x64xf32, #tpu.memory_space<hbm>>
      %dma_wait3A_581 = arith.constant 0 : i32
      %dma_wait3A_582 = arith.constant 0 : i32
      %dma_wait3A_583 = arith.constant 0 : i32
      %dma_wait3A_584 = tpu.memref_slice %arg6[%dma_wait3A_567, %dma_wait3A_581, %dma_wait3A_582, %dma_wait3A_583] : memref<2x16x50x64xf32, #tpu.memory_space<vmem>> -> memref<1x16x50x64xf32, #tpu.memory_space<vmem>>
      %dma_wait3A_585 = tpu.memref_squeeze %dma_wait3A_584 : memref<1x16x50x64xf32, #tpu.memory_space<vmem>> -> memref<16x50x64xf32, #tpu.memory_space<vmem>>
      %dma_wait3A_586 = arith.constant 0 : i32
      %dma_wait3A_587 = arith.constant 0 : i32
      %dma_wait3A_588 = tpu.memref_slice %dma_wait3A_585[%dma_wait3A_568, %dma_wait3A_586, %dma_wait3A_587] : memref<16x50x64xf32, #tpu.memory_space<vmem>> -> memref<1x50x64xf32, #tpu.memory_space<vmem>>
      %dma_wait3A_589 = tpu.memref_squeeze %dma_wait3A_588 : memref<1x50x64xf32, #tpu.memory_space<vmem>> -> memref<50x64xf32, #tpu.memory_space<vmem>>
      %dma_wait3A_590 = arith.constant 0 : i32
      %dma_wait3A_591 = arith.constant 0 : i32
      %dma_wait3A_592 = tpu.memref_slice %arg3[%dma_wait3A_590, %dma_wait3A_591] : memref<1000000x64xf32, #tpu.memory_space<hbm>> -> memref<50x64xf32, #tpu.memory_space<hbm>>
      tpu.wait_dma2 semaphore(%arg7 : memref<!tpu.dma_semaphore, #tpu.memory_space<semaphore_mem>>) src(%dma_wait3A_592 : memref<50x64xf32, #tpu.memory_space<hbm>>) dst(%dma_wait3A_589 : memref<50x64xf32, #tpu.memory_space<vmem>>)
      %dma_wait3A_593 = arith.constant 0 : i32
      %dma_wait3A_594 = arith.constant 8 : i32
      %dma_wait3A_595 = arith.constant 0 : i32
      %dma_wait3A_596 = arith.constant 0 : i32
      %dma_wait3A_597 = arith.constant 0 : i32
      %dma_wait3A_598 = tpu.memref_slice %arg6[%dma_wait3A_593, %dma_wait3A_595, %dma_wait3A_596, %dma_wait3A_597] : memref<2x16x50x64xf32, #tpu.memory_space<vmem>> -> memref<1x16x50x64xf32, #tpu.memory_space<vmem>>
      %dma_wait3A_599 = tpu.memref_squeeze %dma_wait3A_598 : memref<1x16x50x64xf32, #tpu.memory_space<vmem>> -> memref<16x50x64xf32, #tpu.memory_space<vmem>>
      %dma_wait3A_600 = arith.constant 0 : i32
      %dma_wait3A_601 = arith.constant 0 : i32
      %dma_wait3A_602 = tpu.memref_slice %dma_wait3A_599[%dma_wait3A_594, %dma_wait3A_600, %dma_wait3A_601] : memref<16x50x64xf32, #tpu.memory_space<vmem>> -> memref<1x50x64xf32, #tpu.memory_space<vmem>>
      %dma_wait3A_603 = tpu.memref_squeeze %dma_wait3A_602 : memref<1x50x64xf32, #tpu.memory_space<vmem>> -> memref<50x64xf32, #tpu.memory_space<vmem>>
      %dma_wait3A_604 = arith.constant 0 : i32
      %dma_wait3A_605 = arith.constant 0 : i32
      %dma_wait3A_606 = tpu.memref_slice %arg3[%dma_wait3A_604, %dma_wait3A_605] : memref<1000000x64xf32, #tpu.memory_space<hbm>> -> memref<50x64xf32, #tpu.memory_space<hbm>>
      %dma_wait3A_607 = arith.constant 0 : i32
      %dma_wait3A_608 = arith.constant 0 : i32
      %dma_wait3A_609 = arith.constant 0 : i32
      %dma_wait3A_610 = tpu.memref_slice %arg6[%dma_wait3A_593, %dma_wait3A_607, %dma_wait3A_608, %dma_wait3A_609] : memref<2x16x50x64xf32, #tpu.memory_space<vmem>> -> memref<1x16x50x64xf32, #tpu.memory_space<vmem>>
      %dma_wait3A_611 = tpu.memref_squeeze %dma_wait3A_610 : memref<1x16x50x64xf32, #tpu.memory_space<vmem>> -> memref<16x50x64xf32, #tpu.memory_space<vmem>>
      %dma_wait3A_612 = arith.constant 0 : i32
      %dma_wait3A_613 = arith.constant 0 : i32
      %dma_wait3A_614 = tpu.memref_slice %dma_wait3A_611[%dma_wait3A_594, %dma_wait3A_612, %dma_wait3A_613] : memref<16x50x64xf32, #tpu.memory_space<vmem>> -> memref<1x50x64xf32, #tpu.memory_space<vmem>>
      %dma_wait3A_615 = tpu.memref_squeeze %dma_wait3A_614 : memref<1x50x64xf32, #tpu.memory_space<vmem>> -> memref<50x64xf32, #tpu.memory_space<vmem>>
      %dma_wait3A_616 = arith.constant 0 : i32
      %dma_wait3A_617 = arith.constant 0 : i32
      %dma_wait3A_618 = tpu.memref_slice %arg3[%dma_wait3A_616, %dma_wait3A_617] : memref<1000000x64xf32, #tpu.memory_space<hbm>> -> memref<50x64xf32, #tpu.memory_space<hbm>>
      tpu.wait_dma2 semaphore(%arg7 : memref<!tpu.dma_semaphore, #tpu.memory_space<semaphore_mem>>) src(%dma_wait3A_618 : memref<50x64xf32, #tpu.memory_space<hbm>>) dst(%dma_wait3A_615 : memref<50x64xf32, #tpu.memory_space<vmem>>)
      %dma_wait3A_619 = arith.constant 0 : i32
      %dma_wait3A_620 = arith.constant 9 : i32
      %dma_wait3A_621 = arith.constant 0 : i32
      %dma_wait3A_622 = arith.constant 0 : i32
      %dma_wait3A_623 = arith.constant 0 : i32
      %dma_wait3A_624 = tpu.memref_slice %arg6[%dma_wait3A_619, %dma_wait3A_621, %dma_wait3A_622, %dma_wait3A_623] : memref<2x16x50x64xf32, #tpu.memory_space<vmem>> -> memref<1x16x50x64xf32, #tpu.memory_space<vmem>>
      %dma_wait3A_625 = tpu.memref_squeeze %dma_wait3A_624 : memref<1x16x50x64xf32, #tpu.memory_space<vmem>> -> memref<16x50x64xf32, #tpu.memory_space<vmem>>
      %dma_wait3A_626 = arith.constant 0 : i32
      %dma_wait3A_627 = arith.constant 0 : i32
      %dma_wait3A_628 = tpu.memref_slice %dma_wait3A_625[%dma_wait3A_620, %dma_wait3A_626, %dma_wait3A_627] : memref<16x50x64xf32, #tpu.memory_space<vmem>> -> memref<1x50x64xf32, #tpu.memory_space<vmem>>
      %dma_wait3A_629 = tpu.memref_squeeze %dma_wait3A_628 : memref<1x50x64xf32, #tpu.memory_space<vmem>> -> memref<50x64xf32, #tpu.memory_space<vmem>>
      %dma_wait3A_630 = arith.constant 0 : i32
      %dma_wait3A_631 = arith.constant 0 : i32
      %dma_wait3A_632 = tpu.memref_slice %arg3[%dma_wait3A_630, %dma_wait3A_631] : memref<1000000x64xf32, #tpu.memory_space<hbm>> -> memref<50x64xf32, #tpu.memory_space<hbm>>
      %dma_wait3A_633 = arith.constant 0 : i32
      %dma_wait3A_634 = arith.constant 0 : i32
      %dma_wait3A_635 = arith.constant 0 : i32
      %dma_wait3A_636 = tpu.memref_slice %arg6[%dma_wait3A_619, %dma_wait3A_633, %dma_wait3A_634, %dma_wait3A_635] : memref<2x16x50x64xf32, #tpu.memory_space<vmem>> -> memref<1x16x50x64xf32, #tpu.memory_space<vmem>>
      %dma_wait3A_637 = tpu.memref_squeeze %dma_wait3A_636 : memref<1x16x50x64xf32, #tpu.memory_space<vmem>> -> memref<16x50x64xf32, #tpu.memory_space<vmem>>
      %dma_wait3A_638 = arith.constant 0 : i32
      %dma_wait3A_639 = arith.constant 0 : i32
      %dma_wait3A_640 = tpu.memref_slice %dma_wait3A_637[%dma_wait3A_620, %dma_wait3A_638, %dma_wait3A_639] : memref<16x50x64xf32, #tpu.memory_space<vmem>> -> memref<1x50x64xf32, #tpu.memory_space<vmem>>
      %dma_wait3A_641 = tpu.memref_squeeze %dma_wait3A_640 : memref<1x50x64xf32, #tpu.memory_space<vmem>> -> memref<50x64xf32, #tpu.memory_space<vmem>>
      %dma_wait3A_642 = arith.constant 0 : i32
      %dma_wait3A_643 = arith.constant 0 : i32
      %dma_wait3A_644 = tpu.memref_slice %arg3[%dma_wait3A_642, %dma_wait3A_643] : memref<1000000x64xf32, #tpu.memory_space<hbm>> -> memref<50x64xf32, #tpu.memory_space<hbm>>
      tpu.wait_dma2 semaphore(%arg7 : memref<!tpu.dma_semaphore, #tpu.memory_space<semaphore_mem>>) src(%dma_wait3A_644 : memref<50x64xf32, #tpu.memory_space<hbm>>) dst(%dma_wait3A_641 : memref<50x64xf32, #tpu.memory_space<vmem>>)
      %dma_wait3A_645 = arith.constant 0 : i32
      %dma_wait3A_646 = arith.constant 10 : i32
      %dma_wait3A_647 = arith.constant 0 : i32
      %dma_wait3A_648 = arith.constant 0 : i32
      %dma_wait3A_649 = arith.constant 0 : i32
      %dma_wait3A_650 = tpu.memref_slice %arg6[%dma_wait3A_645, %dma_wait3A_647, %dma_wait3A_648, %dma_wait3A_649] : memref<2x16x50x64xf32, #tpu.memory_space<vmem>> -> memref<1x16x50x64xf32, #tpu.memory_space<vmem>>
      %dma_wait3A_651 = tpu.memref_squeeze %dma_wait3A_650 : memref<1x16x50x64xf32, #tpu.memory_space<vmem>> -> memref<16x50x64xf32, #tpu.memory_space<vmem>>
      %dma_wait3A_652 = arith.constant 0 : i32
      %dma_wait3A_653 = arith.constant 0 : i32
      %dma_wait3A_654 = tpu.memref_slice %dma_wait3A_651[%dma_wait3A_646, %dma_wait3A_652, %dma_wait3A_653] : memref<16x50x64xf32, #tpu.memory_space<vmem>> -> memref<1x50x64xf32, #tpu.memory_space<vmem>>
      %dma_wait3A_655 = tpu.memref_squeeze %dma_wait3A_654 : memref<1x50x64xf32, #tpu.memory_space<vmem>> -> memref<50x64xf32, #tpu.memory_space<vmem>>
      %dma_wait3A_656 = arith.constant 0 : i32
      %dma_wait3A_657 = arith.constant 0 : i32
      %dma_wait3A_658 = tpu.memref_slice %arg3[%dma_wait3A_656, %dma_wait3A_657] : memref<1000000x64xf32, #tpu.memory_space<hbm>> -> memref<50x64xf32, #tpu.memory_space<hbm>>
      %dma_wait3A_659 = arith.constant 0 : i32
      %dma_wait3A_660 = arith.constant 0 : i32
      %dma_wait3A_661 = arith.constant 0 : i32
      %dma_wait3A_662 = tpu.memref_slice %arg6[%dma_wait3A_645, %dma_wait3A_659, %dma_wait3A_660, %dma_wait3A_661] : memref<2x16x50x64xf32, #tpu.memory_space<vmem>> -> memref<1x16x50x64xf32, #tpu.memory_space<vmem>>
      %dma_wait3A_663 = tpu.memref_squeeze %dma_wait3A_662 : memref<1x16x50x64xf32, #tpu.memory_space<vmem>> -> memref<16x50x64xf32, #tpu.memory_space<vmem>>
      %dma_wait3A_664 = arith.constant 0 : i32
      %dma_wait3A_665 = arith.constant 0 : i32
      %dma_wait3A_666 = tpu.memref_slice %dma_wait3A_663[%dma_wait3A_646, %dma_wait3A_664, %dma_wait3A_665] : memref<16x50x64xf32, #tpu.memory_space<vmem>> -> memref<1x50x64xf32, #tpu.memory_space<vmem>>
      %dma_wait3A_667 = tpu.memref_squeeze %dma_wait3A_666 : memref<1x50x64xf32, #tpu.memory_space<vmem>> -> memref<50x64xf32, #tpu.memory_space<vmem>>
      %dma_wait3A_668 = arith.constant 0 : i32
      %dma_wait3A_669 = arith.constant 0 : i32
      %dma_wait3A_670 = tpu.memref_slice %arg3[%dma_wait3A_668, %dma_wait3A_669] : memref<1000000x64xf32, #tpu.memory_space<hbm>> -> memref<50x64xf32, #tpu.memory_space<hbm>>
      tpu.wait_dma2 semaphore(%arg7 : memref<!tpu.dma_semaphore, #tpu.memory_space<semaphore_mem>>) src(%dma_wait3A_670 : memref<50x64xf32, #tpu.memory_space<hbm>>) dst(%dma_wait3A_667 : memref<50x64xf32, #tpu.memory_space<vmem>>)
      %dma_wait3A_671 = arith.constant 0 : i32
      %dma_wait3A_672 = arith.constant 11 : i32
      %dma_wait3A_673 = arith.constant 0 : i32
      %dma_wait3A_674 = arith.constant 0 : i32
      %dma_wait3A_675 = arith.constant 0 : i32
      %dma_wait3A_676 = tpu.memref_slice %arg6[%dma_wait3A_671, %dma_wait3A_673, %dma_wait3A_674, %dma_wait3A_675] : memref<2x16x50x64xf32, #tpu.memory_space<vmem>> -> memref<1x16x50x64xf32, #tpu.memory_space<vmem>>
      %dma_wait3A_677 = tpu.memref_squeeze %dma_wait3A_676 : memref<1x16x50x64xf32, #tpu.memory_space<vmem>> -> memref<16x50x64xf32, #tpu.memory_space<vmem>>
      %dma_wait3A_678 = arith.constant 0 : i32
      %dma_wait3A_679 = arith.constant 0 : i32
      %dma_wait3A_680 = tpu.memref_slice %dma_wait3A_677[%dma_wait3A_672, %dma_wait3A_678, %dma_wait3A_679] : memref<16x50x64xf32, #tpu.memory_space<vmem>> -> memref<1x50x64xf32, #tpu.memory_space<vmem>>
      %dma_wait3A_681 = tpu.memref_squeeze %dma_wait3A_680 : memref<1x50x64xf32, #tpu.memory_space<vmem>> -> memref<50x64xf32, #tpu.memory_space<vmem>>
      %dma_wait3A_682 = arith.constant 0 : i32
      %dma_wait3A_683 = arith.constant 0 : i32
      %dma_wait3A_684 = tpu.memref_slice %arg3[%dma_wait3A_682, %dma_wait3A_683] : memref<1000000x64xf32, #tpu.memory_space<hbm>> -> memref<50x64xf32, #tpu.memory_space<hbm>>
      %dma_wait3A_685 = arith.constant 0 : i32
      %dma_wait3A_686 = arith.constant 0 : i32
      %dma_wait3A_687 = arith.constant 0 : i32
      %dma_wait3A_688 = tpu.memref_slice %arg6[%dma_wait3A_671, %dma_wait3A_685, %dma_wait3A_686, %dma_wait3A_687] : memref<2x16x50x64xf32, #tpu.memory_space<vmem>> -> memref<1x16x50x64xf32, #tpu.memory_space<vmem>>
      %dma_wait3A_689 = tpu.memref_squeeze %dma_wait3A_688 : memref<1x16x50x64xf32, #tpu.memory_space<vmem>> -> memref<16x50x64xf32, #tpu.memory_space<vmem>>
      %dma_wait3A_690 = arith.constant 0 : i32
      %dma_wait3A_691 = arith.constant 0 : i32
      %dma_wait3A_692 = tpu.memref_slice %dma_wait3A_689[%dma_wait3A_672, %dma_wait3A_690, %dma_wait3A_691] : memref<16x50x64xf32, #tpu.memory_space<vmem>> -> memref<1x50x64xf32, #tpu.memory_space<vmem>>
      %dma_wait3A_693 = tpu.memref_squeeze %dma_wait3A_692 : memref<1x50x64xf32, #tpu.memory_space<vmem>> -> memref<50x64xf32, #tpu.memory_space<vmem>>
      %dma_wait3A_694 = arith.constant 0 : i32
      %dma_wait3A_695 = arith.constant 0 : i32
      %dma_wait3A_696 = tpu.memref_slice %arg3[%dma_wait3A_694, %dma_wait3A_695] : memref<1000000x64xf32, #tpu.memory_space<hbm>> -> memref<50x64xf32, #tpu.memory_space<hbm>>
      tpu.wait_dma2 semaphore(%arg7 : memref<!tpu.dma_semaphore, #tpu.memory_space<semaphore_mem>>) src(%dma_wait3A_696 : memref<50x64xf32, #tpu.memory_space<hbm>>) dst(%dma_wait3A_693 : memref<50x64xf32, #tpu.memory_space<vmem>>)
      %dma_wait3A_697 = arith.constant 0 : i32
      %dma_wait3A_698 = arith.constant 12 : i32
      %dma_wait3A_699 = arith.constant 0 : i32
      %dma_wait3A_700 = arith.constant 0 : i32
      %dma_wait3A_701 = arith.constant 0 : i32
      %dma_wait3A_702 = tpu.memref_slice %arg6[%dma_wait3A_697, %dma_wait3A_699, %dma_wait3A_700, %dma_wait3A_701] : memref<2x16x50x64xf32, #tpu.memory_space<vmem>> -> memref<1x16x50x64xf32, #tpu.memory_space<vmem>>
      %dma_wait3A_703 = tpu.memref_squeeze %dma_wait3A_702 : memref<1x16x50x64xf32, #tpu.memory_space<vmem>> -> memref<16x50x64xf32, #tpu.memory_space<vmem>>
      %dma_wait3A_704 = arith.constant 0 : i32
      %dma_wait3A_705 = arith.constant 0 : i32
      %dma_wait3A_706 = tpu.memref_slice %dma_wait3A_703[%dma_wait3A_698, %dma_wait3A_704, %dma_wait3A_705] : memref<16x50x64xf32, #tpu.memory_space<vmem>> -> memref<1x50x64xf32, #tpu.memory_space<vmem>>
      %dma_wait3A_707 = tpu.memref_squeeze %dma_wait3A_706 : memref<1x50x64xf32, #tpu.memory_space<vmem>> -> memref<50x64xf32, #tpu.memory_space<vmem>>
      %dma_wait3A_708 = arith.constant 0 : i32
      %dma_wait3A_709 = arith.constant 0 : i32
      %dma_wait3A_710 = tpu.memref_slice %arg3[%dma_wait3A_708, %dma_wait3A_709] : memref<1000000x64xf32, #tpu.memory_space<hbm>> -> memref<50x64xf32, #tpu.memory_space<hbm>>
      %dma_wait3A_711 = arith.constant 0 : i32
      %dma_wait3A_712 = arith.constant 0 : i32
      %dma_wait3A_713 = arith.constant 0 : i32
      %dma_wait3A_714 = tpu.memref_slice %arg6[%dma_wait3A_697, %dma_wait3A_711, %dma_wait3A_712, %dma_wait3A_713] : memref<2x16x50x64xf32, #tpu.memory_space<vmem>> -> memref<1x16x50x64xf32, #tpu.memory_space<vmem>>
      %dma_wait3A_715 = tpu.memref_squeeze %dma_wait3A_714 : memref<1x16x50x64xf32, #tpu.memory_space<vmem>> -> memref<16x50x64xf32, #tpu.memory_space<vmem>>
      %dma_wait3A_716 = arith.constant 0 : i32
      %dma_wait3A_717 = arith.constant 0 : i32
      %dma_wait3A_718 = tpu.memref_slice %dma_wait3A_715[%dma_wait3A_698, %dma_wait3A_716, %dma_wait3A_717] : memref<16x50x64xf32, #tpu.memory_space<vmem>> -> memref<1x50x64xf32, #tpu.memory_space<vmem>>
      %dma_wait3A_719 = tpu.memref_squeeze %dma_wait3A_718 : memref<1x50x64xf32, #tpu.memory_space<vmem>> -> memref<50x64xf32, #tpu.memory_space<vmem>>
      %dma_wait3A_720 = arith.constant 0 : i32
      %dma_wait3A_721 = arith.constant 0 : i32
      %dma_wait3A_722 = tpu.memref_slice %arg3[%dma_wait3A_720, %dma_wait3A_721] : memref<1000000x64xf32, #tpu.memory_space<hbm>> -> memref<50x64xf32, #tpu.memory_space<hbm>>
      tpu.wait_dma2 semaphore(%arg7 : memref<!tpu.dma_semaphore, #tpu.memory_space<semaphore_mem>>) src(%dma_wait3A_722 : memref<50x64xf32, #tpu.memory_space<hbm>>) dst(%dma_wait3A_719 : memref<50x64xf32, #tpu.memory_space<vmem>>)
      %dma_wait3A_723 = arith.constant 0 : i32
      %dma_wait3A_724 = arith.constant 13 : i32
      %dma_wait3A_725 = arith.constant 0 : i32
      %dma_wait3A_726 = arith.constant 0 : i32
      %dma_wait3A_727 = arith.constant 0 : i32
      %dma_wait3A_728 = tpu.memref_slice %arg6[%dma_wait3A_723, %dma_wait3A_725, %dma_wait3A_726, %dma_wait3A_727] : memref<2x16x50x64xf32, #tpu.memory_space<vmem>> -> memref<1x16x50x64xf32, #tpu.memory_space<vmem>>
      %dma_wait3A_729 = tpu.memref_squeeze %dma_wait3A_728 : memref<1x16x50x64xf32, #tpu.memory_space<vmem>> -> memref<16x50x64xf32, #tpu.memory_space<vmem>>
      %dma_wait3A_730 = arith.constant 0 : i32
      %dma_wait3A_731 = arith.constant 0 : i32
      %dma_wait3A_732 = tpu.memref_slice %dma_wait3A_729[%dma_wait3A_724, %dma_wait3A_730, %dma_wait3A_731] : memref<16x50x64xf32, #tpu.memory_space<vmem>> -> memref<1x50x64xf32, #tpu.memory_space<vmem>>
      %dma_wait3A_733 = tpu.memref_squeeze %dma_wait3A_732 : memref<1x50x64xf32, #tpu.memory_space<vmem>> -> memref<50x64xf32, #tpu.memory_space<vmem>>
      %dma_wait3A_734 = arith.constant 0 : i32
      %dma_wait3A_735 = arith.constant 0 : i32
      %dma_wait3A_736 = tpu.memref_slice %arg3[%dma_wait3A_734, %dma_wait3A_735] : memref<1000000x64xf32, #tpu.memory_space<hbm>> -> memref<50x64xf32, #tpu.memory_space<hbm>>
      %dma_wait3A_737 = arith.constant 0 : i32
      %dma_wait3A_738 = arith.constant 0 : i32
      %dma_wait3A_739 = arith.constant 0 : i32
      %dma_wait3A_740 = tpu.memref_slice %arg6[%dma_wait3A_723, %dma_wait3A_737, %dma_wait3A_738, %dma_wait3A_739] : memref<2x16x50x64xf32, #tpu.memory_space<vmem>> -> memref<1x16x50x64xf32, #tpu.memory_space<vmem>>
      %dma_wait3A_741 = tpu.memref_squeeze %dma_wait3A_740 : memref<1x16x50x64xf32, #tpu.memory_space<vmem>> -> memref<16x50x64xf32, #tpu.memory_space<vmem>>
      %dma_wait3A_742 = arith.constant 0 : i32
      %dma_wait3A_743 = arith.constant 0 : i32
      %dma_wait3A_744 = tpu.memref_slice %dma_wait3A_741[%dma_wait3A_724, %dma_wait3A_742, %dma_wait3A_743] : memref<16x50x64xf32, #tpu.memory_space<vmem>> -> memref<1x50x64xf32, #tpu.memory_space<vmem>>
      %dma_wait3A_745 = tpu.memref_squeeze %dma_wait3A_744 : memref<1x50x64xf32, #tpu.memory_space<vmem>> -> memref<50x64xf32, #tpu.memory_space<vmem>>
      %dma_wait3A_746 = arith.constant 0 : i32
      %dma_wait3A_747 = arith.constant 0 : i32
      %dma_wait3A_748 = tpu.memref_slice %arg3[%dma_wait3A_746, %dma_wait3A_747] : memref<1000000x64xf32, #tpu.memory_space<hbm>> -> memref<50x64xf32, #tpu.memory_space<hbm>>
      tpu.wait_dma2 semaphore(%arg7 : memref<!tpu.dma_semaphore, #tpu.memory_space<semaphore_mem>>) src(%dma_wait3A_748 : memref<50x64xf32, #tpu.memory_space<hbm>>) dst(%dma_wait3A_745 : memref<50x64xf32, #tpu.memory_space<vmem>>)
      %dma_wait3A_749 = arith.constant 0 : i32
      %dma_wait3A_750 = arith.constant 14 : i32
      %dma_wait3A_751 = arith.constant 0 : i32
      %dma_wait3A_752 = arith.constant 0 : i32
      %dma_wait3A_753 = arith.constant 0 : i32
      %dma_wait3A_754 = tpu.memref_slice %arg6[%dma_wait3A_749, %dma_wait3A_751, %dma_wait3A_752, %dma_wait3A_753] : memref<2x16x50x64xf32, #tpu.memory_space<vmem>> -> memref<1x16x50x64xf32, #tpu.memory_space<vmem>>
      %dma_wait3A_755 = tpu.memref_squeeze %dma_wait3A_754 : memref<1x16x50x64xf32, #tpu.memory_space<vmem>> -> memref<16x50x64xf32, #tpu.memory_space<vmem>>
      %dma_wait3A_756 = arith.constant 0 : i32
      %dma_wait3A_757 = arith.constant 0 : i32
      %dma_wait3A_758 = tpu.memref_slice %dma_wait3A_755[%dma_wait3A_750, %dma_wait3A_756, %dma_wait3A_757] : memref<16x50x64xf32, #tpu.memory_space<vmem>> -> memref<1x50x64xf32, #tpu.memory_space<vmem>>
      %dma_wait3A_759 = tpu.memref_squeeze %dma_wait3A_758 : memref<1x50x64xf32, #tpu.memory_space<vmem>> -> memref<50x64xf32, #tpu.memory_space<vmem>>
      %dma_wait3A_760 = arith.constant 0 : i32
      %dma_wait3A_761 = arith.constant 0 : i32
      %dma_wait3A_762 = tpu.memref_slice %arg3[%dma_wait3A_760, %dma_wait3A_761] : memref<1000000x64xf32, #tpu.memory_space<hbm>> -> memref<50x64xf32, #tpu.memory_space<hbm>>
      %dma_wait3A_763 = arith.constant 0 : i32
      %dma_wait3A_764 = arith.constant 0 : i32
      %dma_wait3A_765 = arith.constant 0 : i32
      %dma_wait3A_766 = tpu.memref_slice %arg6[%dma_wait3A_749, %dma_wait3A_763, %dma_wait3A_764, %dma_wait3A_765] : memref<2x16x50x64xf32, #tpu.memory_space<vmem>> -> memref<1x16x50x64xf32, #tpu.memory_space<vmem>>
      %dma_wait3A_767 = tpu.memref_squeeze %dma_wait3A_766 : memref<1x16x50x64xf32, #tpu.memory_space<vmem>> -> memref<16x50x64xf32, #tpu.memory_space<vmem>>
      %dma_wait3A_768 = arith.constant 0 : i32
      %dma_wait3A_769 = arith.constant 0 : i32
      %dma_wait3A_770 = tpu.memref_slice %dma_wait3A_767[%dma_wait3A_750, %dma_wait3A_768, %dma_wait3A_769] : memref<16x50x64xf32, #tpu.memory_space<vmem>> -> memref<1x50x64xf32, #tpu.memory_space<vmem>>
      %dma_wait3A_771 = tpu.memref_squeeze %dma_wait3A_770 : memref<1x50x64xf32, #tpu.memory_space<vmem>> -> memref<50x64xf32, #tpu.memory_space<vmem>>
      %dma_wait3A_772 = arith.constant 0 : i32
      %dma_wait3A_773 = arith.constant 0 : i32
      %dma_wait3A_774 = tpu.memref_slice %arg3[%dma_wait3A_772, %dma_wait3A_773] : memref<1000000x64xf32, #tpu.memory_space<hbm>> -> memref<50x64xf32, #tpu.memory_space<hbm>>
      tpu.wait_dma2 semaphore(%arg7 : memref<!tpu.dma_semaphore, #tpu.memory_space<semaphore_mem>>) src(%dma_wait3A_774 : memref<50x64xf32, #tpu.memory_space<hbm>>) dst(%dma_wait3A_771 : memref<50x64xf32, #tpu.memory_space<vmem>>)
      %dma_wait3A_775 = arith.constant 0 : i32
      %dma_wait3A_776 = arith.constant 15 : i32
      %dma_wait3A_777 = arith.constant 0 : i32
      %dma_wait3A_778 = arith.constant 0 : i32
      %dma_wait3A_779 = arith.constant 0 : i32
      %dma_wait3A_780 = tpu.memref_slice %arg6[%dma_wait3A_775, %dma_wait3A_777, %dma_wait3A_778, %dma_wait3A_779] : memref<2x16x50x64xf32, #tpu.memory_space<vmem>> -> memref<1x16x50x64xf32, #tpu.memory_space<vmem>>
      %dma_wait3A_781 = tpu.memref_squeeze %dma_wait3A_780 : memref<1x16x50x64xf32, #tpu.memory_space<vmem>> -> memref<16x50x64xf32, #tpu.memory_space<vmem>>
      %dma_wait3A_782 = arith.constant 0 : i32
      %dma_wait3A_783 = arith.constant 0 : i32
      %dma_wait3A_784 = tpu.memref_slice %dma_wait3A_781[%dma_wait3A_776, %dma_wait3A_782, %dma_wait3A_783] : memref<16x50x64xf32, #tpu.memory_space<vmem>> -> memref<1x50x64xf32, #tpu.memory_space<vmem>>
      %dma_wait3A_785 = tpu.memref_squeeze %dma_wait3A_784 : memref<1x50x64xf32, #tpu.memory_space<vmem>> -> memref<50x64xf32, #tpu.memory_space<vmem>>
      %dma_wait3A_786 = arith.constant 0 : i32
      %dma_wait3A_787 = arith.constant 0 : i32
      %dma_wait3A_788 = tpu.memref_slice %arg3[%dma_wait3A_786, %dma_wait3A_787] : memref<1000000x64xf32, #tpu.memory_space<hbm>> -> memref<50x64xf32, #tpu.memory_space<hbm>>
      %dma_wait3A_789 = arith.constant 0 : i32
      %dma_wait3A_790 = arith.constant 0 : i32
      %dma_wait3A_791 = arith.constant 0 : i32
      %dma_wait3A_792 = tpu.memref_slice %arg6[%dma_wait3A_775, %dma_wait3A_789, %dma_wait3A_790, %dma_wait3A_791] : memref<2x16x50x64xf32, #tpu.memory_space<vmem>> -> memref<1x16x50x64xf32, #tpu.memory_space<vmem>>
      %dma_wait3A_793 = tpu.memref_squeeze %dma_wait3A_792 : memref<1x16x50x64xf32, #tpu.memory_space<vmem>> -> memref<16x50x64xf32, #tpu.memory_space<vmem>>
      %dma_wait3A_794 = arith.constant 0 : i32
      %dma_wait3A_795 = arith.constant 0 : i32
      %dma_wait3A_796 = tpu.memref_slice %dma_wait3A_793[%dma_wait3A_776, %dma_wait3A_794, %dma_wait3A_795] : memref<16x50x64xf32, #tpu.memory_space<vmem>> -> memref<1x50x64xf32, #tpu.memory_space<vmem>>
      %dma_wait3A_797 = tpu.memref_squeeze %dma_wait3A_796 : memref<1x50x64xf32, #tpu.memory_space<vmem>> -> memref<50x64xf32, #tpu.memory_space<vmem>>
      %dma_wait3A_798 = arith.constant 0 : i32
      %dma_wait3A_799 = arith.constant 0 : i32
      %dma_wait3A_800 = tpu.memref_slice %arg3[%dma_wait3A_798, %dma_wait3A_799] : memref<1000000x64xf32, #tpu.memory_space<hbm>> -> memref<50x64xf32, #tpu.memory_space<hbm>>
      tpu.wait_dma2 semaphore(%arg7 : memref<!tpu.dma_semaphore, #tpu.memory_space<semaphore_mem>>) src(%dma_wait3A_800 : memref<50x64xf32, #tpu.memory_space<hbm>>) dst(%dma_wait3A_797 : memref<50x64xf32, #tpu.memory_space<vmem>>)
      %mul3A_801 = arith.constant 16 : i32
      %mul3A_802 = arith.muli %add3A_381, %mul3A_801 : i32
      %add3A_803 = arith.addi %mul3A_2, %mul3A_802 : i32
      %multiple_of3A_804 = tpu.assume_multiple %add3A_803, 16 : i32
      %run_scoped3A_805 = arith.constant 0 : i32
      "tpu.region"() ({
        %run_scoped3A_1238 = tpu.sem_alloc : memref<!tpu.dma_semaphore, #tpu.memory_space<semaphore_mem>>
        %dma_start3A_1239 = arith.constant 0 : i32
        %dma_start3A_1240 = arith.constant 0 : i32
        %dma_start3A_1241 = arith.constant 0 : i32
        %dma_start3A_1242 = tpu.memref_slice %arg6[%run_scoped3A_805, %dma_start3A_1239, %dma_start3A_1240, %dma_start3A_1241] : memref<2x16x50x64xf32, #tpu.memory_space<vmem>> -> memref<1x16x50x64xf32, #tpu.memory_space<vmem>>
        %dma_start3A_1243 = tpu.memref_squeeze %dma_start3A_1242 : memref<1x16x50x64xf32, #tpu.memory_space<vmem>> -> memref<16x50x64xf32, #tpu.memory_space<vmem>>
        %dma_start3A_1244 = arith.constant 0 : i32
        %dma_start3A_1245 = arith.constant 0 : i32
        %dma_start3A_1246 = tpu.memref_slice %arg4[%multiple_of3A_804, %dma_start3A_1244, %dma_start3A_1245] : memref<16384x50x64xf32, #tpu.memory_space<hbm>> -> memref<16x50x64xf32, #tpu.memory_space<hbm>>
        %dma_start3A_1247 = arith.constant 0 : i32
        %dma_start3A_1248 = arith.constant 0 : i32
        %dma_start3A_1249 = tpu.memref_slice %arg4[%multiple_of3A_804, %dma_start3A_1247, %dma_start3A_1248] : memref<16384x50x64xf32, #tpu.memory_space<hbm>> -> memref<16x50x64xf32, #tpu.memory_space<hbm>>
        %dma_start3A_1250 = arith.constant 0 : i32
        %dma_start3A_1251 = arith.constant 0 : i32
        %dma_start3A_1252 = arith.constant 0 : i32
        %dma_start3A_1253 = tpu.memref_slice %arg6[%run_scoped3A_805, %dma_start3A_1250, %dma_start3A_1251, %dma_start3A_1252] : memref<2x16x50x64xf32, #tpu.memory_space<vmem>> -> memref<1x16x50x64xf32, #tpu.memory_space<vmem>>
        %dma_start3A_1254 = tpu.memref_squeeze %dma_start3A_1253 : memref<1x16x50x64xf32, #tpu.memory_space<vmem>> -> memref<16x50x64xf32, #tpu.memory_space<vmem>>
        tpu.enqueue_dma source(%dma_start3A_1254 : memref<16x50x64xf32, #tpu.memory_space<vmem>>) target(%dma_start3A_1249 : memref<16x50x64xf32, #tpu.memory_space<hbm>>) target_semaphore(%run_scoped3A_1238 : memref<!tpu.dma_semaphore, #tpu.memory_space<semaphore_mem>>)
        %dma_wait3A_1255 = arith.constant 0 : i32
        %dma_wait3A_1256 = arith.constant 0 : i32
        %dma_wait3A_1257 = arith.constant 0 : i32
        %dma_wait3A_1258 = tpu.memref_slice %arg6[%run_scoped3A_805, %dma_wait3A_1255, %dma_wait3A_1256, %dma_wait3A_1257] : memref<2x16x50x64xf32, #tpu.memory_space<vmem>> -> memref<1x16x50x64xf32, #tpu.memory_space<vmem>>
        %dma_wait3A_1259 = tpu.memref_squeeze %dma_wait3A_1258 : memref<1x16x50x64xf32, #tpu.memory_space<vmem>> -> memref<16x50x64xf32, #tpu.memory_space<vmem>>
        %dma_wait3A_1260 = arith.constant 0 : i32
        %dma_wait3A_1261 = arith.constant 0 : i32
        %dma_wait3A_1262 = tpu.memref_slice %arg4[%multiple_of3A_804, %dma_wait3A_1260, %dma_wait3A_1261] : memref<16384x50x64xf32, #tpu.memory_space<hbm>> -> memref<16x50x64xf32, #tpu.memory_space<hbm>>
        %dma_wait3A_1263 = arith.constant 0 : i32
        %dma_wait3A_1264 = arith.constant 0 : i32
        %dma_wait3A_1265 = tpu.memref_slice %arg4[%multiple_of3A_804, %dma_wait3A_1263, %dma_wait3A_1264] : memref<16384x50x64xf32, #tpu.memory_space<hbm>> -> memref<16x50x64xf32, #tpu.memory_space<hbm>>
        %dma_wait3A_1266 = arith.constant 0 : i32
        %dma_wait3A_1267 = arith.constant 0 : i32
        %dma_wait3A_1268 = arith.constant 0 : i32
        %dma_wait3A_1269 = tpu.memref_slice %arg6[%run_scoped3A_805, %dma_wait3A_1266, %dma_wait3A_1267, %dma_wait3A_1268] : memref<2x16x50x64xf32, #tpu.memory_space<vmem>> -> memref<1x16x50x64xf32, #tpu.memory_space<vmem>>
        %dma_wait3A_1270 = tpu.memref_squeeze %dma_wait3A_1269 : memref<1x16x50x64xf32, #tpu.memory_space<vmem>> -> memref<16x50x64xf32, #tpu.memory_space<vmem>>
        tpu.wait_dma2 semaphore(%run_scoped3A_1238 : memref<!tpu.dma_semaphore, #tpu.memory_space<semaphore_mem>>) src(%dma_wait3A_1270 : memref<16x50x64xf32, #tpu.memory_space<vmem>>) dst(%dma_wait3A_1265 : memref<16x50x64xf32, #tpu.memory_space<hbm>>)
        tpu.yield
      }) : () -> ()
      %mul3A_806 = arith.constant 2 : i32
      %mul3A_807 = arith.muli %scan3A_377, %mul3A_806 : i32
      %add3A_808 = arith.constant 1 : i32
      %add3A_809 = arith.addi %mul3A_807, %add3A_808 : i32
      %add3A_810 = arith.constant 1 : i32
      %add3A_811 = arith.addi %add3A_809, %add3A_810 : i32
      %lt3A_812 = arith.constant 32 : i32
      %lt3A_813 = arith.cmpi slt, %add3A_811, %lt3A_812 : i32
      %convert_element_type3A_814 = arith.extui %lt3A_813 : i1 to i32
      %cond3A_815 = arith.constant 0 : i32
      %cond3A_816 = arith.cmpi ne, %convert_element_type3A_814, %cond3A_815 : i32
      scf.if %cond3A_816 {
        %add3A_1238 = arith.constant 1 : i32
        %add3A_1239 = arith.addi %add3A_809, %add3A_1238 : i32
        %mul3A_1240 = arith.constant 16 : i32
        %mul3A_1241 = arith.muli %add3A_1239, %mul3A_1240 : i32
        %add3A_1242 = arith.addi %mul3A_2, %mul3A_1241 : i32
        %multiple_of3A_1243 = tpu.assume_multiple %add3A_1242, 16 : i32
        %run_scoped3A_1244 = arith.constant 0 : i32
        "tpu.region"() ({
          %run_scoped3A_1613 = tpu.sem_alloc : memref<!tpu.dma_semaphore, #tpu.memory_space<semaphore_mem>>
          %dma_start3A_1614 = arith.constant 0 : i32
          %dma_start3A_1615 = arith.constant 0 : i32
          %dma_start3A_1616 = tpu.memref_slice %arg5[%run_scoped3A_1244, %dma_start3A_1614, %dma_start3A_1615] : memref<2x16x50xi32, #tpu.memory_space<vmem>> -> memref<1x16x50xi32, #tpu.memory_space<vmem>>
          %dma_start3A_1617 = tpu.memref_squeeze %dma_start3A_1616 : memref<1x16x50xi32, #tpu.memory_space<vmem>> -> memref<16x50xi32, #tpu.memory_space<vmem>>
          %dma_start3A_1618 = arith.constant 0 : i32
          %dma_start3A_1619 = tpu.memref_slice %arg2[%multiple_of3A_1243, %dma_start3A_1618] : memref<16384x50xi32, #tpu.memory_space<hbm>> -> memref<16x50xi32, #tpu.memory_space<hbm>>
          %dma_start3A_1620 = arith.constant 0 : i32
          %dma_start3A_1621 = arith.constant 0 : i32
          %dma_start3A_1622 = tpu.memref_slice %arg5[%run_scoped3A_1244, %dma_start3A_1620, %dma_start3A_1621] : memref<2x16x50xi32, #tpu.memory_space<vmem>> -> memref<1x16x50xi32, #tpu.memory_space<vmem>>
          %dma_start3A_1623 = tpu.memref_squeeze %dma_start3A_1622 : memref<1x16x50xi32, #tpu.memory_space<vmem>> -> memref<16x50xi32, #tpu.memory_space<vmem>>
          %dma_start3A_1624 = arith.constant 0 : i32
          %dma_start3A_1625 = tpu.memref_slice %arg2[%multiple_of3A_1243, %dma_start3A_1624] : memref<16384x50xi32, #tpu.memory_space<hbm>> -> memref<16x50xi32, #tpu.memory_space<hbm>>
          tpu.enqueue_dma source(%dma_start3A_1625 : memref<16x50xi32, #tpu.memory_space<hbm>>) target(%dma_start3A_1623 : memref<16x50xi32, #tpu.memory_space<vmem>>) target_semaphore(%run_scoped3A_1613 : memref<!tpu.dma_semaphore, #tpu.memory_space<semaphore_mem>>)
          %dma_wait3A_1626 = arith.constant 0 : i32
          %dma_wait3A_1627 = arith.constant 0 : i32
          %dma_wait3A_1628 = tpu.memref_slice %arg5[%run_scoped3A_1244, %dma_wait3A_1626, %dma_wait3A_1627] : memref<2x16x50xi32, #tpu.memory_space<vmem>> -> memref<1x16x50xi32, #tpu.memory_space<vmem>>
          %dma_wait3A_1629 = tpu.memref_squeeze %dma_wait3A_1628 : memref<1x16x50xi32, #tpu.memory_space<vmem>> -> memref<16x50xi32, #tpu.memory_space<vmem>>
          %dma_wait3A_1630 = arith.constant 0 : i32
          %dma_wait3A_1631 = tpu.memref_slice %arg2[%multiple_of3A_1243, %dma_wait3A_1630] : memref<16384x50xi32, #tpu.memory_space<hbm>> -> memref<16x50xi32, #tpu.memory_space<hbm>>
          %dma_wait3A_1632 = arith.constant 0 : i32
          %dma_wait3A_1633 = arith.constant 0 : i32
          %dma_wait3A_1634 = tpu.memref_slice %arg5[%run_scoped3A_1244, %dma_wait3A_1632, %dma_wait3A_1633] : memref<2x16x50xi32, #tpu.memory_space<vmem>> -> memref<1x16x50xi32, #tpu.memory_space<vmem>>
          %dma_wait3A_1635 = tpu.memref_squeeze %dma_wait3A_1634 : memref<1x16x50xi32, #tpu.memory_space<vmem>> -> memref<16x50xi32, #tpu.memory_space<vmem>>
          %dma_wait3A_1636 = arith.constant 0 : i32
          %dma_wait3A_1637 = tpu.memref_slice %arg2[%multiple_of3A_1243, %dma_wait3A_1636] : memref<16384x50xi32, #tpu.memory_space<hbm>> -> memref<16x50xi32, #tpu.memory_space<hbm>>
          tpu.wait_dma2 semaphore(%run_scoped3A_1613 : memref<!tpu.dma_semaphore, #tpu.memory_space<semaphore_mem>>) src(%dma_wait3A_1637 : memref<16x50xi32, #tpu.memory_space<hbm>>) dst(%dma_wait3A_1635 : memref<16x50xi32, #tpu.memory_space<vmem>>)
          tpu.yield
        }) : () -> ()
        %dma_start3A_1245 = arith.constant 0 : i32
        %dma_start3A_1246 = arith.constant 0 : i32
        %dma_start3A_1247 = arith.constant 0 : i32
        %dma_start3A_1248 = arith.constant 0 : i32
        %dma_start3A_1249 = arith.constant 0 : i32
        %dma_start3A_1250 = arith.constant 0 : i32
        %dma_start3A_1251 = arith.constant 0 : i32
        %dma_start3A_1252 = tpu.memref_slice %arg6[%dma_start3A_1247, %dma_start3A_1249, %dma_start3A_1250, %dma_start3A_1251] : memref<2x16x50x64xf32, #tpu.memory_space<vmem>> -> memref<1x16x50x64xf32, #tpu.memory_space<vmem>>
        %dma_start3A_1253 = tpu.memref_squeeze %dma_start3A_1252 : memref<1x16x50x64xf32, #tpu.memory_space<vmem>> -> memref<16x50x64xf32, #tpu.memory_space<vmem>>
        %dma_start3A_1254 = arith.constant 0 : i32
        %dma_start3A_1255 = arith.constant 0 : i32
        %dma_start3A_1256 = tpu.memref_slice %dma_start3A_1253[%dma_start3A_1248, %dma_start3A_1254, %dma_start3A_1255] : memref<16x50x64xf32, #tpu.memory_space<vmem>> -> memref<1x50x64xf32, #tpu.memory_space<vmem>>
        %dma_start3A_1257 = tpu.memref_squeeze %dma_start3A_1256 : memref<1x50x64xf32, #tpu.memory_space<vmem>> -> memref<50x64xf32, #tpu.memory_space<vmem>>
        %dma_start3A_1258 = arith.constant 0 : i32
        %dma_start3A_1259 = arith.constant 0 : i32
        %dma_start3A_1260 = tpu.memref_slice %arg5[%dma_start3A_1245, %dma_start3A_1258, %dma_start3A_1259] : memref<2x16x50xi32, #tpu.memory_space<vmem>> -> memref<1x16x50xi32, #tpu.memory_space<vmem>>
        %dma_start3A_1261 = tpu.memref_squeeze %dma_start3A_1260 : memref<1x16x50xi32, #tpu.memory_space<vmem>> -> memref<16x50xi32, #tpu.memory_space<vmem>>
        %dma_start3A_1262 = arith.constant 0 : i32
        %dma_start3A_1263 = tpu.memref_slice %dma_start3A_1261[%dma_start3A_1246, %dma_start3A_1262] : memref<16x50xi32, #tpu.memory_space<vmem>> -> memref<1x50xi32, #tpu.memory_space<vmem>>
        %dma_start3A_1264 = tpu.memref_squeeze %dma_start3A_1263 : memref<1x50xi32, #tpu.memory_space<vmem>> -> memref<50xi32, #tpu.memory_space<vmem>>
        %dma_start3A_1265 = arith.constant 0 : i32
        %dma_start3A_1266 = arith.constant 0 : i32
        %dma_start3A_1267 = tpu.memref_slice %arg3[%dma_start3A_1265, %dma_start3A_1266] : memref<1000000x64xf32, #tpu.memory_space<hbm>> -> memref<1000000x64xf32, #tpu.memory_space<hbm>>
        tpu.enqueue_indirect_dma source(%dma_start3A_1267 : memref<1000000x64xf32, #tpu.memory_space<hbm>>) target(%dma_start3A_1257 : memref<50x64xf32, #tpu.memory_space<vmem>>) offsets(%dma_start3A_1264 : memref<50xi32, #tpu.memory_space<vmem>>) semaphore(%arg7 : memref<!tpu.dma_semaphore, #tpu.memory_space<semaphore_mem>>)
        %dma_start3A_1268 = arith.constant 0 : i32
        %dma_start3A_1269 = arith.constant 1 : i32
        %dma_start3A_1270 = arith.constant 0 : i32
        %dma_start3A_1271 = arith.constant 1 : i32
        %dma_start3A_1272 = arith.constant 0 : i32
        %dma_start3A_1273 = arith.constant 0 : i32
        %dma_start3A_1274 = arith.constant 0 : i32
        %dma_start3A_1275 = tpu.memref_slice %arg6[%dma_start3A_1270, %dma_start3A_1272, %dma_start3A_1273, %dma_start3A_1274] : memref<2x16x50x64xf32, #tpu.memory_space<vmem>> -> memref<1x16x50x64xf32, #tpu.memory_space<vmem>>
        %dma_start3A_1276 = tpu.memref_squeeze %dma_start3A_1275 : memref<1x16x50x64xf32, #tpu.memory_space<vmem>> -> memref<16x50x64xf32, #tpu.memory_space<vmem>>
        %dma_start3A_1277 = arith.constant 0 : i32
        %dma_start3A_1278 = arith.constant 0 : i32
        %dma_start3A_1279 = tpu.memref_slice %dma_start3A_1276[%dma_start3A_1271, %dma_start3A_1277, %dma_start3A_1278] : memref<16x50x64xf32, #tpu.memory_space<vmem>> -> memref<1x50x64xf32, #tpu.memory_space<vmem>>
        %dma_start3A_1280 = tpu.memref_squeeze %dma_start3A_1279 : memref<1x50x64xf32, #tpu.memory_space<vmem>> -> memref<50x64xf32, #tpu.memory_space<vmem>>
        %dma_start3A_1281 = arith.constant 0 : i32
        %dma_start3A_1282 = arith.constant 0 : i32
        %dma_start3A_1283 = tpu.memref_slice %arg5[%dma_start3A_1268, %dma_start3A_1281, %dma_start3A_1282] : memref<2x16x50xi32, #tpu.memory_space<vmem>> -> memref<1x16x50xi32, #tpu.memory_space<vmem>>
        %dma_start3A_1284 = tpu.memref_squeeze %dma_start3A_1283 : memref<1x16x50xi32, #tpu.memory_space<vmem>> -> memref<16x50xi32, #tpu.memory_space<vmem>>
        %dma_start3A_1285 = arith.constant 0 : i32
        %dma_start3A_1286 = tpu.memref_slice %dma_start3A_1284[%dma_start3A_1269, %dma_start3A_1285] : memref<16x50xi32, #tpu.memory_space<vmem>> -> memref<1x50xi32, #tpu.memory_space<vmem>>
        %dma_start3A_1287 = tpu.memref_squeeze %dma_start3A_1286 : memref<1x50xi32, #tpu.memory_space<vmem>> -> memref<50xi32, #tpu.memory_space<vmem>>
        %dma_start3A_1288 = arith.constant 0 : i32
        %dma_start3A_1289 = arith.constant 0 : i32
        %dma_start3A_1290 = tpu.memref_slice %arg3[%dma_start3A_1288, %dma_start3A_1289] : memref<1000000x64xf32, #tpu.memory_space<hbm>> -> memref<1000000x64xf32, #tpu.memory_space<hbm>>
        tpu.enqueue_indirect_dma source(%dma_start3A_1290 : memref<1000000x64xf32, #tpu.memory_space<hbm>>) target(%dma_start3A_1280 : memref<50x64xf32, #tpu.memory_space<vmem>>) offsets(%dma_start3A_1287 : memref<50xi32, #tpu.memory_space<vmem>>) semaphore(%arg7 : memref<!tpu.dma_semaphore, #tpu.memory_space<semaphore_mem>>)
        %dma_start3A_1291 = arith.constant 0 : i32
        %dma_start3A_1292 = arith.constant 2 : i32
        %dma_start3A_1293 = arith.constant 0 : i32
        %dma_start3A_1294 = arith.constant 2 : i32
        %dma_start3A_1295 = arith.constant 0 : i32
        %dma_start3A_1296 = arith.constant 0 : i32
        %dma_start3A_1297 = arith.constant 0 : i32
        %dma_start3A_1298 = tpu.memref_slice %arg6[%dma_start3A_1293, %dma_start3A_1295, %dma_start3A_1296, %dma_start3A_1297] : memref<2x16x50x64xf32, #tpu.memory_space<vmem>> -> memref<1x16x50x64xf32, #tpu.memory_space<vmem>>
        %dma_start3A_1299 = tpu.memref_squeeze %dma_start3A_1298 : memref<1x16x50x64xf32, #tpu.memory_space<vmem>> -> memref<16x50x64xf32, #tpu.memory_space<vmem>>
        %dma_start3A_1300 = arith.constant 0 : i32
        %dma_start3A_1301 = arith.constant 0 : i32
        %dma_start3A_1302 = tpu.memref_slice %dma_start3A_1299[%dma_start3A_1294, %dma_start3A_1300, %dma_start3A_1301] : memref<16x50x64xf32, #tpu.memory_space<vmem>> -> memref<1x50x64xf32, #tpu.memory_space<vmem>>
        %dma_start3A_1303 = tpu.memref_squeeze %dma_start3A_1302 : memref<1x50x64xf32, #tpu.memory_space<vmem>> -> memref<50x64xf32, #tpu.memory_space<vmem>>
        %dma_start3A_1304 = arith.constant 0 : i32
        %dma_start3A_1305 = arith.constant 0 : i32
        %dma_start3A_1306 = tpu.memref_slice %arg5[%dma_start3A_1291, %dma_start3A_1304, %dma_start3A_1305] : memref<2x16x50xi32, #tpu.memory_space<vmem>> -> memref<1x16x50xi32, #tpu.memory_space<vmem>>
        %dma_start3A_1307 = tpu.memref_squeeze %dma_start3A_1306 : memref<1x16x50xi32, #tpu.memory_space<vmem>> -> memref<16x50xi32, #tpu.memory_space<vmem>>
        %dma_start3A_1308 = arith.constant 0 : i32
        %dma_start3A_1309 = tpu.memref_slice %dma_start3A_1307[%dma_start3A_1292, %dma_start3A_1308] : memref<16x50xi32, #tpu.memory_space<vmem>> -> memref<1x50xi32, #tpu.memory_space<vmem>>
        %dma_start3A_1310 = tpu.memref_squeeze %dma_start3A_1309 : memref<1x50xi32, #tpu.memory_space<vmem>> -> memref<50xi32, #tpu.memory_space<vmem>>
        %dma_start3A_1311 = arith.constant 0 : i32
        %dma_start3A_1312 = arith.constant 0 : i32
        %dma_start3A_1313 = tpu.memref_slice %arg3[%dma_start3A_1311, %dma_start3A_1312] : memref<1000000x64xf32, #tpu.memory_space<hbm>> -> memref<1000000x64xf32, #tpu.memory_space<hbm>>
        tpu.enqueue_indirect_dma source(%dma_start3A_1313 : memref<1000000x64xf32, #tpu.memory_space<hbm>>) target(%dma_start3A_1303 : memref<50x64xf32, #tpu.memory_space<vmem>>) offsets(%dma_start3A_1310 : memref<50xi32, #tpu.memory_space<vmem>>) semaphore(%arg7 : memref<!tpu.dma_semaphore, #tpu.memory_space<semaphore_mem>>)
        %dma_start3A_1314 = arith.constant 0 : i32
        %dma_start3A_1315 = arith.constant 3 : i32
        %dma_start3A_1316 = arith.constant 0 : i32
        %dma_start3A_1317 = arith.constant 3 : i32
        %dma_start3A_1318 = arith.constant 0 : i32
        %dma_start3A_1319 = arith.constant 0 : i32
        %dma_start3A_1320 = arith.constant 0 : i32
        %dma_start3A_1321 = tpu.memref_slice %arg6[%dma_start3A_1316, %dma_start3A_1318, %dma_start3A_1319, %dma_start3A_1320] : memref<2x16x50x64xf32, #tpu.memory_space<vmem>> -> memref<1x16x50x64xf32, #tpu.memory_space<vmem>>
        %dma_start3A_1322 = tpu.memref_squeeze %dma_start3A_1321 : memref<1x16x50x64xf32, #tpu.memory_space<vmem>> -> memref<16x50x64xf32, #tpu.memory_space<vmem>>
        %dma_start3A_1323 = arith.constant 0 : i32
        %dma_start3A_1324 = arith.constant 0 : i32
        %dma_start3A_1325 = tpu.memref_slice %dma_start3A_1322[%dma_start3A_1317, %dma_start3A_1323, %dma_start3A_1324] : memref<16x50x64xf32, #tpu.memory_space<vmem>> -> memref<1x50x64xf32, #tpu.memory_space<vmem>>
        %dma_start3A_1326 = tpu.memref_squeeze %dma_start3A_1325 : memref<1x50x64xf32, #tpu.memory_space<vmem>> -> memref<50x64xf32, #tpu.memory_space<vmem>>
        %dma_start3A_1327 = arith.constant 0 : i32
        %dma_start3A_1328 = arith.constant 0 : i32
        %dma_start3A_1329 = tpu.memref_slice %arg5[%dma_start3A_1314, %dma_start3A_1327, %dma_start3A_1328] : memref<2x16x50xi32, #tpu.memory_space<vmem>> -> memref<1x16x50xi32, #tpu.memory_space<vmem>>
        %dma_start3A_1330 = tpu.memref_squeeze %dma_start3A_1329 : memref<1x16x50xi32, #tpu.memory_space<vmem>> -> memref<16x50xi32, #tpu.memory_space<vmem>>
        %dma_start3A_1331 = arith.constant 0 : i32
        %dma_start3A_1332 = tpu.memref_slice %dma_start3A_1330[%dma_start3A_1315, %dma_start3A_1331] : memref<16x50xi32, #tpu.memory_space<vmem>> -> memref<1x50xi32, #tpu.memory_space<vmem>>
        %dma_start3A_1333 = tpu.memref_squeeze %dma_start3A_1332 : memref<1x50xi32, #tpu.memory_space<vmem>> -> memref<50xi32, #tpu.memory_space<vmem>>
        %dma_start3A_1334 = arith.constant 0 : i32
        %dma_start3A_1335 = arith.constant 0 : i32
        %dma_start3A_1336 = tpu.memref_slice %arg3[%dma_start3A_1334, %dma_start3A_1335] : memref<1000000x64xf32, #tpu.memory_space<hbm>> -> memref<1000000x64xf32, #tpu.memory_space<hbm>>
        tpu.enqueue_indirect_dma source(%dma_start3A_1336 : memref<1000000x64xf32, #tpu.memory_space<hbm>>) target(%dma_start3A_1326 : memref<50x64xf32, #tpu.memory_space<vmem>>) offsets(%dma_start3A_1333 : memref<50xi32, #tpu.memory_space<vmem>>) semaphore(%arg7 : memref<!tpu.dma_semaphore, #tpu.memory_space<semaphore_mem>>)
        %dma_start3A_1337 = arith.constant 0 : i32
        %dma_start3A_1338 = arith.constant 4 : i32
        %dma_start3A_1339 = arith.constant 0 : i32
        %dma_start3A_1340 = arith.constant 4 : i32
        %dma_start3A_1341 = arith.constant 0 : i32
        %dma_start3A_1342 = arith.constant 0 : i32
        %dma_start3A_1343 = arith.constant 0 : i32
        %dma_start3A_1344 = tpu.memref_slice %arg6[%dma_start3A_1339, %dma_start3A_1341, %dma_start3A_1342, %dma_start3A_1343] : memref<2x16x50x64xf32, #tpu.memory_space<vmem>> -> memref<1x16x50x64xf32, #tpu.memory_space<vmem>>
        %dma_start3A_1345 = tpu.memref_squeeze %dma_start3A_1344 : memref<1x16x50x64xf32, #tpu.memory_space<vmem>> -> memref<16x50x64xf32, #tpu.memory_space<vmem>>
        %dma_start3A_1346 = arith.constant 0 : i32
        %dma_start3A_1347 = arith.constant 0 : i32
        %dma_start3A_1348 = tpu.memref_slice %dma_start3A_1345[%dma_start3A_1340, %dma_start3A_1346, %dma_start3A_1347] : memref<16x50x64xf32, #tpu.memory_space<vmem>> -> memref<1x50x64xf32, #tpu.memory_space<vmem>>
        %dma_start3A_1349 = tpu.memref_squeeze %dma_start3A_1348 : memref<1x50x64xf32, #tpu.memory_space<vmem>> -> memref<50x64xf32, #tpu.memory_space<vmem>>
        %dma_start3A_1350 = arith.constant 0 : i32
        %dma_start3A_1351 = arith.constant 0 : i32
        %dma_start3A_1352 = tpu.memref_slice %arg5[%dma_start3A_1337, %dma_start3A_1350, %dma_start3A_1351] : memref<2x16x50xi32, #tpu.memory_space<vmem>> -> memref<1x16x50xi32, #tpu.memory_space<vmem>>
        %dma_start3A_1353 = tpu.memref_squeeze %dma_start3A_1352 : memref<1x16x50xi32, #tpu.memory_space<vmem>> -> memref<16x50xi32, #tpu.memory_space<vmem>>
        %dma_start3A_1354 = arith.constant 0 : i32
        %dma_start3A_1355 = tpu.memref_slice %dma_start3A_1353[%dma_start3A_1338, %dma_start3A_1354] : memref<16x50xi32, #tpu.memory_space<vmem>> -> memref<1x50xi32, #tpu.memory_space<vmem>>
        %dma_start3A_1356 = tpu.memref_squeeze %dma_start3A_1355 : memref<1x50xi32, #tpu.memory_space<vmem>> -> memref<50xi32, #tpu.memory_space<vmem>>
        %dma_start3A_1357 = arith.constant 0 : i32
        %dma_start3A_1358 = arith.constant 0 : i32
        %dma_start3A_1359 = tpu.memref_slice %arg3[%dma_start3A_1357, %dma_start3A_1358] : memref<1000000x64xf32, #tpu.memory_space<hbm>> -> memref<1000000x64xf32, #tpu.memory_space<hbm>>
        tpu.enqueue_indirect_dma source(%dma_start3A_1359 : memref<1000000x64xf32, #tpu.memory_space<hbm>>) target(%dma_start3A_1349 : memref<50x64xf32, #tpu.memory_space<vmem>>) offsets(%dma_start3A_1356 : memref<50xi32, #tpu.memory_space<vmem>>) semaphore(%arg7 : memref<!tpu.dma_semaphore, #tpu.memory_space<semaphore_mem>>)
        %dma_start3A_1360 = arith.constant 0 : i32
        %dma_start3A_1361 = arith.constant 5 : i32
        %dma_start3A_1362 = arith.constant 0 : i32
        %dma_start3A_1363 = arith.constant 5 : i32
        %dma_start3A_1364 = arith.constant 0 : i32
        %dma_start3A_1365 = arith.constant 0 : i32
        %dma_start3A_1366 = arith.constant 0 : i32
        %dma_start3A_1367 = tpu.memref_slice %arg6[%dma_start3A_1362, %dma_start3A_1364, %dma_start3A_1365, %dma_start3A_1366] : memref<2x16x50x64xf32, #tpu.memory_space<vmem>> -> memref<1x16x50x64xf32, #tpu.memory_space<vmem>>
        %dma_start3A_1368 = tpu.memref_squeeze %dma_start3A_1367 : memref<1x16x50x64xf32, #tpu.memory_space<vmem>> -> memref<16x50x64xf32, #tpu.memory_space<vmem>>
        %dma_start3A_1369 = arith.constant 0 : i32
        %dma_start3A_1370 = arith.constant 0 : i32
        %dma_start3A_1371 = tpu.memref_slice %dma_start3A_1368[%dma_start3A_1363, %dma_start3A_1369, %dma_start3A_1370] : memref<16x50x64xf32, #tpu.memory_space<vmem>> -> memref<1x50x64xf32, #tpu.memory_space<vmem>>
        %dma_start3A_1372 = tpu.memref_squeeze %dma_start3A_1371 : memref<1x50x64xf32, #tpu.memory_space<vmem>> -> memref<50x64xf32, #tpu.memory_space<vmem>>
        %dma_start3A_1373 = arith.constant 0 : i32
        %dma_start3A_1374 = arith.constant 0 : i32
        %dma_start3A_1375 = tpu.memref_slice %arg5[%dma_start3A_1360, %dma_start3A_1373, %dma_start3A_1374] : memref<2x16x50xi32, #tpu.memory_space<vmem>> -> memref<1x16x50xi32, #tpu.memory_space<vmem>>
        %dma_start3A_1376 = tpu.memref_squeeze %dma_start3A_1375 : memref<1x16x50xi32, #tpu.memory_space<vmem>> -> memref<16x50xi32, #tpu.memory_space<vmem>>
        %dma_start3A_1377 = arith.constant 0 : i32
        %dma_start3A_1378 = tpu.memref_slice %dma_start3A_1376[%dma_start3A_1361, %dma_start3A_1377] : memref<16x50xi32, #tpu.memory_space<vmem>> -> memref<1x50xi32, #tpu.memory_space<vmem>>
        %dma_start3A_1379 = tpu.memref_squeeze %dma_start3A_1378 : memref<1x50xi32, #tpu.memory_space<vmem>> -> memref<50xi32, #tpu.memory_space<vmem>>
        %dma_start3A_1380 = arith.constant 0 : i32
        %dma_start3A_1381 = arith.constant 0 : i32
        %dma_start3A_1382 = tpu.memref_slice %arg3[%dma_start3A_1380, %dma_start3A_1381] : memref<1000000x64xf32, #tpu.memory_space<hbm>> -> memref<1000000x64xf32, #tpu.memory_space<hbm>>
        tpu.enqueue_indirect_dma source(%dma_start3A_1382 : memref<1000000x64xf32, #tpu.memory_space<hbm>>) target(%dma_start3A_1372 : memref<50x64xf32, #tpu.memory_space<vmem>>) offsets(%dma_start3A_1379 : memref<50xi32, #tpu.memory_space<vmem>>) semaphore(%arg7 : memref<!tpu.dma_semaphore, #tpu.memory_space<semaphore_mem>>)
        %dma_start3A_1383 = arith.constant 0 : i32
        %dma_start3A_1384 = arith.constant 6 : i32
        %dma_start3A_1385 = arith.constant 0 : i32
        %dma_start3A_1386 = arith.constant 6 : i32
        %dma_start3A_1387 = arith.constant 0 : i32
        %dma_start3A_1388 = arith.constant 0 : i32
        %dma_start3A_1389 = arith.constant 0 : i32
        %dma_start3A_1390 = tpu.memref_slice %arg6[%dma_start3A_1385, %dma_start3A_1387, %dma_start3A_1388, %dma_start3A_1389] : memref<2x16x50x64xf32, #tpu.memory_space<vmem>> -> memref<1x16x50x64xf32, #tpu.memory_space<vmem>>
        %dma_start3A_1391 = tpu.memref_squeeze %dma_start3A_1390 : memref<1x16x50x64xf32, #tpu.memory_space<vmem>> -> memref<16x50x64xf32, #tpu.memory_space<vmem>>
        %dma_start3A_1392 = arith.constant 0 : i32
        %dma_start3A_1393 = arith.constant 0 : i32
        %dma_start3A_1394 = tpu.memref_slice %dma_start3A_1391[%dma_start3A_1386, %dma_start3A_1392, %dma_start3A_1393] : memref<16x50x64xf32, #tpu.memory_space<vmem>> -> memref<1x50x64xf32, #tpu.memory_space<vmem>>
        %dma_start3A_1395 = tpu.memref_squeeze %dma_start3A_1394 : memref<1x50x64xf32, #tpu.memory_space<vmem>> -> memref<50x64xf32, #tpu.memory_space<vmem>>
        %dma_start3A_1396 = arith.constant 0 : i32
        %dma_start3A_1397 = arith.constant 0 : i32
        %dma_start3A_1398 = tpu.memref_slice %arg5[%dma_start3A_1383, %dma_start3A_1396, %dma_start3A_1397] : memref<2x16x50xi32, #tpu.memory_space<vmem>> -> memref<1x16x50xi32, #tpu.memory_space<vmem>>
        %dma_start3A_1399 = tpu.memref_squeeze %dma_start3A_1398 : memref<1x16x50xi32, #tpu.memory_space<vmem>> -> memref<16x50xi32, #tpu.memory_space<vmem>>
        %dma_start3A_1400 = arith.constant 0 : i32
        %dma_start3A_1401 = tpu.memref_slice %dma_start3A_1399[%dma_start3A_1384, %dma_start3A_1400] : memref<16x50xi32, #tpu.memory_space<vmem>> -> memref<1x50xi32, #tpu.memory_space<vmem>>
        %dma_start3A_1402 = tpu.memref_squeeze %dma_start3A_1401 : memref<1x50xi32, #tpu.memory_space<vmem>> -> memref<50xi32, #tpu.memory_space<vmem>>
        %dma_start3A_1403 = arith.constant 0 : i32
        %dma_start3A_1404 = arith.constant 0 : i32
        %dma_start3A_1405 = tpu.memref_slice %arg3[%dma_start3A_1403, %dma_start3A_1404] : memref<1000000x64xf32, #tpu.memory_space<hbm>> -> memref<1000000x64xf32, #tpu.memory_space<hbm>>
        tpu.enqueue_indirect_dma source(%dma_start3A_1405 : memref<1000000x64xf32, #tpu.memory_space<hbm>>) target(%dma_start3A_1395 : memref<50x64xf32, #tpu.memory_space<vmem>>) offsets(%dma_start3A_1402 : memref<50xi32, #tpu.memory_space<vmem>>) semaphore(%arg7 : memref<!tpu.dma_semaphore, #tpu.memory_space<semaphore_mem>>)
        %dma_start3A_1406 = arith.constant 0 : i32
        %dma_start3A_1407 = arith.constant 7 : i32
        %dma_start3A_1408 = arith.constant 0 : i32
        %dma_start3A_1409 = arith.constant 7 : i32
        %dma_start3A_1410 = arith.constant 0 : i32
        %dma_start3A_1411 = arith.constant 0 : i32
        %dma_start3A_1412 = arith.constant 0 : i32
        %dma_start3A_1413 = tpu.memref_slice %arg6[%dma_start3A_1408, %dma_start3A_1410, %dma_start3A_1411, %dma_start3A_1412] : memref<2x16x50x64xf32, #tpu.memory_space<vmem>> -> memref<1x16x50x64xf32, #tpu.memory_space<vmem>>
        %dma_start3A_1414 = tpu.memref_squeeze %dma_start3A_1413 : memref<1x16x50x64xf32, #tpu.memory_space<vmem>> -> memref<16x50x64xf32, #tpu.memory_space<vmem>>
        %dma_start3A_1415 = arith.constant 0 : i32
        %dma_start3A_1416 = arith.constant 0 : i32
        %dma_start3A_1417 = tpu.memref_slice %dma_start3A_1414[%dma_start3A_1409, %dma_start3A_1415, %dma_start3A_1416] : memref<16x50x64xf32, #tpu.memory_space<vmem>> -> memref<1x50x64xf32, #tpu.memory_space<vmem>>
        %dma_start3A_1418 = tpu.memref_squeeze %dma_start3A_1417 : memref<1x50x64xf32, #tpu.memory_space<vmem>> -> memref<50x64xf32, #tpu.memory_space<vmem>>
        %dma_start3A_1419 = arith.constant 0 : i32
        %dma_start3A_1420 = arith.constant 0 : i32
        %dma_start3A_1421 = tpu.memref_slice %arg5[%dma_start3A_1406, %dma_start3A_1419, %dma_start3A_1420] : memref<2x16x50xi32, #tpu.memory_space<vmem>> -> memref<1x16x50xi32, #tpu.memory_space<vmem>>
        %dma_start3A_1422 = tpu.memref_squeeze %dma_start3A_1421 : memref<1x16x50xi32, #tpu.memory_space<vmem>> -> memref<16x50xi32, #tpu.memory_space<vmem>>
        %dma_start3A_1423 = arith.constant 0 : i32
        %dma_start3A_1424 = tpu.memref_slice %dma_start3A_1422[%dma_start3A_1407, %dma_start3A_1423] : memref<16x50xi32, #tpu.memory_space<vmem>> -> memref<1x50xi32, #tpu.memory_space<vmem>>
        %dma_start3A_1425 = tpu.memref_squeeze %dma_start3A_1424 : memref<1x50xi32, #tpu.memory_space<vmem>> -> memref<50xi32, #tpu.memory_space<vmem>>
        %dma_start3A_1426 = arith.constant 0 : i32
        %dma_start3A_1427 = arith.constant 0 : i32
        %dma_start3A_1428 = tpu.memref_slice %arg3[%dma_start3A_1426, %dma_start3A_1427] : memref<1000000x64xf32, #tpu.memory_space<hbm>> -> memref<1000000x64xf32, #tpu.memory_space<hbm>>
        tpu.enqueue_indirect_dma source(%dma_start3A_1428 : memref<1000000x64xf32, #tpu.memory_space<hbm>>) target(%dma_start3A_1418 : memref<50x64xf32, #tpu.memory_space<vmem>>) offsets(%dma_start3A_1425 : memref<50xi32, #tpu.memory_space<vmem>>) semaphore(%arg7 : memref<!tpu.dma_semaphore, #tpu.memory_space<semaphore_mem>>)
        %dma_start3A_1429 = arith.constant 0 : i32
        %dma_start3A_1430 = arith.constant 8 : i32
        %dma_start3A_1431 = arith.constant 0 : i32
        %dma_start3A_1432 = arith.constant 8 : i32
        %dma_start3A_1433 = arith.constant 0 : i32
        %dma_start3A_1434 = arith.constant 0 : i32
        %dma_start3A_1435 = arith.constant 0 : i32
        %dma_start3A_1436 = tpu.memref_slice %arg6[%dma_start3A_1431, %dma_start3A_1433, %dma_start3A_1434, %dma_start3A_1435] : memref<2x16x50x64xf32, #tpu.memory_space<vmem>> -> memref<1x16x50x64xf32, #tpu.memory_space<vmem>>
        %dma_start3A_1437 = tpu.memref_squeeze %dma_start3A_1436 : memref<1x16x50x64xf32, #tpu.memory_space<vmem>> -> memref<16x50x64xf32, #tpu.memory_space<vmem>>
        %dma_start3A_1438 = arith.constant 0 : i32
        %dma_start3A_1439 = arith.constant 0 : i32
        %dma_start3A_1440 = tpu.memref_slice %dma_start3A_1437[%dma_start3A_1432, %dma_start3A_1438, %dma_start3A_1439] : memref<16x50x64xf32, #tpu.memory_space<vmem>> -> memref<1x50x64xf32, #tpu.memory_space<vmem>>
        %dma_start3A_1441 = tpu.memref_squeeze %dma_start3A_1440 : memref<1x50x64xf32, #tpu.memory_space<vmem>> -> memref<50x64xf32, #tpu.memory_space<vmem>>
        %dma_start3A_1442 = arith.constant 0 : i32
        %dma_start3A_1443 = arith.constant 0 : i32
        %dma_start3A_1444 = tpu.memref_slice %arg5[%dma_start3A_1429, %dma_start3A_1442, %dma_start3A_1443] : memref<2x16x50xi32, #tpu.memory_space<vmem>> -> memref<1x16x50xi32, #tpu.memory_space<vmem>>
        %dma_start3A_1445 = tpu.memref_squeeze %dma_start3A_1444 : memref<1x16x50xi32, #tpu.memory_space<vmem>> -> memref<16x50xi32, #tpu.memory_space<vmem>>
        %dma_start3A_1446 = arith.constant 0 : i32
        %dma_start3A_1447 = tpu.memref_slice %dma_start3A_1445[%dma_start3A_1430, %dma_start3A_1446] : memref<16x50xi32, #tpu.memory_space<vmem>> -> memref<1x50xi32, #tpu.memory_space<vmem>>
        %dma_start3A_1448 = tpu.memref_squeeze %dma_start3A_1447 : memref<1x50xi32, #tpu.memory_space<vmem>> -> memref<50xi32, #tpu.memory_space<vmem>>
        %dma_start3A_1449 = arith.constant 0 : i32
        %dma_start3A_1450 = arith.constant 0 : i32
        %dma_start3A_1451 = tpu.memref_slice %arg3[%dma_start3A_1449, %dma_start3A_1450] : memref<1000000x64xf32, #tpu.memory_space<hbm>> -> memref<1000000x64xf32, #tpu.memory_space<hbm>>
        tpu.enqueue_indirect_dma source(%dma_start3A_1451 : memref<1000000x64xf32, #tpu.memory_space<hbm>>) target(%dma_start3A_1441 : memref<50x64xf32, #tpu.memory_space<vmem>>) offsets(%dma_start3A_1448 : memref<50xi32, #tpu.memory_space<vmem>>) semaphore(%arg7 : memref<!tpu.dma_semaphore, #tpu.memory_space<semaphore_mem>>)
        %dma_start3A_1452 = arith.constant 0 : i32
        %dma_start3A_1453 = arith.constant 9 : i32
        %dma_start3A_1454 = arith.constant 0 : i32
        %dma_start3A_1455 = arith.constant 9 : i32
        %dma_start3A_1456 = arith.constant 0 : i32
        %dma_start3A_1457 = arith.constant 0 : i32
        %dma_start3A_1458 = arith.constant 0 : i32
        %dma_start3A_1459 = tpu.memref_slice %arg6[%dma_start3A_1454, %dma_start3A_1456, %dma_start3A_1457, %dma_start3A_1458] : memref<2x16x50x64xf32, #tpu.memory_space<vmem>> -> memref<1x16x50x64xf32, #tpu.memory_space<vmem>>
        %dma_start3A_1460 = tpu.memref_squeeze %dma_start3A_1459 : memref<1x16x50x64xf32, #tpu.memory_space<vmem>> -> memref<16x50x64xf32, #tpu.memory_space<vmem>>
        %dma_start3A_1461 = arith.constant 0 : i32
        %dma_start3A_1462 = arith.constant 0 : i32
        %dma_start3A_1463 = tpu.memref_slice %dma_start3A_1460[%dma_start3A_1455, %dma_start3A_1461, %dma_start3A_1462] : memref<16x50x64xf32, #tpu.memory_space<vmem>> -> memref<1x50x64xf32, #tpu.memory_space<vmem>>
        %dma_start3A_1464 = tpu.memref_squeeze %dma_start3A_1463 : memref<1x50x64xf32, #tpu.memory_space<vmem>> -> memref<50x64xf32, #tpu.memory_space<vmem>>
        %dma_start3A_1465 = arith.constant 0 : i32
        %dma_start3A_1466 = arith.constant 0 : i32
        %dma_start3A_1467 = tpu.memref_slice %arg5[%dma_start3A_1452, %dma_start3A_1465, %dma_start3A_1466] : memref<2x16x50xi32, #tpu.memory_space<vmem>> -> memref<1x16x50xi32, #tpu.memory_space<vmem>>
        %dma_start3A_1468 = tpu.memref_squeeze %dma_start3A_1467 : memref<1x16x50xi32, #tpu.memory_space<vmem>> -> memref<16x50xi32, #tpu.memory_space<vmem>>
        %dma_start3A_1469 = arith.constant 0 : i32
        %dma_start3A_1470 = tpu.memref_slice %dma_start3A_1468[%dma_start3A_1453, %dma_start3A_1469] : memref<16x50xi32, #tpu.memory_space<vmem>> -> memref<1x50xi32, #tpu.memory_space<vmem>>
        %dma_start3A_1471 = tpu.memref_squeeze %dma_start3A_1470 : memref<1x50xi32, #tpu.memory_space<vmem>> -> memref<50xi32, #tpu.memory_space<vmem>>
        %dma_start3A_1472 = arith.constant 0 : i32
        %dma_start3A_1473 = arith.constant 0 : i32
        %dma_start3A_1474 = tpu.memref_slice %arg3[%dma_start3A_1472, %dma_start3A_1473] : memref<1000000x64xf32, #tpu.memory_space<hbm>> -> memref<1000000x64xf32, #tpu.memory_space<hbm>>
        tpu.enqueue_indirect_dma source(%dma_start3A_1474 : memref<1000000x64xf32, #tpu.memory_space<hbm>>) target(%dma_start3A_1464 : memref<50x64xf32, #tpu.memory_space<vmem>>) offsets(%dma_start3A_1471 : memref<50xi32, #tpu.memory_space<vmem>>) semaphore(%arg7 : memref<!tpu.dma_semaphore, #tpu.memory_space<semaphore_mem>>)
        %dma_start3A_1475 = arith.constant 0 : i32
        %dma_start3A_1476 = arith.constant 10 : i32
        %dma_start3A_1477 = arith.constant 0 : i32
        %dma_start3A_1478 = arith.constant 10 : i32
        %dma_start3A_1479 = arith.constant 0 : i32
        %dma_start3A_1480 = arith.constant 0 : i32
        %dma_start3A_1481 = arith.constant 0 : i32
        %dma_start3A_1482 = tpu.memref_slice %arg6[%dma_start3A_1477, %dma_start3A_1479, %dma_start3A_1480, %dma_start3A_1481] : memref<2x16x50x64xf32, #tpu.memory_space<vmem>> -> memref<1x16x50x64xf32, #tpu.memory_space<vmem>>
        %dma_start3A_1483 = tpu.memref_squeeze %dma_start3A_1482 : memref<1x16x50x64xf32, #tpu.memory_space<vmem>> -> memref<16x50x64xf32, #tpu.memory_space<vmem>>
        %dma_start3A_1484 = arith.constant 0 : i32
        %dma_start3A_1485 = arith.constant 0 : i32
        %dma_start3A_1486 = tpu.memref_slice %dma_start3A_1483[%dma_start3A_1478, %dma_start3A_1484, %dma_start3A_1485] : memref<16x50x64xf32, #tpu.memory_space<vmem>> -> memref<1x50x64xf32, #tpu.memory_space<vmem>>
        %dma_start3A_1487 = tpu.memref_squeeze %dma_start3A_1486 : memref<1x50x64xf32, #tpu.memory_space<vmem>> -> memref<50x64xf32, #tpu.memory_space<vmem>>
        %dma_start3A_1488 = arith.constant 0 : i32
        %dma_start3A_1489 = arith.constant 0 : i32
        %dma_start3A_1490 = tpu.memref_slice %arg5[%dma_start3A_1475, %dma_start3A_1488, %dma_start3A_1489] : memref<2x16x50xi32, #tpu.memory_space<vmem>> -> memref<1x16x50xi32, #tpu.memory_space<vmem>>
        %dma_start3A_1491 = tpu.memref_squeeze %dma_start3A_1490 : memref<1x16x50xi32, #tpu.memory_space<vmem>> -> memref<16x50xi32, #tpu.memory_space<vmem>>
        %dma_start3A_1492 = arith.constant 0 : i32
        %dma_start3A_1493 = tpu.memref_slice %dma_start3A_1491[%dma_start3A_1476, %dma_start3A_1492] : memref<16x50xi32, #tpu.memory_space<vmem>> -> memref<1x50xi32, #tpu.memory_space<vmem>>
        %dma_start3A_1494 = tpu.memref_squeeze %dma_start3A_1493 : memref<1x50xi32, #tpu.memory_space<vmem>> -> memref<50xi32, #tpu.memory_space<vmem>>
        %dma_start3A_1495 = arith.constant 0 : i32
        %dma_start3A_1496 = arith.constant 0 : i32
        %dma_start3A_1497 = tpu.memref_slice %arg3[%dma_start3A_1495, %dma_start3A_1496] : memref<1000000x64xf32, #tpu.memory_space<hbm>> -> memref<1000000x64xf32, #tpu.memory_space<hbm>>
        tpu.enqueue_indirect_dma source(%dma_start3A_1497 : memref<1000000x64xf32, #tpu.memory_space<hbm>>) target(%dma_start3A_1487 : memref<50x64xf32, #tpu.memory_space<vmem>>) offsets(%dma_start3A_1494 : memref<50xi32, #tpu.memory_space<vmem>>) semaphore(%arg7 : memref<!tpu.dma_semaphore, #tpu.memory_space<semaphore_mem>>)
        %dma_start3A_1498 = arith.constant 0 : i32
        %dma_start3A_1499 = arith.constant 11 : i32
        %dma_start3A_1500 = arith.constant 0 : i32
        %dma_start3A_1501 = arith.constant 11 : i32
        %dma_start3A_1502 = arith.constant 0 : i32
        %dma_start3A_1503 = arith.constant 0 : i32
        %dma_start3A_1504 = arith.constant 0 : i32
        %dma_start3A_1505 = tpu.memref_slice %arg6[%dma_start3A_1500, %dma_start3A_1502, %dma_start3A_1503, %dma_start3A_1504] : memref<2x16x50x64xf32, #tpu.memory_space<vmem>> -> memref<1x16x50x64xf32, #tpu.memory_space<vmem>>
        %dma_start3A_1506 = tpu.memref_squeeze %dma_start3A_1505 : memref<1x16x50x64xf32, #tpu.memory_space<vmem>> -> memref<16x50x64xf32, #tpu.memory_space<vmem>>
        %dma_start3A_1507 = arith.constant 0 : i32
        %dma_start3A_1508 = arith.constant 0 : i32
        %dma_start3A_1509 = tpu.memref_slice %dma_start3A_1506[%dma_start3A_1501, %dma_start3A_1507, %dma_start3A_1508] : memref<16x50x64xf32, #tpu.memory_space<vmem>> -> memref<1x50x64xf32, #tpu.memory_space<vmem>>
        %dma_start3A_1510 = tpu.memref_squeeze %dma_start3A_1509 : memref<1x50x64xf32, #tpu.memory_space<vmem>> -> memref<50x64xf32, #tpu.memory_space<vmem>>
        %dma_start3A_1511 = arith.constant 0 : i32
        %dma_start3A_1512 = arith.constant 0 : i32
        %dma_start3A_1513 = tpu.memref_slice %arg5[%dma_start3A_1498, %dma_start3A_1511, %dma_start3A_1512] : memref<2x16x50xi32, #tpu.memory_space<vmem>> -> memref<1x16x50xi32, #tpu.memory_space<vmem>>
        %dma_start3A_1514 = tpu.memref_squeeze %dma_start3A_1513 : memref<1x16x50xi32, #tpu.memory_space<vmem>> -> memref<16x50xi32, #tpu.memory_space<vmem>>
        %dma_start3A_1515 = arith.constant 0 : i32
        %dma_start3A_1516 = tpu.memref_slice %dma_start3A_1514[%dma_start3A_1499, %dma_start3A_1515] : memref<16x50xi32, #tpu.memory_space<vmem>> -> memref<1x50xi32, #tpu.memory_space<vmem>>
        %dma_start3A_1517 = tpu.memref_squeeze %dma_start3A_1516 : memref<1x50xi32, #tpu.memory_space<vmem>> -> memref<50xi32, #tpu.memory_space<vmem>>
        %dma_start3A_1518 = arith.constant 0 : i32
        %dma_start3A_1519 = arith.constant 0 : i32
        %dma_start3A_1520 = tpu.memref_slice %arg3[%dma_start3A_1518, %dma_start3A_1519] : memref<1000000x64xf32, #tpu.memory_space<hbm>> -> memref<1000000x64xf32, #tpu.memory_space<hbm>>
        tpu.enqueue_indirect_dma source(%dma_start3A_1520 : memref<1000000x64xf32, #tpu.memory_space<hbm>>) target(%dma_start3A_1510 : memref<50x64xf32, #tpu.memory_space<vmem>>) offsets(%dma_start3A_1517 : memref<50xi32, #tpu.memory_space<vmem>>) semaphore(%arg7 : memref<!tpu.dma_semaphore, #tpu.memory_space<semaphore_mem>>)
        %dma_start3A_1521 = arith.constant 0 : i32
        %dma_start3A_1522 = arith.constant 12 : i32
        %dma_start3A_1523 = arith.constant 0 : i32
        %dma_start3A_1524 = arith.constant 12 : i32
        %dma_start3A_1525 = arith.constant 0 : i32
        %dma_start3A_1526 = arith.constant 0 : i32
        %dma_start3A_1527 = arith.constant 0 : i32
        %dma_start3A_1528 = tpu.memref_slice %arg6[%dma_start3A_1523, %dma_start3A_1525, %dma_start3A_1526, %dma_start3A_1527] : memref<2x16x50x64xf32, #tpu.memory_space<vmem>> -> memref<1x16x50x64xf32, #tpu.memory_space<vmem>>
        %dma_start3A_1529 = tpu.memref_squeeze %dma_start3A_1528 : memref<1x16x50x64xf32, #tpu.memory_space<vmem>> -> memref<16x50x64xf32, #tpu.memory_space<vmem>>
        %dma_start3A_1530 = arith.constant 0 : i32
        %dma_start3A_1531 = arith.constant 0 : i32
        %dma_start3A_1532 = tpu.memref_slice %dma_start3A_1529[%dma_start3A_1524, %dma_start3A_1530, %dma_start3A_1531] : memref<16x50x64xf32, #tpu.memory_space<vmem>> -> memref<1x50x64xf32, #tpu.memory_space<vmem>>
        %dma_start3A_1533 = tpu.memref_squeeze %dma_start3A_1532 : memref<1x50x64xf32, #tpu.memory_space<vmem>> -> memref<50x64xf32, #tpu.memory_space<vmem>>
        %dma_start3A_1534 = arith.constant 0 : i32
        %dma_start3A_1535 = arith.constant 0 : i32
        %dma_start3A_1536 = tpu.memref_slice %arg5[%dma_start3A_1521, %dma_start3A_1534, %dma_start3A_1535] : memref<2x16x50xi32, #tpu.memory_space<vmem>> -> memref<1x16x50xi32, #tpu.memory_space<vmem>>
        %dma_start3A_1537 = tpu.memref_squeeze %dma_start3A_1536 : memref<1x16x50xi32, #tpu.memory_space<vmem>> -> memref<16x50xi32, #tpu.memory_space<vmem>>
        %dma_start3A_1538 = arith.constant 0 : i32
        %dma_start3A_1539 = tpu.memref_slice %dma_start3A_1537[%dma_start3A_1522, %dma_start3A_1538] : memref<16x50xi32, #tpu.memory_space<vmem>> -> memref<1x50xi32, #tpu.memory_space<vmem>>
        %dma_start3A_1540 = tpu.memref_squeeze %dma_start3A_1539 : memref<1x50xi32, #tpu.memory_space<vmem>> -> memref<50xi32, #tpu.memory_space<vmem>>
        %dma_start3A_1541 = arith.constant 0 : i32
        %dma_start3A_1542 = arith.constant 0 : i32
        %dma_start3A_1543 = tpu.memref_slice %arg3[%dma_start3A_1541, %dma_start3A_1542] : memref<1000000x64xf32, #tpu.memory_space<hbm>> -> memref<1000000x64xf32, #tpu.memory_space<hbm>>
        tpu.enqueue_indirect_dma source(%dma_start3A_1543 : memref<1000000x64xf32, #tpu.memory_space<hbm>>) target(%dma_start3A_1533 : memref<50x64xf32, #tpu.memory_space<vmem>>) offsets(%dma_start3A_1540 : memref<50xi32, #tpu.memory_space<vmem>>) semaphore(%arg7 : memref<!tpu.dma_semaphore, #tpu.memory_space<semaphore_mem>>)
        %dma_start3A_1544 = arith.constant 0 : i32
        %dma_start3A_1545 = arith.constant 13 : i32
        %dma_start3A_1546 = arith.constant 0 : i32
        %dma_start3A_1547 = arith.constant 13 : i32
        %dma_start3A_1548 = arith.constant 0 : i32
        %dma_start3A_1549 = arith.constant 0 : i32
        %dma_start3A_1550 = arith.constant 0 : i32
        %dma_start3A_1551 = tpu.memref_slice %arg6[%dma_start3A_1546, %dma_start3A_1548, %dma_start3A_1549, %dma_start3A_1550] : memref<2x16x50x64xf32, #tpu.memory_space<vmem>> -> memref<1x16x50x64xf32, #tpu.memory_space<vmem>>
        %dma_start3A_1552 = tpu.memref_squeeze %dma_start3A_1551 : memref<1x16x50x64xf32, #tpu.memory_space<vmem>> -> memref<16x50x64xf32, #tpu.memory_space<vmem>>
        %dma_start3A_1553 = arith.constant 0 : i32
        %dma_start3A_1554 = arith.constant 0 : i32
        %dma_start3A_1555 = tpu.memref_slice %dma_start3A_1552[%dma_start3A_1547, %dma_start3A_1553, %dma_start3A_1554] : memref<16x50x64xf32, #tpu.memory_space<vmem>> -> memref<1x50x64xf32, #tpu.memory_space<vmem>>
        %dma_start3A_1556 = tpu.memref_squeeze %dma_start3A_1555 : memref<1x50x64xf32, #tpu.memory_space<vmem>> -> memref<50x64xf32, #tpu.memory_space<vmem>>
        %dma_start3A_1557 = arith.constant 0 : i32
        %dma_start3A_1558 = arith.constant 0 : i32
        %dma_start3A_1559 = tpu.memref_slice %arg5[%dma_start3A_1544, %dma_start3A_1557, %dma_start3A_1558] : memref<2x16x50xi32, #tpu.memory_space<vmem>> -> memref<1x16x50xi32, #tpu.memory_space<vmem>>
        %dma_start3A_1560 = tpu.memref_squeeze %dma_start3A_1559 : memref<1x16x50xi32, #tpu.memory_space<vmem>> -> memref<16x50xi32, #tpu.memory_space<vmem>>
        %dma_start3A_1561 = arith.constant 0 : i32
        %dma_start3A_1562 = tpu.memref_slice %dma_start3A_1560[%dma_start3A_1545, %dma_start3A_1561] : memref<16x50xi32, #tpu.memory_space<vmem>> -> memref<1x50xi32, #tpu.memory_space<vmem>>
        %dma_start3A_1563 = tpu.memref_squeeze %dma_start3A_1562 : memref<1x50xi32, #tpu.memory_space<vmem>> -> memref<50xi32, #tpu.memory_space<vmem>>
        %dma_start3A_1564 = arith.constant 0 : i32
        %dma_start3A_1565 = arith.constant 0 : i32
        %dma_start3A_1566 = tpu.memref_slice %arg3[%dma_start3A_1564, %dma_start3A_1565] : memref<1000000x64xf32, #tpu.memory_space<hbm>> -> memref<1000000x64xf32, #tpu.memory_space<hbm>>
        tpu.enqueue_indirect_dma source(%dma_start3A_1566 : memref<1000000x64xf32, #tpu.memory_space<hbm>>) target(%dma_start3A_1556 : memref<50x64xf32, #tpu.memory_space<vmem>>) offsets(%dma_start3A_1563 : memref<50xi32, #tpu.memory_space<vmem>>) semaphore(%arg7 : memref<!tpu.dma_semaphore, #tpu.memory_space<semaphore_mem>>)
        %dma_start3A_1567 = arith.constant 0 : i32
        %dma_start3A_1568 = arith.constant 14 : i32
        %dma_start3A_1569 = arith.constant 0 : i32
        %dma_start3A_1570 = arith.constant 14 : i32
        %dma_start3A_1571 = arith.constant 0 : i32
        %dma_start3A_1572 = arith.constant 0 : i32
        %dma_start3A_1573 = arith.constant 0 : i32
        %dma_start3A_1574 = tpu.memref_slice %arg6[%dma_start3A_1569, %dma_start3A_1571, %dma_start3A_1572, %dma_start3A_1573] : memref<2x16x50x64xf32, #tpu.memory_space<vmem>> -> memref<1x16x50x64xf32, #tpu.memory_space<vmem>>
        %dma_start3A_1575 = tpu.memref_squeeze %dma_start3A_1574 : memref<1x16x50x64xf32, #tpu.memory_space<vmem>> -> memref<16x50x64xf32, #tpu.memory_space<vmem>>
        %dma_start3A_1576 = arith.constant 0 : i32
        %dma_start3A_1577 = arith.constant 0 : i32
        %dma_start3A_1578 = tpu.memref_slice %dma_start3A_1575[%dma_start3A_1570, %dma_start3A_1576, %dma_start3A_1577] : memref<16x50x64xf32, #tpu.memory_space<vmem>> -> memref<1x50x64xf32, #tpu.memory_space<vmem>>
        %dma_start3A_1579 = tpu.memref_squeeze %dma_start3A_1578 : memref<1x50x64xf32, #tpu.memory_space<vmem>> -> memref<50x64xf32, #tpu.memory_space<vmem>>
        %dma_start3A_1580 = arith.constant 0 : i32
        %dma_start3A_1581 = arith.constant 0 : i32
        %dma_start3A_1582 = tpu.memref_slice %arg5[%dma_start3A_1567, %dma_start3A_1580, %dma_start3A_1581] : memref<2x16x50xi32, #tpu.memory_space<vmem>> -> memref<1x16x50xi32, #tpu.memory_space<vmem>>
        %dma_start3A_1583 = tpu.memref_squeeze %dma_start3A_1582 : memref<1x16x50xi32, #tpu.memory_space<vmem>> -> memref<16x50xi32, #tpu.memory_space<vmem>>
        %dma_start3A_1584 = arith.constant 0 : i32
        %dma_start3A_1585 = tpu.memref_slice %dma_start3A_1583[%dma_start3A_1568, %dma_start3A_1584] : memref<16x50xi32, #tpu.memory_space<vmem>> -> memref<1x50xi32, #tpu.memory_space<vmem>>
        %dma_start3A_1586 = tpu.memref_squeeze %dma_start3A_1585 : memref<1x50xi32, #tpu.memory_space<vmem>> -> memref<50xi32, #tpu.memory_space<vmem>>
        %dma_start3A_1587 = arith.constant 0 : i32
        %dma_start3A_1588 = arith.constant 0 : i32
        %dma_start3A_1589 = tpu.memref_slice %arg3[%dma_start3A_1587, %dma_start3A_1588] : memref<1000000x64xf32, #tpu.memory_space<hbm>> -> memref<1000000x64xf32, #tpu.memory_space<hbm>>
        tpu.enqueue_indirect_dma source(%dma_start3A_1589 : memref<1000000x64xf32, #tpu.memory_space<hbm>>) target(%dma_start3A_1579 : memref<50x64xf32, #tpu.memory_space<vmem>>) offsets(%dma_start3A_1586 : memref<50xi32, #tpu.memory_space<vmem>>) semaphore(%arg7 : memref<!tpu.dma_semaphore, #tpu.memory_space<semaphore_mem>>)
        %dma_start3A_1590 = arith.constant 0 : i32
        %dma_start3A_1591 = arith.constant 15 : i32
        %dma_start3A_1592 = arith.constant 0 : i32
        %dma_start3A_1593 = arith.constant 15 : i32
        %dma_start3A_1594 = arith.constant 0 : i32
        %dma_start3A_1595 = arith.constant 0 : i32
        %dma_start3A_1596 = arith.constant 0 : i32
        %dma_start3A_1597 = tpu.memref_slice %arg6[%dma_start3A_1592, %dma_start3A_1594, %dma_start3A_1595, %dma_start3A_1596] : memref<2x16x50x64xf32, #tpu.memory_space<vmem>> -> memref<1x16x50x64xf32, #tpu.memory_space<vmem>>
        %dma_start3A_1598 = tpu.memref_squeeze %dma_start3A_1597 : memref<1x16x50x64xf32, #tpu.memory_space<vmem>> -> memref<16x50x64xf32, #tpu.memory_space<vmem>>
        %dma_start3A_1599 = arith.constant 0 : i32
        %dma_start3A_1600 = arith.constant 0 : i32
        %dma_start3A_1601 = tpu.memref_slice %dma_start3A_1598[%dma_start3A_1593, %dma_start3A_1599, %dma_start3A_1600] : memref<16x50x64xf32, #tpu.memory_space<vmem>> -> memref<1x50x64xf32, #tpu.memory_space<vmem>>
        %dma_start3A_1602 = tpu.memref_squeeze %dma_start3A_1601 : memref<1x50x64xf32, #tpu.memory_space<vmem>> -> memref<50x64xf32, #tpu.memory_space<vmem>>
        %dma_start3A_1603 = arith.constant 0 : i32
        %dma_start3A_1604 = arith.constant 0 : i32
        %dma_start3A_1605 = tpu.memref_slice %arg5[%dma_start3A_1590, %dma_start3A_1603, %dma_start3A_1604] : memref<2x16x50xi32, #tpu.memory_space<vmem>> -> memref<1x16x50xi32, #tpu.memory_space<vmem>>
        %dma_start3A_1606 = tpu.memref_squeeze %dma_start3A_1605 : memref<1x16x50xi32, #tpu.memory_space<vmem>> -> memref<16x50xi32, #tpu.memory_space<vmem>>
        %dma_start3A_1607 = arith.constant 0 : i32
        %dma_start3A_1608 = tpu.memref_slice %dma_start3A_1606[%dma_start3A_1591, %dma_start3A_1607] : memref<16x50xi32, #tpu.memory_space<vmem>> -> memref<1x50xi32, #tpu.memory_space<vmem>>
        %dma_start3A_1609 = tpu.memref_squeeze %dma_start3A_1608 : memref<1x50xi32, #tpu.memory_space<vmem>> -> memref<50xi32, #tpu.memory_space<vmem>>
        %dma_start3A_1610 = arith.constant 0 : i32
        %dma_start3A_1611 = arith.constant 0 : i32
        %dma_start3A_1612 = tpu.memref_slice %arg3[%dma_start3A_1610, %dma_start3A_1611] : memref<1000000x64xf32, #tpu.memory_space<hbm>> -> memref<1000000x64xf32, #tpu.memory_space<hbm>>
        tpu.enqueue_indirect_dma source(%dma_start3A_1612 : memref<1000000x64xf32, #tpu.memory_space<hbm>>) target(%dma_start3A_1602 : memref<50x64xf32, #tpu.memory_space<vmem>>) offsets(%dma_start3A_1609 : memref<50xi32, #tpu.memory_space<vmem>>) semaphore(%arg7 : memref<!tpu.dma_semaphore, #tpu.memory_space<semaphore_mem>>)
      } else {
      }
      %dma_wait3A_817 = arith.constant 1 : i32
      %dma_wait3A_818 = arith.constant 0 : i32
      %dma_wait3A_819 = arith.constant 0 : i32
      %dma_wait3A_820 = arith.constant 0 : i32
      %dma_wait3A_821 = arith.constant 0 : i32
      %dma_wait3A_822 = tpu.memref_slice %arg6[%dma_wait3A_817, %dma_wait3A_819, %dma_wait3A_820, %dma_wait3A_821] : memref<2x16x50x64xf32, #tpu.memory_space<vmem>> -> memref<1x16x50x64xf32, #tpu.memory_space<vmem>>
      %dma_wait3A_823 = tpu.memref_squeeze %dma_wait3A_822 : memref<1x16x50x64xf32, #tpu.memory_space<vmem>> -> memref<16x50x64xf32, #tpu.memory_space<vmem>>
      %dma_wait3A_824 = arith.constant 0 : i32
      %dma_wait3A_825 = arith.constant 0 : i32
      %dma_wait3A_826 = tpu.memref_slice %dma_wait3A_823[%dma_wait3A_818, %dma_wait3A_824, %dma_wait3A_825] : memref<16x50x64xf32, #tpu.memory_space<vmem>> -> memref<1x50x64xf32, #tpu.memory_space<vmem>>
      %dma_wait3A_827 = tpu.memref_squeeze %dma_wait3A_826 : memref<1x50x64xf32, #tpu.memory_space<vmem>> -> memref<50x64xf32, #tpu.memory_space<vmem>>
      %dma_wait3A_828 = arith.constant 0 : i32
      %dma_wait3A_829 = arith.constant 0 : i32
      %dma_wait3A_830 = tpu.memref_slice %arg3[%dma_wait3A_828, %dma_wait3A_829] : memref<1000000x64xf32, #tpu.memory_space<hbm>> -> memref<50x64xf32, #tpu.memory_space<hbm>>
      %dma_wait3A_831 = arith.constant 0 : i32
      %dma_wait3A_832 = arith.constant 0 : i32
      %dma_wait3A_833 = arith.constant 0 : i32
      %dma_wait3A_834 = tpu.memref_slice %arg6[%dma_wait3A_817, %dma_wait3A_831, %dma_wait3A_832, %dma_wait3A_833] : memref<2x16x50x64xf32, #tpu.memory_space<vmem>> -> memref<1x16x50x64xf32, #tpu.memory_space<vmem>>
      %dma_wait3A_835 = tpu.memref_squeeze %dma_wait3A_834 : memref<1x16x50x64xf32, #tpu.memory_space<vmem>> -> memref<16x50x64xf32, #tpu.memory_space<vmem>>
      %dma_wait3A_836 = arith.constant 0 : i32
      %dma_wait3A_837 = arith.constant 0 : i32
      %dma_wait3A_838 = tpu.memref_slice %dma_wait3A_835[%dma_wait3A_818, %dma_wait3A_836, %dma_wait3A_837] : memref<16x50x64xf32, #tpu.memory_space<vmem>> -> memref<1x50x64xf32, #tpu.memory_space<vmem>>
      %dma_wait3A_839 = tpu.memref_squeeze %dma_wait3A_838 : memref<1x50x64xf32, #tpu.memory_space<vmem>> -> memref<50x64xf32, #tpu.memory_space<vmem>>
      %dma_wait3A_840 = arith.constant 0 : i32
      %dma_wait3A_841 = arith.constant 0 : i32
      %dma_wait3A_842 = tpu.memref_slice %arg3[%dma_wait3A_840, %dma_wait3A_841] : memref<1000000x64xf32, #tpu.memory_space<hbm>> -> memref<50x64xf32, #tpu.memory_space<hbm>>
      tpu.wait_dma2 semaphore(%arg8 : memref<!tpu.dma_semaphore, #tpu.memory_space<semaphore_mem>>) src(%dma_wait3A_842 : memref<50x64xf32, #tpu.memory_space<hbm>>) dst(%dma_wait3A_839 : memref<50x64xf32, #tpu.memory_space<vmem>>)
      %dma_wait3A_843 = arith.constant 1 : i32
      %dma_wait3A_844 = arith.constant 1 : i32
      %dma_wait3A_845 = arith.constant 0 : i32
      %dma_wait3A_846 = arith.constant 0 : i32
      %dma_wait3A_847 = arith.constant 0 : i32
      %dma_wait3A_848 = tpu.memref_slice %arg6[%dma_wait3A_843, %dma_wait3A_845, %dma_wait3A_846, %dma_wait3A_847] : memref<2x16x50x64xf32, #tpu.memory_space<vmem>> -> memref<1x16x50x64xf32, #tpu.memory_space<vmem>>
      %dma_wait3A_849 = tpu.memref_squeeze %dma_wait3A_848 : memref<1x16x50x64xf32, #tpu.memory_space<vmem>> -> memref<16x50x64xf32, #tpu.memory_space<vmem>>
      %dma_wait3A_850 = arith.constant 0 : i32
      %dma_wait3A_851 = arith.constant 0 : i32
      %dma_wait3A_852 = tpu.memref_slice %dma_wait3A_849[%dma_wait3A_844, %dma_wait3A_850, %dma_wait3A_851] : memref<16x50x64xf32, #tpu.memory_space<vmem>> -> memref<1x50x64xf32, #tpu.memory_space<vmem>>
      %dma_wait3A_853 = tpu.memref_squeeze %dma_wait3A_852 : memref<1x50x64xf32, #tpu.memory_space<vmem>> -> memref<50x64xf32, #tpu.memory_space<vmem>>
      %dma_wait3A_854 = arith.constant 0 : i32
      %dma_wait3A_855 = arith.constant 0 : i32
      %dma_wait3A_856 = tpu.memref_slice %arg3[%dma_wait3A_854, %dma_wait3A_855] : memref<1000000x64xf32, #tpu.memory_space<hbm>> -> memref<50x64xf32, #tpu.memory_space<hbm>>
      %dma_wait3A_857 = arith.constant 0 : i32
      %dma_wait3A_858 = arith.constant 0 : i32
      %dma_wait3A_859 = arith.constant 0 : i32
      %dma_wait3A_860 = tpu.memref_slice %arg6[%dma_wait3A_843, %dma_wait3A_857, %dma_wait3A_858, %dma_wait3A_859] : memref<2x16x50x64xf32, #tpu.memory_space<vmem>> -> memref<1x16x50x64xf32, #tpu.memory_space<vmem>>
      %dma_wait3A_861 = tpu.memref_squeeze %dma_wait3A_860 : memref<1x16x50x64xf32, #tpu.memory_space<vmem>> -> memref<16x50x64xf32, #tpu.memory_space<vmem>>
      %dma_wait3A_862 = arith.constant 0 : i32
      %dma_wait3A_863 = arith.constant 0 : i32
      %dma_wait3A_864 = tpu.memref_slice %dma_wait3A_861[%dma_wait3A_844, %dma_wait3A_862, %dma_wait3A_863] : memref<16x50x64xf32, #tpu.memory_space<vmem>> -> memref<1x50x64xf32, #tpu.memory_space<vmem>>
      %dma_wait3A_865 = tpu.memref_squeeze %dma_wait3A_864 : memref<1x50x64xf32, #tpu.memory_space<vmem>> -> memref<50x64xf32, #tpu.memory_space<vmem>>
      %dma_wait3A_866 = arith.constant 0 : i32
      %dma_wait3A_867 = arith.constant 0 : i32
      %dma_wait3A_868 = tpu.memref_slice %arg3[%dma_wait3A_866, %dma_wait3A_867] : memref<1000000x64xf32, #tpu.memory_space<hbm>> -> memref<50x64xf32, #tpu.memory_space<hbm>>
      tpu.wait_dma2 semaphore(%arg8 : memref<!tpu.dma_semaphore, #tpu.memory_space<semaphore_mem>>) src(%dma_wait3A_868 : memref<50x64xf32, #tpu.memory_space<hbm>>) dst(%dma_wait3A_865 : memref<50x64xf32, #tpu.memory_space<vmem>>)
      %dma_wait3A_869 = arith.constant 1 : i32
      %dma_wait3A_870 = arith.constant 2 : i32
      %dma_wait3A_871 = arith.constant 0 : i32
      %dma_wait3A_872 = arith.constant 0 : i32
      %dma_wait3A_873 = arith.constant 0 : i32
      %dma_wait3A_874 = tpu.memref_slice %arg6[%dma_wait3A_869, %dma_wait3A_871, %dma_wait3A_872, %dma_wait3A_873] : memref<2x16x50x64xf32, #tpu.memory_space<vmem>> -> memref<1x16x50x64xf32, #tpu.memory_space<vmem>>
      %dma_wait3A_875 = tpu.memref_squeeze %dma_wait3A_874 : memref<1x16x50x64xf32, #tpu.memory_space<vmem>> -> memref<16x50x64xf32, #tpu.memory_space<vmem>>
      %dma_wait3A_876 = arith.constant 0 : i32
      %dma_wait3A_877 = arith.constant 0 : i32
      %dma_wait3A_878 = tpu.memref_slice %dma_wait3A_875[%dma_wait3A_870, %dma_wait3A_876, %dma_wait3A_877] : memref<16x50x64xf32, #tpu.memory_space<vmem>> -> memref<1x50x64xf32, #tpu.memory_space<vmem>>
      %dma_wait3A_879 = tpu.memref_squeeze %dma_wait3A_878 : memref<1x50x64xf32, #tpu.memory_space<vmem>> -> memref<50x64xf32, #tpu.memory_space<vmem>>
      %dma_wait3A_880 = arith.constant 0 : i32
      %dma_wait3A_881 = arith.constant 0 : i32
      %dma_wait3A_882 = tpu.memref_slice %arg3[%dma_wait3A_880, %dma_wait3A_881] : memref<1000000x64xf32, #tpu.memory_space<hbm>> -> memref<50x64xf32, #tpu.memory_space<hbm>>
      %dma_wait3A_883 = arith.constant 0 : i32
      %dma_wait3A_884 = arith.constant 0 : i32
      %dma_wait3A_885 = arith.constant 0 : i32
      %dma_wait3A_886 = tpu.memref_slice %arg6[%dma_wait3A_869, %dma_wait3A_883, %dma_wait3A_884, %dma_wait3A_885] : memref<2x16x50x64xf32, #tpu.memory_space<vmem>> -> memref<1x16x50x64xf32, #tpu.memory_space<vmem>>
      %dma_wait3A_887 = tpu.memref_squeeze %dma_wait3A_886 : memref<1x16x50x64xf32, #tpu.memory_space<vmem>> -> memref<16x50x64xf32, #tpu.memory_space<vmem>>
      %dma_wait3A_888 = arith.constant 0 : i32
      %dma_wait3A_889 = arith.constant 0 : i32
      %dma_wait3A_890 = tpu.memref_slice %dma_wait3A_887[%dma_wait3A_870, %dma_wait3A_888, %dma_wait3A_889] : memref<16x50x64xf32, #tpu.memory_space<vmem>> -> memref<1x50x64xf32, #tpu.memory_space<vmem>>
      %dma_wait3A_891 = tpu.memref_squeeze %dma_wait3A_890 : memref<1x50x64xf32, #tpu.memory_space<vmem>> -> memref<50x64xf32, #tpu.memory_space<vmem>>
      %dma_wait3A_892 = arith.constant 0 : i32
      %dma_wait3A_893 = arith.constant 0 : i32
      %dma_wait3A_894 = tpu.memref_slice %arg3[%dma_wait3A_892, %dma_wait3A_893] : memref<1000000x64xf32, #tpu.memory_space<hbm>> -> memref<50x64xf32, #tpu.memory_space<hbm>>
      tpu.wait_dma2 semaphore(%arg8 : memref<!tpu.dma_semaphore, #tpu.memory_space<semaphore_mem>>) src(%dma_wait3A_894 : memref<50x64xf32, #tpu.memory_space<hbm>>) dst(%dma_wait3A_891 : memref<50x64xf32, #tpu.memory_space<vmem>>)
      %dma_wait3A_895 = arith.constant 1 : i32
      %dma_wait3A_896 = arith.constant 3 : i32
      %dma_wait3A_897 = arith.constant 0 : i32
      %dma_wait3A_898 = arith.constant 0 : i32
      %dma_wait3A_899 = arith.constant 0 : i32
      %dma_wait3A_900 = tpu.memref_slice %arg6[%dma_wait3A_895, %dma_wait3A_897, %dma_wait3A_898, %dma_wait3A_899] : memref<2x16x50x64xf32, #tpu.memory_space<vmem>> -> memref<1x16x50x64xf32, #tpu.memory_space<vmem>>
      %dma_wait3A_901 = tpu.memref_squeeze %dma_wait3A_900 : memref<1x16x50x64xf32, #tpu.memory_space<vmem>> -> memref<16x50x64xf32, #tpu.memory_space<vmem>>
      %dma_wait3A_902 = arith.constant 0 : i32
      %dma_wait3A_903 = arith.constant 0 : i32
      %dma_wait3A_904 = tpu.memref_slice %dma_wait3A_901[%dma_wait3A_896, %dma_wait3A_902, %dma_wait3A_903] : memref<16x50x64xf32, #tpu.memory_space<vmem>> -> memref<1x50x64xf32, #tpu.memory_space<vmem>>
      %dma_wait3A_905 = tpu.memref_squeeze %dma_wait3A_904 : memref<1x50x64xf32, #tpu.memory_space<vmem>> -> memref<50x64xf32, #tpu.memory_space<vmem>>
      %dma_wait3A_906 = arith.constant 0 : i32
      %dma_wait3A_907 = arith.constant 0 : i32
      %dma_wait3A_908 = tpu.memref_slice %arg3[%dma_wait3A_906, %dma_wait3A_907] : memref<1000000x64xf32, #tpu.memory_space<hbm>> -> memref<50x64xf32, #tpu.memory_space<hbm>>
      %dma_wait3A_909 = arith.constant 0 : i32
      %dma_wait3A_910 = arith.constant 0 : i32
      %dma_wait3A_911 = arith.constant 0 : i32
      %dma_wait3A_912 = tpu.memref_slice %arg6[%dma_wait3A_895, %dma_wait3A_909, %dma_wait3A_910, %dma_wait3A_911] : memref<2x16x50x64xf32, #tpu.memory_space<vmem>> -> memref<1x16x50x64xf32, #tpu.memory_space<vmem>>
      %dma_wait3A_913 = tpu.memref_squeeze %dma_wait3A_912 : memref<1x16x50x64xf32, #tpu.memory_space<vmem>> -> memref<16x50x64xf32, #tpu.memory_space<vmem>>
      %dma_wait3A_914 = arith.constant 0 : i32
      %dma_wait3A_915 = arith.constant 0 : i32
      %dma_wait3A_916 = tpu.memref_slice %dma_wait3A_913[%dma_wait3A_896, %dma_wait3A_914, %dma_wait3A_915] : memref<16x50x64xf32, #tpu.memory_space<vmem>> -> memref<1x50x64xf32, #tpu.memory_space<vmem>>
      %dma_wait3A_917 = tpu.memref_squeeze %dma_wait3A_916 : memref<1x50x64xf32, #tpu.memory_space<vmem>> -> memref<50x64xf32, #tpu.memory_space<vmem>>
      %dma_wait3A_918 = arith.constant 0 : i32
      %dma_wait3A_919 = arith.constant 0 : i32
      %dma_wait3A_920 = tpu.memref_slice %arg3[%dma_wait3A_918, %dma_wait3A_919] : memref<1000000x64xf32, #tpu.memory_space<hbm>> -> memref<50x64xf32, #tpu.memory_space<hbm>>
      tpu.wait_dma2 semaphore(%arg8 : memref<!tpu.dma_semaphore, #tpu.memory_space<semaphore_mem>>) src(%dma_wait3A_920 : memref<50x64xf32, #tpu.memory_space<hbm>>) dst(%dma_wait3A_917 : memref<50x64xf32, #tpu.memory_space<vmem>>)
      %dma_wait3A_921 = arith.constant 1 : i32
      %dma_wait3A_922 = arith.constant 4 : i32
      %dma_wait3A_923 = arith.constant 0 : i32
      %dma_wait3A_924 = arith.constant 0 : i32
      %dma_wait3A_925 = arith.constant 0 : i32
      %dma_wait3A_926 = tpu.memref_slice %arg6[%dma_wait3A_921, %dma_wait3A_923, %dma_wait3A_924, %dma_wait3A_925] : memref<2x16x50x64xf32, #tpu.memory_space<vmem>> -> memref<1x16x50x64xf32, #tpu.memory_space<vmem>>
      %dma_wait3A_927 = tpu.memref_squeeze %dma_wait3A_926 : memref<1x16x50x64xf32, #tpu.memory_space<vmem>> -> memref<16x50x64xf32, #tpu.memory_space<vmem>>
      %dma_wait3A_928 = arith.constant 0 : i32
      %dma_wait3A_929 = arith.constant 0 : i32
      %dma_wait3A_930 = tpu.memref_slice %dma_wait3A_927[%dma_wait3A_922, %dma_wait3A_928, %dma_wait3A_929] : memref<16x50x64xf32, #tpu.memory_space<vmem>> -> memref<1x50x64xf32, #tpu.memory_space<vmem>>
      %dma_wait3A_931 = tpu.memref_squeeze %dma_wait3A_930 : memref<1x50x64xf32, #tpu.memory_space<vmem>> -> memref<50x64xf32, #tpu.memory_space<vmem>>
      %dma_wait3A_932 = arith.constant 0 : i32
      %dma_wait3A_933 = arith.constant 0 : i32
      %dma_wait3A_934 = tpu.memref_slice %arg3[%dma_wait3A_932, %dma_wait3A_933] : memref<1000000x64xf32, #tpu.memory_space<hbm>> -> memref<50x64xf32, #tpu.memory_space<hbm>>
      %dma_wait3A_935 = arith.constant 0 : i32
      %dma_wait3A_936 = arith.constant 0 : i32
      %dma_wait3A_937 = arith.constant 0 : i32
      %dma_wait3A_938 = tpu.memref_slice %arg6[%dma_wait3A_921, %dma_wait3A_935, %dma_wait3A_936, %dma_wait3A_937] : memref<2x16x50x64xf32, #tpu.memory_space<vmem>> -> memref<1x16x50x64xf32, #tpu.memory_space<vmem>>
      %dma_wait3A_939 = tpu.memref_squeeze %dma_wait3A_938 : memref<1x16x50x64xf32, #tpu.memory_space<vmem>> -> memref<16x50x64xf32, #tpu.memory_space<vmem>>
      %dma_wait3A_940 = arith.constant 0 : i32
      %dma_wait3A_941 = arith.constant 0 : i32
      %dma_wait3A_942 = tpu.memref_slice %dma_wait3A_939[%dma_wait3A_922, %dma_wait3A_940, %dma_wait3A_941] : memref<16x50x64xf32, #tpu.memory_space<vmem>> -> memref<1x50x64xf32, #tpu.memory_space<vmem>>
      %dma_wait3A_943 = tpu.memref_squeeze %dma_wait3A_942 : memref<1x50x64xf32, #tpu.memory_space<vmem>> -> memref<50x64xf32, #tpu.memory_space<vmem>>
      %dma_wait3A_944 = arith.constant 0 : i32
      %dma_wait3A_945 = arith.constant 0 : i32
      %dma_wait3A_946 = tpu.memref_slice %arg3[%dma_wait3A_944, %dma_wait3A_945] : memref<1000000x64xf32, #tpu.memory_space<hbm>> -> memref<50x64xf32, #tpu.memory_space<hbm>>
      tpu.wait_dma2 semaphore(%arg8 : memref<!tpu.dma_semaphore, #tpu.memory_space<semaphore_mem>>) src(%dma_wait3A_946 : memref<50x64xf32, #tpu.memory_space<hbm>>) dst(%dma_wait3A_943 : memref<50x64xf32, #tpu.memory_space<vmem>>)
      %dma_wait3A_947 = arith.constant 1 : i32
      %dma_wait3A_948 = arith.constant 5 : i32
      %dma_wait3A_949 = arith.constant 0 : i32
      %dma_wait3A_950 = arith.constant 0 : i32
      %dma_wait3A_951 = arith.constant 0 : i32
      %dma_wait3A_952 = tpu.memref_slice %arg6[%dma_wait3A_947, %dma_wait3A_949, %dma_wait3A_950, %dma_wait3A_951] : memref<2x16x50x64xf32, #tpu.memory_space<vmem>> -> memref<1x16x50x64xf32, #tpu.memory_space<vmem>>
      %dma_wait3A_953 = tpu.memref_squeeze %dma_wait3A_952 : memref<1x16x50x64xf32, #tpu.memory_space<vmem>> -> memref<16x50x64xf32, #tpu.memory_space<vmem>>
      %dma_wait3A_954 = arith.constant 0 : i32
      %dma_wait3A_955 = arith.constant 0 : i32
      %dma_wait3A_956 = tpu.memref_slice %dma_wait3A_953[%dma_wait3A_948, %dma_wait3A_954, %dma_wait3A_955] : memref<16x50x64xf32, #tpu.memory_space<vmem>> -> memref<1x50x64xf32, #tpu.memory_space<vmem>>
      %dma_wait3A_957 = tpu.memref_squeeze %dma_wait3A_956 : memref<1x50x64xf32, #tpu.memory_space<vmem>> -> memref<50x64xf32, #tpu.memory_space<vmem>>
      %dma_wait3A_958 = arith.constant 0 : i32
      %dma_wait3A_959 = arith.constant 0 : i32
      %dma_wait3A_960 = tpu.memref_slice %arg3[%dma_wait3A_958, %dma_wait3A_959] : memref<1000000x64xf32, #tpu.memory_space<hbm>> -> memref<50x64xf32, #tpu.memory_space<hbm>>
      %dma_wait3A_961 = arith.constant 0 : i32
      %dma_wait3A_962 = arith.constant 0 : i32
      %dma_wait3A_963 = arith.constant 0 : i32
      %dma_wait3A_964 = tpu.memref_slice %arg6[%dma_wait3A_947, %dma_wait3A_961, %dma_wait3A_962, %dma_wait3A_963] : memref<2x16x50x64xf32, #tpu.memory_space<vmem>> -> memref<1x16x50x64xf32, #tpu.memory_space<vmem>>
      %dma_wait3A_965 = tpu.memref_squeeze %dma_wait3A_964 : memref<1x16x50x64xf32, #tpu.memory_space<vmem>> -> memref<16x50x64xf32, #tpu.memory_space<vmem>>
      %dma_wait3A_966 = arith.constant 0 : i32
      %dma_wait3A_967 = arith.constant 0 : i32
      %dma_wait3A_968 = tpu.memref_slice %dma_wait3A_965[%dma_wait3A_948, %dma_wait3A_966, %dma_wait3A_967] : memref<16x50x64xf32, #tpu.memory_space<vmem>> -> memref<1x50x64xf32, #tpu.memory_space<vmem>>
      %dma_wait3A_969 = tpu.memref_squeeze %dma_wait3A_968 : memref<1x50x64xf32, #tpu.memory_space<vmem>> -> memref<50x64xf32, #tpu.memory_space<vmem>>
      %dma_wait3A_970 = arith.constant 0 : i32
      %dma_wait3A_971 = arith.constant 0 : i32
      %dma_wait3A_972 = tpu.memref_slice %arg3[%dma_wait3A_970, %dma_wait3A_971] : memref<1000000x64xf32, #tpu.memory_space<hbm>> -> memref<50x64xf32, #tpu.memory_space<hbm>>
      tpu.wait_dma2 semaphore(%arg8 : memref<!tpu.dma_semaphore, #tpu.memory_space<semaphore_mem>>) src(%dma_wait3A_972 : memref<50x64xf32, #tpu.memory_space<hbm>>) dst(%dma_wait3A_969 : memref<50x64xf32, #tpu.memory_space<vmem>>)
      %dma_wait3A_973 = arith.constant 1 : i32
      %dma_wait3A_974 = arith.constant 6 : i32
      %dma_wait3A_975 = arith.constant 0 : i32
      %dma_wait3A_976 = arith.constant 0 : i32
      %dma_wait3A_977 = arith.constant 0 : i32
      %dma_wait3A_978 = tpu.memref_slice %arg6[%dma_wait3A_973, %dma_wait3A_975, %dma_wait3A_976, %dma_wait3A_977] : memref<2x16x50x64xf32, #tpu.memory_space<vmem>> -> memref<1x16x50x64xf32, #tpu.memory_space<vmem>>
      %dma_wait3A_979 = tpu.memref_squeeze %dma_wait3A_978 : memref<1x16x50x64xf32, #tpu.memory_space<vmem>> -> memref<16x50x64xf32, #tpu.memory_space<vmem>>
      %dma_wait3A_980 = arith.constant 0 : i32
      %dma_wait3A_981 = arith.constant 0 : i32
      %dma_wait3A_982 = tpu.memref_slice %dma_wait3A_979[%dma_wait3A_974, %dma_wait3A_980, %dma_wait3A_981] : memref<16x50x64xf32, #tpu.memory_space<vmem>> -> memref<1x50x64xf32, #tpu.memory_space<vmem>>
      %dma_wait3A_983 = tpu.memref_squeeze %dma_wait3A_982 : memref<1x50x64xf32, #tpu.memory_space<vmem>> -> memref<50x64xf32, #tpu.memory_space<vmem>>
      %dma_wait3A_984 = arith.constant 0 : i32
      %dma_wait3A_985 = arith.constant 0 : i32
      %dma_wait3A_986 = tpu.memref_slice %arg3[%dma_wait3A_984, %dma_wait3A_985] : memref<1000000x64xf32, #tpu.memory_space<hbm>> -> memref<50x64xf32, #tpu.memory_space<hbm>>
      %dma_wait3A_987 = arith.constant 0 : i32
      %dma_wait3A_988 = arith.constant 0 : i32
      %dma_wait3A_989 = arith.constant 0 : i32
      %dma_wait3A_990 = tpu.memref_slice %arg6[%dma_wait3A_973, %dma_wait3A_987, %dma_wait3A_988, %dma_wait3A_989] : memref<2x16x50x64xf32, #tpu.memory_space<vmem>> -> memref<1x16x50x64xf32, #tpu.memory_space<vmem>>
      %dma_wait3A_991 = tpu.memref_squeeze %dma_wait3A_990 : memref<1x16x50x64xf32, #tpu.memory_space<vmem>> -> memref<16x50x64xf32, #tpu.memory_space<vmem>>
      %dma_wait3A_992 = arith.constant 0 : i32
      %dma_wait3A_993 = arith.constant 0 : i32
      %dma_wait3A_994 = tpu.memref_slice %dma_wait3A_991[%dma_wait3A_974, %dma_wait3A_992, %dma_wait3A_993] : memref<16x50x64xf32, #tpu.memory_space<vmem>> -> memref<1x50x64xf32, #tpu.memory_space<vmem>>
      %dma_wait3A_995 = tpu.memref_squeeze %dma_wait3A_994 : memref<1x50x64xf32, #tpu.memory_space<vmem>> -> memref<50x64xf32, #tpu.memory_space<vmem>>
      %dma_wait3A_996 = arith.constant 0 : i32
      %dma_wait3A_997 = arith.constant 0 : i32
      %dma_wait3A_998 = tpu.memref_slice %arg3[%dma_wait3A_996, %dma_wait3A_997] : memref<1000000x64xf32, #tpu.memory_space<hbm>> -> memref<50x64xf32, #tpu.memory_space<hbm>>
      tpu.wait_dma2 semaphore(%arg8 : memref<!tpu.dma_semaphore, #tpu.memory_space<semaphore_mem>>) src(%dma_wait3A_998 : memref<50x64xf32, #tpu.memory_space<hbm>>) dst(%dma_wait3A_995 : memref<50x64xf32, #tpu.memory_space<vmem>>)
      %dma_wait3A_999 = arith.constant 1 : i32
      %dma_wait3A_1000 = arith.constant 7 : i32
      %dma_wait3A_1001 = arith.constant 0 : i32
      %dma_wait3A_1002 = arith.constant 0 : i32
      %dma_wait3A_1003 = arith.constant 0 : i32
      %dma_wait3A_1004 = tpu.memref_slice %arg6[%dma_wait3A_999, %dma_wait3A_1001, %dma_wait3A_1002, %dma_wait3A_1003] : memref<2x16x50x64xf32, #tpu.memory_space<vmem>> -> memref<1x16x50x64xf32, #tpu.memory_space<vmem>>
      %dma_wait3A_1005 = tpu.memref_squeeze %dma_wait3A_1004 : memref<1x16x50x64xf32, #tpu.memory_space<vmem>> -> memref<16x50x64xf32, #tpu.memory_space<vmem>>
      %dma_wait3A_1006 = arith.constant 0 : i32
      %dma_wait3A_1007 = arith.constant 0 : i32
      %dma_wait3A_1008 = tpu.memref_slice %dma_wait3A_1005[%dma_wait3A_1000, %dma_wait3A_1006, %dma_wait3A_1007] : memref<16x50x64xf32, #tpu.memory_space<vmem>> -> memref<1x50x64xf32, #tpu.memory_space<vmem>>
      %dma_wait3A_1009 = tpu.memref_squeeze %dma_wait3A_1008 : memref<1x50x64xf32, #tpu.memory_space<vmem>> -> memref<50x64xf32, #tpu.memory_space<vmem>>
      %dma_wait3A_1010 = arith.constant 0 : i32
      %dma_wait3A_1011 = arith.constant 0 : i32
      %dma_wait3A_1012 = tpu.memref_slice %arg3[%dma_wait3A_1010, %dma_wait3A_1011] : memref<1000000x64xf32, #tpu.memory_space<hbm>> -> memref<50x64xf32, #tpu.memory_space<hbm>>
      %dma_wait3A_1013 = arith.constant 0 : i32
      %dma_wait3A_1014 = arith.constant 0 : i32
      %dma_wait3A_1015 = arith.constant 0 : i32
      %dma_wait3A_1016 = tpu.memref_slice %arg6[%dma_wait3A_999, %dma_wait3A_1013, %dma_wait3A_1014, %dma_wait3A_1015] : memref<2x16x50x64xf32, #tpu.memory_space<vmem>> -> memref<1x16x50x64xf32, #tpu.memory_space<vmem>>
      %dma_wait3A_1017 = tpu.memref_squeeze %dma_wait3A_1016 : memref<1x16x50x64xf32, #tpu.memory_space<vmem>> -> memref<16x50x64xf32, #tpu.memory_space<vmem>>
      %dma_wait3A_1018 = arith.constant 0 : i32
      %dma_wait3A_1019 = arith.constant 0 : i32
      %dma_wait3A_1020 = tpu.memref_slice %dma_wait3A_1017[%dma_wait3A_1000, %dma_wait3A_1018, %dma_wait3A_1019] : memref<16x50x64xf32, #tpu.memory_space<vmem>> -> memref<1x50x64xf32, #tpu.memory_space<vmem>>
      %dma_wait3A_1021 = tpu.memref_squeeze %dma_wait3A_1020 : memref<1x50x64xf32, #tpu.memory_space<vmem>> -> memref<50x64xf32, #tpu.memory_space<vmem>>
      %dma_wait3A_1022 = arith.constant 0 : i32
      %dma_wait3A_1023 = arith.constant 0 : i32
      %dma_wait3A_1024 = tpu.memref_slice %arg3[%dma_wait3A_1022, %dma_wait3A_1023] : memref<1000000x64xf32, #tpu.memory_space<hbm>> -> memref<50x64xf32, #tpu.memory_space<hbm>>
      tpu.wait_dma2 semaphore(%arg8 : memref<!tpu.dma_semaphore, #tpu.memory_space<semaphore_mem>>) src(%dma_wait3A_1024 : memref<50x64xf32, #tpu.memory_space<hbm>>) dst(%dma_wait3A_1021 : memref<50x64xf32, #tpu.memory_space<vmem>>)
      %dma_wait3A_1025 = arith.constant 1 : i32
      %dma_wait3A_1026 = arith.constant 8 : i32
      %dma_wait3A_1027 = arith.constant 0 : i32
      %dma_wait3A_1028 = arith.constant 0 : i32
      %dma_wait3A_1029 = arith.constant 0 : i32
      %dma_wait3A_1030 = tpu.memref_slice %arg6[%dma_wait3A_1025, %dma_wait3A_1027, %dma_wait3A_1028, %dma_wait3A_1029] : memref<2x16x50x64xf32, #tpu.memory_space<vmem>> -> memref<1x16x50x64xf32, #tpu.memory_space<vmem>>
      %dma_wait3A_1031 = tpu.memref_squeeze %dma_wait3A_1030 : memref<1x16x50x64xf32, #tpu.memory_space<vmem>> -> memref<16x50x64xf32, #tpu.memory_space<vmem>>
      %dma_wait3A_1032 = arith.constant 0 : i32
      %dma_wait3A_1033 = arith.constant 0 : i32
      %dma_wait3A_1034 = tpu.memref_slice %dma_wait3A_1031[%dma_wait3A_1026, %dma_wait3A_1032, %dma_wait3A_1033] : memref<16x50x64xf32, #tpu.memory_space<vmem>> -> memref<1x50x64xf32, #tpu.memory_space<vmem>>
      %dma_wait3A_1035 = tpu.memref_squeeze %dma_wait3A_1034 : memref<1x50x64xf32, #tpu.memory_space<vmem>> -> memref<50x64xf32, #tpu.memory_space<vmem>>
      %dma_wait3A_1036 = arith.constant 0 : i32
      %dma_wait3A_1037 = arith.constant 0 : i32
      %dma_wait3A_1038 = tpu.memref_slice %arg3[%dma_wait3A_1036, %dma_wait3A_1037] : memref<1000000x64xf32, #tpu.memory_space<hbm>> -> memref<50x64xf32, #tpu.memory_space<hbm>>
      %dma_wait3A_1039 = arith.constant 0 : i32
      %dma_wait3A_1040 = arith.constant 0 : i32
      %dma_wait3A_1041 = arith.constant 0 : i32
      %dma_wait3A_1042 = tpu.memref_slice %arg6[%dma_wait3A_1025, %dma_wait3A_1039, %dma_wait3A_1040, %dma_wait3A_1041] : memref<2x16x50x64xf32, #tpu.memory_space<vmem>> -> memref<1x16x50x64xf32, #tpu.memory_space<vmem>>
      %dma_wait3A_1043 = tpu.memref_squeeze %dma_wait3A_1042 : memref<1x16x50x64xf32, #tpu.memory_space<vmem>> -> memref<16x50x64xf32, #tpu.memory_space<vmem>>
      %dma_wait3A_1044 = arith.constant 0 : i32
      %dma_wait3A_1045 = arith.constant 0 : i32
      %dma_wait3A_1046 = tpu.memref_slice %dma_wait3A_1043[%dma_wait3A_1026, %dma_wait3A_1044, %dma_wait3A_1045] : memref<16x50x64xf32, #tpu.memory_space<vmem>> -> memref<1x50x64xf32, #tpu.memory_space<vmem>>
      %dma_wait3A_1047 = tpu.memref_squeeze %dma_wait3A_1046 : memref<1x50x64xf32, #tpu.memory_space<vmem>> -> memref<50x64xf32, #tpu.memory_space<vmem>>
      %dma_wait3A_1048 = arith.constant 0 : i32
      %dma_wait3A_1049 = arith.constant 0 : i32
      %dma_wait3A_1050 = tpu.memref_slice %arg3[%dma_wait3A_1048, %dma_wait3A_1049] : memref<1000000x64xf32, #tpu.memory_space<hbm>> -> memref<50x64xf32, #tpu.memory_space<hbm>>
      tpu.wait_dma2 semaphore(%arg8 : memref<!tpu.dma_semaphore, #tpu.memory_space<semaphore_mem>>) src(%dma_wait3A_1050 : memref<50x64xf32, #tpu.memory_space<hbm>>) dst(%dma_wait3A_1047 : memref<50x64xf32, #tpu.memory_space<vmem>>)
      %dma_wait3A_1051 = arith.constant 1 : i32
      %dma_wait3A_1052 = arith.constant 9 : i32
      %dma_wait3A_1053 = arith.constant 0 : i32
      %dma_wait3A_1054 = arith.constant 0 : i32
      %dma_wait3A_1055 = arith.constant 0 : i32
      %dma_wait3A_1056 = tpu.memref_slice %arg6[%dma_wait3A_1051, %dma_wait3A_1053, %dma_wait3A_1054, %dma_wait3A_1055] : memref<2x16x50x64xf32, #tpu.memory_space<vmem>> -> memref<1x16x50x64xf32, #tpu.memory_space<vmem>>
      %dma_wait3A_1057 = tpu.memref_squeeze %dma_wait3A_1056 : memref<1x16x50x64xf32, #tpu.memory_space<vmem>> -> memref<16x50x64xf32, #tpu.memory_space<vmem>>
      %dma_wait3A_1058 = arith.constant 0 : i32
      %dma_wait3A_1059 = arith.constant 0 : i32
      %dma_wait3A_1060 = tpu.memref_slice %dma_wait3A_1057[%dma_wait3A_1052, %dma_wait3A_1058, %dma_wait3A_1059] : memref<16x50x64xf32, #tpu.memory_space<vmem>> -> memref<1x50x64xf32, #tpu.memory_space<vmem>>
      %dma_wait3A_1061 = tpu.memref_squeeze %dma_wait3A_1060 : memref<1x50x64xf32, #tpu.memory_space<vmem>> -> memref<50x64xf32, #tpu.memory_space<vmem>>
      %dma_wait3A_1062 = arith.constant 0 : i32
      %dma_wait3A_1063 = arith.constant 0 : i32
      %dma_wait3A_1064 = tpu.memref_slice %arg3[%dma_wait3A_1062, %dma_wait3A_1063] : memref<1000000x64xf32, #tpu.memory_space<hbm>> -> memref<50x64xf32, #tpu.memory_space<hbm>>
      %dma_wait3A_1065 = arith.constant 0 : i32
      %dma_wait3A_1066 = arith.constant 0 : i32
      %dma_wait3A_1067 = arith.constant 0 : i32
      %dma_wait3A_1068 = tpu.memref_slice %arg6[%dma_wait3A_1051, %dma_wait3A_1065, %dma_wait3A_1066, %dma_wait3A_1067] : memref<2x16x50x64xf32, #tpu.memory_space<vmem>> -> memref<1x16x50x64xf32, #tpu.memory_space<vmem>>
      %dma_wait3A_1069 = tpu.memref_squeeze %dma_wait3A_1068 : memref<1x16x50x64xf32, #tpu.memory_space<vmem>> -> memref<16x50x64xf32, #tpu.memory_space<vmem>>
      %dma_wait3A_1070 = arith.constant 0 : i32
      %dma_wait3A_1071 = arith.constant 0 : i32
      %dma_wait3A_1072 = tpu.memref_slice %dma_wait3A_1069[%dma_wait3A_1052, %dma_wait3A_1070, %dma_wait3A_1071] : memref<16x50x64xf32, #tpu.memory_space<vmem>> -> memref<1x50x64xf32, #tpu.memory_space<vmem>>
      %dma_wait3A_1073 = tpu.memref_squeeze %dma_wait3A_1072 : memref<1x50x64xf32, #tpu.memory_space<vmem>> -> memref<50x64xf32, #tpu.memory_space<vmem>>
      %dma_wait3A_1074 = arith.constant 0 : i32
      %dma_wait3A_1075 = arith.constant 0 : i32
      %dma_wait3A_1076 = tpu.memref_slice %arg3[%dma_wait3A_1074, %dma_wait3A_1075] : memref<1000000x64xf32, #tpu.memory_space<hbm>> -> memref<50x64xf32, #tpu.memory_space<hbm>>
      tpu.wait_dma2 semaphore(%arg8 : memref<!tpu.dma_semaphore, #tpu.memory_space<semaphore_mem>>) src(%dma_wait3A_1076 : memref<50x64xf32, #tpu.memory_space<hbm>>) dst(%dma_wait3A_1073 : memref<50x64xf32, #tpu.memory_space<vmem>>)
      %dma_wait3A_1077 = arith.constant 1 : i32
      %dma_wait3A_1078 = arith.constant 10 : i32
      %dma_wait3A_1079 = arith.constant 0 : i32
      %dma_wait3A_1080 = arith.constant 0 : i32
      %dma_wait3A_1081 = arith.constant 0 : i32
      %dma_wait3A_1082 = tpu.memref_slice %arg6[%dma_wait3A_1077, %dma_wait3A_1079, %dma_wait3A_1080, %dma_wait3A_1081] : memref<2x16x50x64xf32, #tpu.memory_space<vmem>> -> memref<1x16x50x64xf32, #tpu.memory_space<vmem>>
      %dma_wait3A_1083 = tpu.memref_squeeze %dma_wait3A_1082 : memref<1x16x50x64xf32, #tpu.memory_space<vmem>> -> memref<16x50x64xf32, #tpu.memory_space<vmem>>
      %dma_wait3A_1084 = arith.constant 0 : i32
      %dma_wait3A_1085 = arith.constant 0 : i32
      %dma_wait3A_1086 = tpu.memref_slice %dma_wait3A_1083[%dma_wait3A_1078, %dma_wait3A_1084, %dma_wait3A_1085] : memref<16x50x64xf32, #tpu.memory_space<vmem>> -> memref<1x50x64xf32, #tpu.memory_space<vmem>>
      %dma_wait3A_1087 = tpu.memref_squeeze %dma_wait3A_1086 : memref<1x50x64xf32, #tpu.memory_space<vmem>> -> memref<50x64xf32, #tpu.memory_space<vmem>>
      %dma_wait3A_1088 = arith.constant 0 : i32
      %dma_wait3A_1089 = arith.constant 0 : i32
      %dma_wait3A_1090 = tpu.memref_slice %arg3[%dma_wait3A_1088, %dma_wait3A_1089] : memref<1000000x64xf32, #tpu.memory_space<hbm>> -> memref<50x64xf32, #tpu.memory_space<hbm>>
      %dma_wait3A_1091 = arith.constant 0 : i32
      %dma_wait3A_1092 = arith.constant 0 : i32
      %dma_wait3A_1093 = arith.constant 0 : i32
      %dma_wait3A_1094 = tpu.memref_slice %arg6[%dma_wait3A_1077, %dma_wait3A_1091, %dma_wait3A_1092, %dma_wait3A_1093] : memref<2x16x50x64xf32, #tpu.memory_space<vmem>> -> memref<1x16x50x64xf32, #tpu.memory_space<vmem>>
      %dma_wait3A_1095 = tpu.memref_squeeze %dma_wait3A_1094 : memref<1x16x50x64xf32, #tpu.memory_space<vmem>> -> memref<16x50x64xf32, #tpu.memory_space<vmem>>
      %dma_wait3A_1096 = arith.constant 0 : i32
      %dma_wait3A_1097 = arith.constant 0 : i32
      %dma_wait3A_1098 = tpu.memref_slice %dma_wait3A_1095[%dma_wait3A_1078, %dma_wait3A_1096, %dma_wait3A_1097] : memref<16x50x64xf32, #tpu.memory_space<vmem>> -> memref<1x50x64xf32, #tpu.memory_space<vmem>>
      %dma_wait3A_1099 = tpu.memref_squeeze %dma_wait3A_1098 : memref<1x50x64xf32, #tpu.memory_space<vmem>> -> memref<50x64xf32, #tpu.memory_space<vmem>>
      %dma_wait3A_1100 = arith.constant 0 : i32
      %dma_wait3A_1101 = arith.constant 0 : i32
      %dma_wait3A_1102 = tpu.memref_slice %arg3[%dma_wait3A_1100, %dma_wait3A_1101] : memref<1000000x64xf32, #tpu.memory_space<hbm>> -> memref<50x64xf32, #tpu.memory_space<hbm>>
      tpu.wait_dma2 semaphore(%arg8 : memref<!tpu.dma_semaphore, #tpu.memory_space<semaphore_mem>>) src(%dma_wait3A_1102 : memref<50x64xf32, #tpu.memory_space<hbm>>) dst(%dma_wait3A_1099 : memref<50x64xf32, #tpu.memory_space<vmem>>)
      %dma_wait3A_1103 = arith.constant 1 : i32
      %dma_wait3A_1104 = arith.constant 11 : i32
      %dma_wait3A_1105 = arith.constant 0 : i32
      %dma_wait3A_1106 = arith.constant 0 : i32
      %dma_wait3A_1107 = arith.constant 0 : i32
      %dma_wait3A_1108 = tpu.memref_slice %arg6[%dma_wait3A_1103, %dma_wait3A_1105, %dma_wait3A_1106, %dma_wait3A_1107] : memref<2x16x50x64xf32, #tpu.memory_space<vmem>> -> memref<1x16x50x64xf32, #tpu.memory_space<vmem>>
      %dma_wait3A_1109 = tpu.memref_squeeze %dma_wait3A_1108 : memref<1x16x50x64xf32, #tpu.memory_space<vmem>> -> memref<16x50x64xf32, #tpu.memory_space<vmem>>
      %dma_wait3A_1110 = arith.constant 0 : i32
      %dma_wait3A_1111 = arith.constant 0 : i32
      %dma_wait3A_1112 = tpu.memref_slice %dma_wait3A_1109[%dma_wait3A_1104, %dma_wait3A_1110, %dma_wait3A_1111] : memref<16x50x64xf32, #tpu.memory_space<vmem>> -> memref<1x50x64xf32, #tpu.memory_space<vmem>>
      %dma_wait3A_1113 = tpu.memref_squeeze %dma_wait3A_1112 : memref<1x50x64xf32, #tpu.memory_space<vmem>> -> memref<50x64xf32, #tpu.memory_space<vmem>>
      %dma_wait3A_1114 = arith.constant 0 : i32
      %dma_wait3A_1115 = arith.constant 0 : i32
      %dma_wait3A_1116 = tpu.memref_slice %arg3[%dma_wait3A_1114, %dma_wait3A_1115] : memref<1000000x64xf32, #tpu.memory_space<hbm>> -> memref<50x64xf32, #tpu.memory_space<hbm>>
      %dma_wait3A_1117 = arith.constant 0 : i32
      %dma_wait3A_1118 = arith.constant 0 : i32
      %dma_wait3A_1119 = arith.constant 0 : i32
      %dma_wait3A_1120 = tpu.memref_slice %arg6[%dma_wait3A_1103, %dma_wait3A_1117, %dma_wait3A_1118, %dma_wait3A_1119] : memref<2x16x50x64xf32, #tpu.memory_space<vmem>> -> memref<1x16x50x64xf32, #tpu.memory_space<vmem>>
      %dma_wait3A_1121 = tpu.memref_squeeze %dma_wait3A_1120 : memref<1x16x50x64xf32, #tpu.memory_space<vmem>> -> memref<16x50x64xf32, #tpu.memory_space<vmem>>
      %dma_wait3A_1122 = arith.constant 0 : i32
      %dma_wait3A_1123 = arith.constant 0 : i32
      %dma_wait3A_1124 = tpu.memref_slice %dma_wait3A_1121[%dma_wait3A_1104, %dma_wait3A_1122, %dma_wait3A_1123] : memref<16x50x64xf32, #tpu.memory_space<vmem>> -> memref<1x50x64xf32, #tpu.memory_space<vmem>>
      %dma_wait3A_1125 = tpu.memref_squeeze %dma_wait3A_1124 : memref<1x50x64xf32, #tpu.memory_space<vmem>> -> memref<50x64xf32, #tpu.memory_space<vmem>>
      %dma_wait3A_1126 = arith.constant 0 : i32
      %dma_wait3A_1127 = arith.constant 0 : i32
      %dma_wait3A_1128 = tpu.memref_slice %arg3[%dma_wait3A_1126, %dma_wait3A_1127] : memref<1000000x64xf32, #tpu.memory_space<hbm>> -> memref<50x64xf32, #tpu.memory_space<hbm>>
      tpu.wait_dma2 semaphore(%arg8 : memref<!tpu.dma_semaphore, #tpu.memory_space<semaphore_mem>>) src(%dma_wait3A_1128 : memref<50x64xf32, #tpu.memory_space<hbm>>) dst(%dma_wait3A_1125 : memref<50x64xf32, #tpu.memory_space<vmem>>)
      %dma_wait3A_1129 = arith.constant 1 : i32
      %dma_wait3A_1130 = arith.constant 12 : i32
      %dma_wait3A_1131 = arith.constant 0 : i32
      %dma_wait3A_1132 = arith.constant 0 : i32
      %dma_wait3A_1133 = arith.constant 0 : i32
      %dma_wait3A_1134 = tpu.memref_slice %arg6[%dma_wait3A_1129, %dma_wait3A_1131, %dma_wait3A_1132, %dma_wait3A_1133] : memref<2x16x50x64xf32, #tpu.memory_space<vmem>> -> memref<1x16x50x64xf32, #tpu.memory_space<vmem>>
      %dma_wait3A_1135 = tpu.memref_squeeze %dma_wait3A_1134 : memref<1x16x50x64xf32, #tpu.memory_space<vmem>> -> memref<16x50x64xf32, #tpu.memory_space<vmem>>
      %dma_wait3A_1136 = arith.constant 0 : i32
      %dma_wait3A_1137 = arith.constant 0 : i32
      %dma_wait3A_1138 = tpu.memref_slice %dma_wait3A_1135[%dma_wait3A_1130, %dma_wait3A_1136, %dma_wait3A_1137] : memref<16x50x64xf32, #tpu.memory_space<vmem>> -> memref<1x50x64xf32, #tpu.memory_space<vmem>>
      %dma_wait3A_1139 = tpu.memref_squeeze %dma_wait3A_1138 : memref<1x50x64xf32, #tpu.memory_space<vmem>> -> memref<50x64xf32, #tpu.memory_space<vmem>>
      %dma_wait3A_1140 = arith.constant 0 : i32
      %dma_wait3A_1141 = arith.constant 0 : i32
      %dma_wait3A_1142 = tpu.memref_slice %arg3[%dma_wait3A_1140, %dma_wait3A_1141] : memref<1000000x64xf32, #tpu.memory_space<hbm>> -> memref<50x64xf32, #tpu.memory_space<hbm>>
      %dma_wait3A_1143 = arith.constant 0 : i32
      %dma_wait3A_1144 = arith.constant 0 : i32
      %dma_wait3A_1145 = arith.constant 0 : i32
      %dma_wait3A_1146 = tpu.memref_slice %arg6[%dma_wait3A_1129, %dma_wait3A_1143, %dma_wait3A_1144, %dma_wait3A_1145] : memref<2x16x50x64xf32, #tpu.memory_space<vmem>> -> memref<1x16x50x64xf32, #tpu.memory_space<vmem>>
      %dma_wait3A_1147 = tpu.memref_squeeze %dma_wait3A_1146 : memref<1x16x50x64xf32, #tpu.memory_space<vmem>> -> memref<16x50x64xf32, #tpu.memory_space<vmem>>
      %dma_wait3A_1148 = arith.constant 0 : i32
      %dma_wait3A_1149 = arith.constant 0 : i32
      %dma_wait3A_1150 = tpu.memref_slice %dma_wait3A_1147[%dma_wait3A_1130, %dma_wait3A_1148, %dma_wait3A_1149] : memref<16x50x64xf32, #tpu.memory_space<vmem>> -> memref<1x50x64xf32, #tpu.memory_space<vmem>>
      %dma_wait3A_1151 = tpu.memref_squeeze %dma_wait3A_1150 : memref<1x50x64xf32, #tpu.memory_space<vmem>> -> memref<50x64xf32, #tpu.memory_space<vmem>>
      %dma_wait3A_1152 = arith.constant 0 : i32
      %dma_wait3A_1153 = arith.constant 0 : i32
      %dma_wait3A_1154 = tpu.memref_slice %arg3[%dma_wait3A_1152, %dma_wait3A_1153] : memref<1000000x64xf32, #tpu.memory_space<hbm>> -> memref<50x64xf32, #tpu.memory_space<hbm>>
      tpu.wait_dma2 semaphore(%arg8 : memref<!tpu.dma_semaphore, #tpu.memory_space<semaphore_mem>>) src(%dma_wait3A_1154 : memref<50x64xf32, #tpu.memory_space<hbm>>) dst(%dma_wait3A_1151 : memref<50x64xf32, #tpu.memory_space<vmem>>)
      %dma_wait3A_1155 = arith.constant 1 : i32
      %dma_wait3A_1156 = arith.constant 13 : i32
      %dma_wait3A_1157 = arith.constant 0 : i32
      %dma_wait3A_1158 = arith.constant 0 : i32
      %dma_wait3A_1159 = arith.constant 0 : i32
      %dma_wait3A_1160 = tpu.memref_slice %arg6[%dma_wait3A_1155, %dma_wait3A_1157, %dma_wait3A_1158, %dma_wait3A_1159] : memref<2x16x50x64xf32, #tpu.memory_space<vmem>> -> memref<1x16x50x64xf32, #tpu.memory_space<vmem>>
      %dma_wait3A_1161 = tpu.memref_squeeze %dma_wait3A_1160 : memref<1x16x50x64xf32, #tpu.memory_space<vmem>> -> memref<16x50x64xf32, #tpu.memory_space<vmem>>
      %dma_wait3A_1162 = arith.constant 0 : i32
      %dma_wait3A_1163 = arith.constant 0 : i32
      %dma_wait3A_1164 = tpu.memref_slice %dma_wait3A_1161[%dma_wait3A_1156, %dma_wait3A_1162, %dma_wait3A_1163] : memref<16x50x64xf32, #tpu.memory_space<vmem>> -> memref<1x50x64xf32, #tpu.memory_space<vmem>>
      %dma_wait3A_1165 = tpu.memref_squeeze %dma_wait3A_1164 : memref<1x50x64xf32, #tpu.memory_space<vmem>> -> memref<50x64xf32, #tpu.memory_space<vmem>>
      %dma_wait3A_1166 = arith.constant 0 : i32
      %dma_wait3A_1167 = arith.constant 0 : i32
      %dma_wait3A_1168 = tpu.memref_slice %arg3[%dma_wait3A_1166, %dma_wait3A_1167] : memref<1000000x64xf32, #tpu.memory_space<hbm>> -> memref<50x64xf32, #tpu.memory_space<hbm>>
      %dma_wait3A_1169 = arith.constant 0 : i32
      %dma_wait3A_1170 = arith.constant 0 : i32
      %dma_wait3A_1171 = arith.constant 0 : i32
      %dma_wait3A_1172 = tpu.memref_slice %arg6[%dma_wait3A_1155, %dma_wait3A_1169, %dma_wait3A_1170, %dma_wait3A_1171] : memref<2x16x50x64xf32, #tpu.memory_space<vmem>> -> memref<1x16x50x64xf32, #tpu.memory_space<vmem>>
      %dma_wait3A_1173 = tpu.memref_squeeze %dma_wait3A_1172 : memref<1x16x50x64xf32, #tpu.memory_space<vmem>> -> memref<16x50x64xf32, #tpu.memory_space<vmem>>
      %dma_wait3A_1174 = arith.constant 0 : i32
      %dma_wait3A_1175 = arith.constant 0 : i32
      %dma_wait3A_1176 = tpu.memref_slice %dma_wait3A_1173[%dma_wait3A_1156, %dma_wait3A_1174, %dma_wait3A_1175] : memref<16x50x64xf32, #tpu.memory_space<vmem>> -> memref<1x50x64xf32, #tpu.memory_space<vmem>>
      %dma_wait3A_1177 = tpu.memref_squeeze %dma_wait3A_1176 : memref<1x50x64xf32, #tpu.memory_space<vmem>> -> memref<50x64xf32, #tpu.memory_space<vmem>>
      %dma_wait3A_1178 = arith.constant 0 : i32
      %dma_wait3A_1179 = arith.constant 0 : i32
      %dma_wait3A_1180 = tpu.memref_slice %arg3[%dma_wait3A_1178, %dma_wait3A_1179] : memref<1000000x64xf32, #tpu.memory_space<hbm>> -> memref<50x64xf32, #tpu.memory_space<hbm>>
      tpu.wait_dma2 semaphore(%arg8 : memref<!tpu.dma_semaphore, #tpu.memory_space<semaphore_mem>>) src(%dma_wait3A_1180 : memref<50x64xf32, #tpu.memory_space<hbm>>) dst(%dma_wait3A_1177 : memref<50x64xf32, #tpu.memory_space<vmem>>)
      %dma_wait3A_1181 = arith.constant 1 : i32
      %dma_wait3A_1182 = arith.constant 14 : i32
      %dma_wait3A_1183 = arith.constant 0 : i32
      %dma_wait3A_1184 = arith.constant 0 : i32
      %dma_wait3A_1185 = arith.constant 0 : i32
      %dma_wait3A_1186 = tpu.memref_slice %arg6[%dma_wait3A_1181, %dma_wait3A_1183, %dma_wait3A_1184, %dma_wait3A_1185] : memref<2x16x50x64xf32, #tpu.memory_space<vmem>> -> memref<1x16x50x64xf32, #tpu.memory_space<vmem>>
      %dma_wait3A_1187 = tpu.memref_squeeze %dma_wait3A_1186 : memref<1x16x50x64xf32, #tpu.memory_space<vmem>> -> memref<16x50x64xf32, #tpu.memory_space<vmem>>
      %dma_wait3A_1188 = arith.constant 0 : i32
      %dma_wait3A_1189 = arith.constant 0 : i32
      %dma_wait3A_1190 = tpu.memref_slice %dma_wait3A_1187[%dma_wait3A_1182, %dma_wait3A_1188, %dma_wait3A_1189] : memref<16x50x64xf32, #tpu.memory_space<vmem>> -> memref<1x50x64xf32, #tpu.memory_space<vmem>>
      %dma_wait3A_1191 = tpu.memref_squeeze %dma_wait3A_1190 : memref<1x50x64xf32, #tpu.memory_space<vmem>> -> memref<50x64xf32, #tpu.memory_space<vmem>>
      %dma_wait3A_1192 = arith.constant 0 : i32
      %dma_wait3A_1193 = arith.constant 0 : i32
      %dma_wait3A_1194 = tpu.memref_slice %arg3[%dma_wait3A_1192, %dma_wait3A_1193] : memref<1000000x64xf32, #tpu.memory_space<hbm>> -> memref<50x64xf32, #tpu.memory_space<hbm>>
      %dma_wait3A_1195 = arith.constant 0 : i32
      %dma_wait3A_1196 = arith.constant 0 : i32
      %dma_wait3A_1197 = arith.constant 0 : i32
      %dma_wait3A_1198 = tpu.memref_slice %arg6[%dma_wait3A_1181, %dma_wait3A_1195, %dma_wait3A_1196, %dma_wait3A_1197] : memref<2x16x50x64xf32, #tpu.memory_space<vmem>> -> memref<1x16x50x64xf32, #tpu.memory_space<vmem>>
      %dma_wait3A_1199 = tpu.memref_squeeze %dma_wait3A_1198 : memref<1x16x50x64xf32, #tpu.memory_space<vmem>> -> memref<16x50x64xf32, #tpu.memory_space<vmem>>
      %dma_wait3A_1200 = arith.constant 0 : i32
      %dma_wait3A_1201 = arith.constant 0 : i32
      %dma_wait3A_1202 = tpu.memref_slice %dma_wait3A_1199[%dma_wait3A_1182, %dma_wait3A_1200, %dma_wait3A_1201] : memref<16x50x64xf32, #tpu.memory_space<vmem>> -> memref<1x50x64xf32, #tpu.memory_space<vmem>>
      %dma_wait3A_1203 = tpu.memref_squeeze %dma_wait3A_1202 : memref<1x50x64xf32, #tpu.memory_space<vmem>> -> memref<50x64xf32, #tpu.memory_space<vmem>>
      %dma_wait3A_1204 = arith.constant 0 : i32
      %dma_wait3A_1205 = arith.constant 0 : i32
      %dma_wait3A_1206 = tpu.memref_slice %arg3[%dma_wait3A_1204, %dma_wait3A_1205] : memref<1000000x64xf32, #tpu.memory_space<hbm>> -> memref<50x64xf32, #tpu.memory_space<hbm>>
      tpu.wait_dma2 semaphore(%arg8 : memref<!tpu.dma_semaphore, #tpu.memory_space<semaphore_mem>>) src(%dma_wait3A_1206 : memref<50x64xf32, #tpu.memory_space<hbm>>) dst(%dma_wait3A_1203 : memref<50x64xf32, #tpu.memory_space<vmem>>)
      %dma_wait3A_1207 = arith.constant 1 : i32
      %dma_wait3A_1208 = arith.constant 15 : i32
      %dma_wait3A_1209 = arith.constant 0 : i32
      %dma_wait3A_1210 = arith.constant 0 : i32
      %dma_wait3A_1211 = arith.constant 0 : i32
      %dma_wait3A_1212 = tpu.memref_slice %arg6[%dma_wait3A_1207, %dma_wait3A_1209, %dma_wait3A_1210, %dma_wait3A_1211] : memref<2x16x50x64xf32, #tpu.memory_space<vmem>> -> memref<1x16x50x64xf32, #tpu.memory_space<vmem>>
      %dma_wait3A_1213 = tpu.memref_squeeze %dma_wait3A_1212 : memref<1x16x50x64xf32, #tpu.memory_space<vmem>> -> memref<16x50x64xf32, #tpu.memory_space<vmem>>
      %dma_wait3A_1214 = arith.constant 0 : i32
      %dma_wait3A_1215 = arith.constant 0 : i32
      %dma_wait3A_1216 = tpu.memref_slice %dma_wait3A_1213[%dma_wait3A_1208, %dma_wait3A_1214, %dma_wait3A_1215] : memref<16x50x64xf32, #tpu.memory_space<vmem>> -> memref<1x50x64xf32, #tpu.memory_space<vmem>>
      %dma_wait3A_1217 = tpu.memref_squeeze %dma_wait3A_1216 : memref<1x50x64xf32, #tpu.memory_space<vmem>> -> memref<50x64xf32, #tpu.memory_space<vmem>>
      %dma_wait3A_1218 = arith.constant 0 : i32
      %dma_wait3A_1219 = arith.constant 0 : i32
      %dma_wait3A_1220 = tpu.memref_slice %arg3[%dma_wait3A_1218, %dma_wait3A_1219] : memref<1000000x64xf32, #tpu.memory_space<hbm>> -> memref<50x64xf32, #tpu.memory_space<hbm>>
      %dma_wait3A_1221 = arith.constant 0 : i32
      %dma_wait3A_1222 = arith.constant 0 : i32
      %dma_wait3A_1223 = arith.constant 0 : i32
      %dma_wait3A_1224 = tpu.memref_slice %arg6[%dma_wait3A_1207, %dma_wait3A_1221, %dma_wait3A_1222, %dma_wait3A_1223] : memref<2x16x50x64xf32, #tpu.memory_space<vmem>> -> memref<1x16x50x64xf32, #tpu.memory_space<vmem>>
      %dma_wait3A_1225 = tpu.memref_squeeze %dma_wait3A_1224 : memref<1x16x50x64xf32, #tpu.memory_space<vmem>> -> memref<16x50x64xf32, #tpu.memory_space<vmem>>
      %dma_wait3A_1226 = arith.constant 0 : i32
      %dma_wait3A_1227 = arith.constant 0 : i32
      %dma_wait3A_1228 = tpu.memref_slice %dma_wait3A_1225[%dma_wait3A_1208, %dma_wait3A_1226, %dma_wait3A_1227] : memref<16x50x64xf32, #tpu.memory_space<vmem>> -> memref<1x50x64xf32, #tpu.memory_space<vmem>>
      %dma_wait3A_1229 = tpu.memref_squeeze %dma_wait3A_1228 : memref<1x50x64xf32, #tpu.memory_space<vmem>> -> memref<50x64xf32, #tpu.memory_space<vmem>>
      %dma_wait3A_1230 = arith.constant 0 : i32
      %dma_wait3A_1231 = arith.constant 0 : i32
      %dma_wait3A_1232 = tpu.memref_slice %arg3[%dma_wait3A_1230, %dma_wait3A_1231] : memref<1000000x64xf32, #tpu.memory_space<hbm>> -> memref<50x64xf32, #tpu.memory_space<hbm>>
      tpu.wait_dma2 semaphore(%arg8 : memref<!tpu.dma_semaphore, #tpu.memory_space<semaphore_mem>>) src(%dma_wait3A_1232 : memref<50x64xf32, #tpu.memory_space<hbm>>) dst(%dma_wait3A_1229 : memref<50x64xf32, #tpu.memory_space<vmem>>)
      %mul3A_1233 = arith.constant 16 : i32
      %mul3A_1234 = arith.muli %add3A_809, %mul3A_1233 : i32
      %add3A_1235 = arith.addi %mul3A_2, %mul3A_1234 : i32
      %multiple_of3A_1236 = tpu.assume_multiple %add3A_1235, 16 : i32
      %run_scoped3A_1237 = arith.constant 1 : i32
      "tpu.region"() ({
        %run_scoped3A_1238 = tpu.sem_alloc : memref<!tpu.dma_semaphore, #tpu.memory_space<semaphore_mem>>
        %dma_start3A_1239 = arith.constant 0 : i32
        %dma_start3A_1240 = arith.constant 0 : i32
        %dma_start3A_1241 = arith.constant 0 : i32
        %dma_start3A_1242 = tpu.memref_slice %arg6[%run_scoped3A_1237, %dma_start3A_1239, %dma_start3A_1240, %dma_start3A_1241] : memref<2x16x50x64xf32, #tpu.memory_space<vmem>> -> memref<1x16x50x64xf32, #tpu.memory_space<vmem>>
        %dma_start3A_1243 = tpu.memref_squeeze %dma_start3A_1242 : memref<1x16x50x64xf32, #tpu.memory_space<vmem>> -> memref<16x50x64xf32, #tpu.memory_space<vmem>>
        %dma_start3A_1244 = arith.constant 0 : i32
        %dma_start3A_1245 = arith.constant 0 : i32
        %dma_start3A_1246 = tpu.memref_slice %arg4[%multiple_of3A_1236, %dma_start3A_1244, %dma_start3A_1245] : memref<16384x50x64xf32, #tpu.memory_space<hbm>> -> memref<16x50x64xf32, #tpu.memory_space<hbm>>
        %dma_start3A_1247 = arith.constant 0 : i32
        %dma_start3A_1248 = arith.constant 0 : i32
        %dma_start3A_1249 = tpu.memref_slice %arg4[%multiple_of3A_1236, %dma_start3A_1247, %dma_start3A_1248] : memref<16384x50x64xf32, #tpu.memory_space<hbm>> -> memref<16x50x64xf32, #tpu.memory_space<hbm>>
        %dma_start3A_1250 = arith.constant 0 : i32
        %dma_start3A_1251 = arith.constant 0 : i32
        %dma_start3A_1252 = arith.constant 0 : i32
        %dma_start3A_1253 = tpu.memref_slice %arg6[%run_scoped3A_1237, %dma_start3A_1250, %dma_start3A_1251, %dma_start3A_1252] : memref<2x16x50x64xf32, #tpu.memory_space<vmem>> -> memref<1x16x50x64xf32, #tpu.memory_space<vmem>>
        %dma_start3A_1254 = tpu.memref_squeeze %dma_start3A_1253 : memref<1x16x50x64xf32, #tpu.memory_space<vmem>> -> memref<16x50x64xf32, #tpu.memory_space<vmem>>
        tpu.enqueue_dma source(%dma_start3A_1254 : memref<16x50x64xf32, #tpu.memory_space<vmem>>) target(%dma_start3A_1249 : memref<16x50x64xf32, #tpu.memory_space<hbm>>) target_semaphore(%run_scoped3A_1238 : memref<!tpu.dma_semaphore, #tpu.memory_space<semaphore_mem>>)
        %dma_wait3A_1255 = arith.constant 0 : i32
        %dma_wait3A_1256 = arith.constant 0 : i32
        %dma_wait3A_1257 = arith.constant 0 : i32
        %dma_wait3A_1258 = tpu.memref_slice %arg6[%run_scoped3A_1237, %dma_wait3A_1255, %dma_wait3A_1256, %dma_wait3A_1257] : memref<2x16x50x64xf32, #tpu.memory_space<vmem>> -> memref<1x16x50x64xf32, #tpu.memory_space<vmem>>
        %dma_wait3A_1259 = tpu.memref_squeeze %dma_wait3A_1258 : memref<1x16x50x64xf32, #tpu.memory_space<vmem>> -> memref<16x50x64xf32, #tpu.memory_space<vmem>>
        %dma_wait3A_1260 = arith.constant 0 : i32
        %dma_wait3A_1261 = arith.constant 0 : i32
        %dma_wait3A_1262 = tpu.memref_slice %arg4[%multiple_of3A_1236, %dma_wait3A_1260, %dma_wait3A_1261] : memref<16384x50x64xf32, #tpu.memory_space<hbm>> -> memref<16x50x64xf32, #tpu.memory_space<hbm>>
        %dma_wait3A_1263 = arith.constant 0 : i32
        %dma_wait3A_1264 = arith.constant 0 : i32
        %dma_wait3A_1265 = tpu.memref_slice %arg4[%multiple_of3A_1236, %dma_wait3A_1263, %dma_wait3A_1264] : memref<16384x50x64xf32, #tpu.memory_space<hbm>> -> memref<16x50x64xf32, #tpu.memory_space<hbm>>
        %dma_wait3A_1266 = arith.constant 0 : i32
        %dma_wait3A_1267 = arith.constant 0 : i32
        %dma_wait3A_1268 = arith.constant 0 : i32
        %dma_wait3A_1269 = tpu.memref_slice %arg6[%run_scoped3A_1237, %dma_wait3A_1266, %dma_wait3A_1267, %dma_wait3A_1268] : memref<2x16x50x64xf32, #tpu.memory_space<vmem>> -> memref<1x16x50x64xf32, #tpu.memory_space<vmem>>
        %dma_wait3A_1270 = tpu.memref_squeeze %dma_wait3A_1269 : memref<1x16x50x64xf32, #tpu.memory_space<vmem>> -> memref<16x50x64xf32, #tpu.memory_space<vmem>>
        tpu.wait_dma2 semaphore(%run_scoped3A_1238 : memref<!tpu.dma_semaphore, #tpu.memory_space<semaphore_mem>>) src(%dma_wait3A_1270 : memref<16x50x64xf32, #tpu.memory_space<vmem>>) dst(%dma_wait3A_1265 : memref<16x50x64xf32, #tpu.memory_space<hbm>>)
        tpu.yield
      }) : () -> ()
    }
    %scan3A_376 = arith.constant 16 : i32
    return
  }
}

</mosaic_0001>

<sc_bundles>
// kernel: _sc_gather.3.cloned.1.call-start
scs
__scs_entry_jumppad:
0x0: {  	(pc) =	sbr.rel $0x88, $3  }
0x1: {  	(tag) =	ssettag $0x0;
	lr =	simm.s32 $0x1  }
0x2: {  	[smem:$0x3F9F] =	sst lr;
	_ =	strace $0xD0000000  }
0x3: {  	_ = 	snop  }
0x4: {  	_ = 	snop  }
0x5: {  	_ = 	snop  }
0x6: {  	_ = 	snop  }
0x7: {  	_ = 	snop  }
__scs_overlays_trampoline_lowered:
0x8: {  	[smem:$0x3FAE] =	sst s0  }
0x9: {  	[smem:$0x3FAF] =	sst s1  }
0xa: {  	[smem:$0x3FB0] =	sst s2  }
0xb: {  	[smem:$0x3FB1] =	sst s3  }
0xc: {  	[smem:$0x3FB2] =	sst s4  }
0xd: {  	[smem:$0x3FB3] =	sst s5  }
0xe: {  	[smem:$0x3FB4] =	sst s6  }
0xf: {  	[smem:$0x3FB5] =	sst s7  }
0x10: {  	[smem:$0x3FB6] =	sst s8  }
0x11: {  	[smem:$0x3FB7] =	sst s9;
	s0 =	simm.s32 @!p0 $0x0  }
0x12: {  	s1 =	sld [smem:$0x3F9D];
	s0 =	simm.s32 @p0 $0x1  }
0x13: {  	[smem:$0x3FB8] =	sst s0;
	s0 =	simm.s32 @!p1 $0x0  }
0x14: {  	s2 =	sld [smem:$0x3F9C];
	s0 =	simm.s32 @p1 $0x1  }
0x15: {  	[smem:$0x3FB9] =	sst s0;
	s0 =	simm.s32 @!p2 $0x0  }
0x16: {  	s3 =	sld [smem:$0x3FDB];
	s0 =	simm.s32 @p2 $0x1  }
0x17: {  	s4 =	simm.s32 $0x1BF5;
	[smem:$0x3FBB] =	sst s0  }
0x18: {  	s0 =	sld [smem:$0x3F9E];
	_ =	swait.ge [sflag:s4], $0x0  }
0x19: {  	s7 =	sld [smem:$0x3F9F]  }
0x1a: {  	s8 =	sadd.s32 $0xFFFFE003, lr  }
0x1b: {  	s9 =	sadd.s32 $0xFFFFFEF7, lr;
	s5 =	simm.s32 $0xFFFFFFFF;
	p2 =	slt.u32 s8, $0xFFFFF086  }
0x1c: {  	p1 =	slt.u32 s9, $0xF7A;
	s5 =	simm.s32 @!p2 $0x0  }
0x1d: {  	s5 =	simm.s32 @p1 $0x1;
	p0 =	seq.s32 s7, s2  }
0x1e: {  	s7 =	smul.u32 @!p0 $0xF7A, s2;
	p2 =	seq.s32 @!p0 s5, $0x0  }
0x1f: {  	s9 =	smul.u32 $0xF7A, s1;
	s8 =	simm.s32 @!p0 $0x1BF5;
	p2 =	por !p2, p0  }
0x20: {  	[sflag:s8] =	ssyncset.s32 @!p0 $0xFFFFF086;
	s6 =	sadd.s32 @!p0 s3, s7;
	s7 =	simm.s32 @!p0 $0x108  }
0x21: {  	s3 =	sadd.s32 s3, s9;
	s6 =	sadd.s32 @!p0 $0x88, s6;
	s7 =	simm.s32 @p2 $0x1082  }
0x22: {  	[simem:s7], [sflag:s8] =	dma.local @!p0 [hbm:s6], $0xF7A  }
0x23: {  	s9 =	sor.u32 $0xD0000000, s2;
	s6 =	simm.s32 $0x108;
	_ =	swait.ge @!p0 [sflag:s8], $0x0  }
0x24: {  	s3 =	sadd.s32 $0x88, s3;
	s6 =	simm.s32 @!p1 $0x1082;
	[sflag:s4] =	ssyncset.s32 $0xFFFFF086  }
0x25: {  	[simem:s6], [sflag:s4] =	dma.local [hbm:s3], $0xF7A  }
0x26: {  	[smem:$0x3F9F] =	sst s1;
	(tag) =	ssettag s2;
	_ =	strace s9  }
0x27: {  	s1 =	sld [smem:$0x3FAF]  }
0x28: {  	s2 =	sld [smem:$0x3FB0]  }
0x29: {  	s4 =	sld [smem:$0x3FB2]  }
0x2a: {  	p0 =	seq.s32 s5, $0x0;
	s5 =	sld [smem:$0x3FB3]  }
0x2b: {  	s6 =	sld [smem:$0x3FB4]  }
0x2c: {  	s7 =	sld [smem:$0x3FB5]  }
0x2d: {  	s3 =	simm.s32 $0x108;
	s8 =	sld [smem:$0x3FB6]  }
0x2e: {  	s3 =	simm.s32 @!p0 $0x1082;
	s9 =	sld [smem:$0x3FB7]  }
0x2f: {  	lr =	sadd.s32 s0, s3;
	s0 =	sld [smem:$0x3FAE]  }
0x30: {  	s3 =	sld [smem:$0x3FB1]  }
0x31: {  	[smem:$0x3FBA] =	sst s10  }
0x32: {  	s10 =	sld [smem:$0x3FB8];
	_ =	sdelay $0x3  }
0x33: {  	p0 =	seq.s32 s10, $0x1;
	s10 =	sld [smem:$0x3FBA];
	_ =	sdelay $0x3  }
0x34: {  	[smem:$0x3FBA] =	sst s10  }
0x35: {  	s10 =	sld [smem:$0x3FB9];
	_ =	sdelay $0x3  }
0x36: {  	p1 =	seq.s32 s10, $0x1;
	s10 =	sld [smem:$0x3FBA];
	_ =	sdelay $0x3  }
0x37: {  	[smem:$0x3FBA] =	sst s10  }
0x38: {  	s10 =	sld [smem:$0x3FBB]  }
0x39: {  	_ = 	snop;
	(pc) =	sbr.ind lr, $3  }
0x3a: {  	_ = 	snop  }
0x3b: {  	_ = 	snop  }
0x3c: {  	p2 =	seq.s32 s10, $0x1;
	s10 =	sld [smem:$0x3FBA]  }
0x3d: {  	_ =	shalt  }
0x3e: {  	_ =	shalt  }
0x3f: {  	_ =	shalt  }
0x40: {  	_ =	shalt  }
0x41: {  	_ =	shalt  }
0x42: {  	_ =	shalt  }
0x43: {  	_ =	shalt  }
0x44: {  	_ =	shalt  }
0x45: {  	_ =	shalt  }
0x46: {  	_ =	shalt  }
0x47: {  	_ =	shalt  }
0x48: {  	_ =	shalt  }
0x49: {  	_ =	shalt  }
0x4a: {  	_ =	shalt  }
0x4b: {  	_ =	shalt  }
0x4c: {  	_ =	shalt  }
0x4d: {  	_ =	shalt  }
0x4e: {  	_ =	shalt  }
0x4f: {  	_ =	shalt  }
0x50: {  	_ =	shalt  }
0x51: {  	_ =	shalt  }
0x52: {  	_ =	shalt  }
0x53: {  	_ =	shalt  }
0x54: {  	_ =	shalt  }
0x55: {  	_ =	shalt  }
0x56: {  	_ =	shalt  }
0x57: {  	_ =	shalt  }
0x58: {  	_ =	shalt  }
0x59: {  	_ =	shalt  }
0x5a: {  	_ =	shalt  }
0x5b: {  	_ =	shalt  }
0x5c: {  	_ =	shalt  }
0x5d: {  	_ =	shalt  }
0x5e: {  	_ =	shalt  }
0x5f: {  	_ =	shalt  }
0x60: {  	_ =	shalt  }
0x61: {  	_ =	shalt  }
0x62: {  	_ =	shalt  }
0x63: {  	_ =	shalt  }
0x64: {  	_ =	shalt  }
0x65: {  	_ =	shalt  }
0x66: {  	_ =	shalt  }
0x67: {  	_ =	shalt  }
0x68: {  	_ =	shalt  }
0x69: {  	_ =	shalt  }
0x6a: {  	_ =	shalt  }
0x6b: {  	_ =	shalt  }
0x6c: {  	_ =	shalt  }
0x6d: {  	_ =	shalt  }
0x6e: {  	_ =	shalt  }
0x6f: {  	_ =	shalt  }
0x70: {  	_ =	shalt  }
0x71: {  	_ =	shalt  }
0x72: {  	_ =	shalt  }
0x73: {  	_ =	shalt  }
0x74: {  	_ =	shalt  }
0x75: {  	_ =	shalt  }
0x76: {  	_ =	shalt  }
0x77: {  	_ =	shalt  }
0x78: {  	_ =	shalt  }
0x79: {  	_ =	shalt  }
0x7a: {  	_ =	shalt  }
0x7b: {  	_ =	shalt  }
0x7c: {  	_ =	shalt  }
0x7d: {  	_ =	shalt  }
0x7e: {  	_ =	shalt  }
0x7f: {  	_ =	shalt  }
0x80: {  	_ =	shalt  }
0x81: {  	_ =	shalt  }
0x82: {  	_ =	shalt  }
0x83: {  	_ =	shalt  }
0x84: {  	_ =	shalt  }
0x85: {  	_ =	shalt  }
0x86: {  	_ =	shalt  }
0x87: {  	_ =	shalt  }
.Lfunc_end0:
.L_simem_size_0:
called_computation.1_lowered:
.L_overlay_start_0:
0x88: {  	s2 =	sld [smem:$0x3FD9]  }
0x89: {  	s3 =	sld [smem:$0x3FFE];
	_ =	sdelay $0x1  }
0x8a: {  	s1 =	srdreg.scid  }
0x8b: {  	s0 =	sand.u32 $0x1, s1  }
0x8c: {  	s17 =	sshll.u32 s0, $0xA;
	s2 =	sadd.s32 s3, s2  }
0x8d: {  	s2 =	sadd.s32 s2, s17  }
0x8e: {  	[smem:$0x3FC6] =	sst s2  }
0x8f: {  	_ = 	snop  }
0x90: {  	s2 =	sld [smem:$0x3FD0];
	(tm) =	ssettm $0x1  }
0x91: {  	s18 =	sld [smem:$0x3FFB];
	_ =	sdelay $0x3  }
0x92: {  	_ =	strace s18  }
0x93: {  	s3 =	sld [smem:$0x3FFC];
	_ =	sdelay $0x3  }
0x94: {  	_ =	strace s3  }
0x95: {  	s3 =	sld [smem:$0x3FFD];
	_ =	sdelay $0x3  }
0x96: {  	_ =	strace s3  }
0x97: {  	_ =	strace $0x8FFFFFFF  }
0x98: {  	s19 =	sld [smem:$0x3FDB];
	_ =	sdelay $0x1  }
0x99: {  	s4 =	simm.s32 $_scs_section_size  }
0x9a: {  	s5 =	simm.s32 $_size__tile_overlayer_lowered;
	s6 =	simm.s32 $_tile_overlayer_lowered  }
0x9b: {  	s22 =	simm.s32 $0x1BFF;
	s21 =	sshll.u32 s6, $0x1;
	s3 =	sadd.s32 s4, s19  }
0x9c: {  	s7 =	simm.s32 $0x0;
	s20 =	sshll.u32 s5, $0x1;
	s5 =	sadd.s32 s21, s3  }
0x9d: {  	[timem:s7], [sflag:s22] =	dma.local [hbm:s5], s20  }
0x9e: {  	_ =	swait.ge [sflag:s22], s20  }
0x9f: {  	s4 =	ssub.s32 $0x0, s20;
	[sflag:s22] =	ssyncset.done $0x0  }
0xa0: {  	[sflag:s22] =	ssyncadd.s32 s4;
	_ =	sdelay $0x1  }
0xa1: {  	s23 =	simm.s32 $0x1B8B  }
0xa2: {  	_ =	swait.ge [sflag:s23], $0x1  }
0xa3: {  	[sflag:s23] =	ssyncset.done $0x0  }
0xa4: {  	s25 =	simm.s32 $0x1B8E;
	s24 =	sld [smem:$0x3FFE];
	[sflag:s23] =	ssyncadd.s32 $0xFFFFFFFF  }
0xa5: {  	s26 =	simm.s32 $execute0_lowered;
	[smem:$0x3FD2] =	sst s25  }
0xa6: {  	s5 =	sshll.u32 s26, $0x1;
	_ =	strace $0x80000046;
	[dreg:$0x1] =	wrdreg $0xFFFFFFFF  }
0xa7: {  	s28 =	simm.s32 $_size_execute0_lowered;
	s3 =	sadd.s32 s3, s5;
	[dreg:$0x0] =	wrdreg $0x0  }
0xa8: {  	s5 =	sshll.u32 s28, $0x1;
	[dreg:$0x2] =	wrdreg s3  }
0xa9: {  	[dreg:$0x3] =	wrdreg s5  }
0xaa: {  	[dreg:$0x4] =	wrdreg $0xC0  }
0xab: {  	_ =	task [dreg:s7], $0x5FFFF  }
0xac: {  	[dreg:$0x1] =	wrdreg $0xFFFFFFFF  }
0xad: {  	[dreg:$0x0] =	wrdreg $0x60  }
0xae: {  	[dreg:$0x2] =	wrdreg s24  }
0xaf: {  	[dreg:$0x3] =	wrdreg s2  }
0xb0: {  	[dreg:$0x4] =	wrdreg $0x9  }
0xb1: {  	_ =	task.clear_ibuf [dreg:s7], $0x5FFFF;
	_ =	strace $0x90000046  }
0xb2: {  	s29 =	simm.s32 $0x9;
	_ =	strace $0x80000048  }
0xb3: {  	_ =	swait.ge [sflag:s29], $0x1  }
0xb4: {  	[sflag:s29] =	ssyncadd.s32 $0xFFFFFFFF  }
0xb5: {  	_ =	strace $0x90000048  }
0xb6: {  	_ =	sfence  }
0xb7: {  	s30 =	sld [smem:$0x0];
	_ =	sdelay $0x2  }
0xb8: {  	s31 =	sshll.u32 s1, $0xD;
	s1 =	sshrl.u32 s1, $0x2  }
0xb9: {  	s3 =	sand.u32 $0x4000, s31;
	s1 =	sadd.s32 s1, s30  }
0xba: {  	s0 =	sor.u32 s3, s0;
	s1 =	sshll.u32 s1, $0x11  }
0xbb: {  	s0 =	sor.u32 s1, s0  }
0xbc: {  	s0 =	sadd.s32 $0x8F2B, s0  }
0xbd: {  	[sflag:s0] =	ssyncadd.remote.s32 $0x1  }
0xbe: {  	_ =	sfence.sel $0xFFFF  }
0xbf: {  	[dreg:$0x0] =	wrdreg $0xFFFFFFFF;
	(pc) =	sbr.abs _section_cstart, $3  }
0xc0: {  	[dreg:$0x1] =	wrdreg $0xFFFFFFFF  }
0xc1: {  	_ =	task.clear_ibuf [dreg:s7], $0x2FFFF;
	_ =	strace $0x9FFFFFFF  }
0xc2: {  	(tm) =	ssettm $0x7FFFFFFF  }
0xc3: {  	_ =	shalt  }
tec
execute0_lowered:
.L_overlay_start_1:
0x0: {  	(tag) =	ssettag $0x1  }
0x1: {  	s0 =	rddreg [dreg:$0x0]  }
0x2: {  	s1 =	rddreg [dreg:$0x1];
	s2 =	simm.s32 $0x0  }
0x3: {  	s25 =	simm.s32 $0x3B8;
	[smem:$0x7FF] =	sst s2  }
0x4: {  	s26 =	simm.s32 $0xDB80;
	_ =	strace $0x80000047;
	[dreg:$0x4] =	wrdreg s25  }
0x5: {  	s28 =	simm.s32 $0x3F0;
	[dreg:$0x5] =	wrdreg s26  }
0x6: {  	s29 =	simm.s32 $0xE800;
	[dreg:$0x6] =	wrdreg s28  }
0x7: {  	s30 =	simm.s32 $0x428;
	[dreg:$0x7] =	wrdreg s29  }
0x8: {  	s31 =	simm.s32 $0xF480;
	[dreg:$0x8] =	wrdreg s30  }
0x9: {  	s10 =	simm.s32 $0x4D0;
	[dreg:$0x9] =	wrdreg s31  }
0xa: {  	s11 =	simm.s32 $0x11A00;
	[dreg:$0xe] =	wrdreg s10  }
0xb: {  	s12 =	simm.s32 $0x508;
	[dreg:$0xf] =	wrdreg s11  }
0xc: {  	s13 =	simm.s32 $0x12680;
	[dreg:$0x10] =	wrdreg s12  }
0xd: {  	s3 =	srdreg.scid;
	s14 =	simm.s32 $0x540;
	[dreg:$0x11] =	wrdreg s13  }
0xe: {  	s9 =	stileid.u32;
	s15 =	simm.s32 $0x13300;
	[dreg:$0x12] =	wrdreg s14  }
0xf: {  	s16 =	simm.s32 $0x578;
	s17 =	simm.s32 $0x13F80;
	[dreg:$0x13] =	wrdreg s15  }
0x10: {  	s18 =	simm.s32 $0x5B0;
	s19 =	simm.s32 $0x14C00;
	[dreg:$0x14] =	wrdreg s16  }
0x11: {  	s20 =	simm.s32 $0x5E8;
	s21 =	simm.s32 $0x15880;
	[dreg:$0x15] =	wrdreg s17  }
0x12: {  	s6 =	sand.u32 $0x1, s3;
	s22 =	smul.u32 $0x64000, s9;
	[dreg:$0x16] =	wrdreg s18  }
0x13: {  	s7 =	sadd.s32 $0xA00, s0;
	s3 =	sadd.s32 $0xF42E00, s0;
	[dreg:$0x17] =	wrdreg s19  }
0x14: {  	s24 =	sshll.u32 s9, $0xA;
	s4 =	smul.u32 $0x32000, s6;
	[dreg:$0x18] =	wrdreg s20  }
0x15: {  	s5 =	ssub.s32 $0x2, s6;
	[dreg:$0x19] =	wrdreg s21;
	s25 =	simm.s32 $0x658  }
0x16: {  	s8 =	sshll.u32 s6, $0x9;
	s26 =	simm.s32 $0x17180;
	[dreg:$0x1c] =	wrdreg s25  }
0x17: {  	s6 =	smul.u32 $0xE00, s6;
	s28 =	simm.s32 $0x690;
	[dreg:$0x1d] =	wrdreg s26  }
0x18: {  	s29 =	simm.s32 $0x17E00;
	s30 =	simm.s32 $0x6C8;
	[dreg:$0x1e] =	wrdreg s28  }
0x19: {  	s31 =	simm.s32 $0x18A80;
	s17 =	simm.s32 $0x380;
	[dreg:$0x1f] =	wrdreg s29  }
0x1a: {  	s18 =	simm.s32 $0xCF00;
	s1 =	sadd.s32 s22, s1;
	[smem:$0x7FC] =	sst s30  }
0x1b: {  	s23 =	sshrl.u32 s5, $0x1;
	s22 =	simm.s32 $0x620;
	[smem:$0x7FD] =	sst s31  }
0x1c: {  	s1 =	sadd.s32 s4, s1;
	s4 =	sor.u32 s8, s24;
	[dreg:$0x1a] =	wrdreg s22  }
0x1d: {  	s0 =	ssub.s32 s5, s23;
	s5 =	simm.s32 $0x10100;
	[dreg:$0x3] =	wrdreg s1  }
0x1e: {  	s8 =	simm.s32 $0x498;
	s4 =	smul.u32 $0x7, s4;
	[dreg:$0xb] =	wrdreg s5  }
0x1f: {  	s19 =	simm.s32 $0x1;
	s24 =	simm.s32 $0x16500;
	[dreg:$0xc] =	wrdreg s8  }
0x20: {  	s20 =	simm.s32 $0x2;
	[dreg:$0x1b] =	wrdreg s24;
	s4 =	sadd.s32 s7, s4  }
0x21: {  	s0 =	smax.u32 s0, $0x1;
	[smem:$0x7FA] =	sst s4;
	s4 =	smul.u32 $0x1C00, s9  }
0x22: {  	s21 =	simm.s32 $0x0;
	s1 =	simm.s32 $0x460;
	[smem:$0x7FB] =	sst s0  }
0x23: {  	[dreg:$0xa] =	wrdreg s1;
	s9 =	simm.s32 $0x10D80;
	s1 =	sadd.s32 s4, s7  }
0x24: {  	s8 =	simm.s32 $0x32;
	[dreg:$0xd] =	wrdreg s9;
	s1 =	sadd.s32 s6, s1  }
0x25: {  	s9 =	simm.s32 $0x700;
	s7 =	simm.s32 $0x3;
	s23 =	sadd.s32 $0xE0, s1  }
.LBB2_1:
0x26: {  	s0 =	sld [smem:$0x7FA];
	_ =	sdelay $0x2  }
0x27: {  	[tilespmem:s2], [sflag:$0x3] =	stream.linear.gather [hbm4b:s0+s2], $0x380, $0x38;
	[tilespmem:$0x19700] =	vst v63  }
0x28: {  	_ =	swait.ge [sflag:s7], $0x380  }
0x29: {  	[sflag:s7] =	ssyncset.done $0x0  }
0x2a: {  	[sflag:s7] =	ssyncadd.s32 $0xFFFFFC80  }
0x2b: {  	[tilespmem:s9], [sflag:$0x1] =	stream.indirect.gather [hbm4b:s3+s8], $0x40, s2, s8, $0xb8;
	[tilespmem:$0x19700] =	vst v63  }
0x2c: {  	s24 =	simm.s32 $0x38;
	s1 =	simm.s32 $0x1380  }
0x2d: {  	[tilespmem:s1], [sflag:$0x1] =	stream.indirect.gather [hbm4b:s3+s8], $0x40, s24, s8, $0xb8;
	[tilespmem:$0x19700] =	vst v63  }
0x2e: {  	s25 =	simm.s32 $0x70;
	s26 =	simm.s32 $0x2000  }
0x2f: {  	[tilespmem:s26], [sflag:$0x1] =	stream.indirect.gather [hbm4b:s3+s8], $0x40, s25, s8, $0xb8;
	[tilespmem:$0x19700] =	vst v63  }
0x30: {  	s28 =	simm.s32 $0xA8;
	s29 =	simm.s32 $0x2C80  }
0x31: {  	[tilespmem:s29], [sflag:$0x1] =	stream.indirect.gather [hbm4b:s3+s8], $0x40, s28, s8, $0xb8;
	[tilespmem:$0x19700] =	vst v63  }
0x32: {  	s30 =	simm.s32 $0xE0;
	s31 =	simm.s32 $0x3900  }
0x33: {  	[tilespmem:s31], [sflag:$0x1] =	stream.indirect.gather [hbm4b:s3+s8], $0x40, s30, s8, $0xb8;
	[tilespmem:$0x19700] =	vst v63  }
0x34: {  	s4 =	simm.s32 $0x118;
	s5 =	simm.s32 $0x4580  }
0x35: {  	[tilespmem:s5], [sflag:$0x1] =	stream.indirect.gather [hbm4b:s3+s8], $0x40, s4, s8, $0xb8;
	[tilespmem:$0x19700] =	vst v63  }
0x36: {  	s6 =	simm.s32 $0x150;
	s10 =	simm.s32 $0x5200  }
0x37: {  	[tilespmem:s10], [sflag:$0x1] =	stream.indirect.gather [hbm4b:s3+s8], $0x40, s6, s8, $0xb8;
	[tilespmem:$0x19700] =	vst v63  }
0x38: {  	s11 =	simm.s32 $0x188;
	s12 =	simm.s32 $0x5E80  }
0x39: {  	[tilespmem:s12], [sflag:$0x1] =	stream.indirect.gather [hbm4b:s3+s8], $0x40, s11, s8, $0xb8;
	[tilespmem:$0x19700] =	vst v63  }
0x3a: {  	s13 =	simm.s32 $0x1C0;
	s14 =	simm.s32 $0x6B00  }
0x3b: {  	[tilespmem:s14], [sflag:$0x1] =	stream.indirect.gather [hbm4b:s3+s8], $0x40, s13, s8, $0xb8;
	[tilespmem:$0x19700] =	vst v63  }
0x3c: {  	s15 =	simm.s32 $0x1F8;
	s16 =	simm.s32 $0x7780  }
0x3d: {  	[tilespmem:s16], [sflag:$0x1] =	stream.indirect.gather [hbm4b:s3+s8], $0x40, s15, s8, $0xb8;
	[tilespmem:$0x19700] =	vst v63  }
0x3e: {  	s22 =	simm.s32 $0x230;
	s24 =	simm.s32 $0x8400  }
0x3f: {  	[tilespmem:s24], [sflag:$0x1] =	stream.indirect.gather [hbm4b:s3+s8], $0x40, s22, s8, $0xb8;
	[tilespmem:$0x19700] =	vst v63  }
0x40: {  	s25 =	simm.s32 $0x268;
	s26 =	simm.s32 $0x9080  }
0x41: {  	[tilespmem:s26], [sflag:$0x1] =	stream.indirect.gather [hbm4b:s3+s8], $0x40, s25, s8, $0xb8;
	[tilespmem:$0x19700] =	vst v63  }
0x42: {  	s28 =	simm.s32 $0x2A0;
	s29 =	simm.s32 $0x9D00  }
0x43: {  	[tilespmem:s29], [sflag:$0x1] =	stream.indirect.gather [hbm4b:s3+s8], $0x40, s28, s8, $0xb8;
	[tilespmem:$0x19700] =	vst v63  }
0x44: {  	s30 =	simm.s32 $0x2D8;
	s31 =	simm.s32 $0xA980  }
0x45: {  	[tilespmem:s31], [sflag:$0x1] =	stream.indirect.gather [hbm4b:s3+s8], $0x40, s30, s8, $0xb8;
	[tilespmem:$0x19700] =	vst v63  }
0x46: {  	s1 =	simm.s32 $0x310;
	s4 =	simm.s32 $0xB600  }
0x47: {  	[tilespmem:s4], [sflag:$0x1] =	stream.indirect.gather [hbm4b:s3+s8], $0x40, s1, s8, $0xb8;
	[tilespmem:$0x19700] =	vst v63  }
0x48: {  	s5 =	simm.s32 $0x348;
	s6 =	simm.s32 $0xC280  }
0x49: {  	[tilespmem:s6], [sflag:$0x1] =	stream.indirect.gather [hbm4b:s3+s8], $0x40, s5, s8, $0xb8;
	[tilespmem:$0x19700] =	vst v63  }
0x4a: {  	s6 =	sadd.s32 $0xFFFFFF90, s23  }
0x4b: {  	[tilespmem:s17], [sflag:$0x3] =	stream.linear.gather [hbm4b:s6+s2], $0x380, $0x38;
	[tilespmem:$0x19700] =	vst v63  }
0x4c: {  	_ =	swait.ge [sflag:s7], $0x380  }
0x4d: {  	s10 =	rddreg [dreg:$0x6]  }
0x4e: {  	s22 =	rddreg [dreg:$0x4]  }
0x4f: {  	s24 =	rddreg [dreg:$0x5]  }
0x50: {  	s25 =	rddreg [dreg:$0x7]  }
0x51: {  	s11 =	rddreg [dreg:$0x8]  }
0x52: {  	s12 =	rddreg [dreg:$0x9]  }
0x53: {  	s13 =	rddreg [dreg:$0xb]  }
0x54: {  	s14 =	rddreg [dreg:$0xa]  }
0x55: {  	s15 =	rddreg [dreg:$0xd]  }
0x56: {  	s16 =	rddreg [dreg:$0xc]  }
0x57: {  	s26 =	rddreg [dreg:$0xf]  }
0x58: {  	s28 =	rddreg [dreg:$0xe]  }
0x59: {  	s29 =	rddreg [dreg:$0x11]  }
0x5a: {  	s30 =	rddreg [dreg:$0x10]  }
0x5b: {  	[sflag:s7] =	ssyncset.done $0x0;
	s31 =	rddreg [dreg:$0x13]  }
0x5c: {  	s0 =	rddreg [dreg:$0x12];
	[sflag:s7] =	ssyncadd.s32 $0xFFFFFC80  }
0x5d: {  	[tilespmem:s18], [sflag:$0x2] =	stream.indirect.gather [hbm4b:s3+s8], $0x40, s17, s8, $0xb8;
	[tilespmem:$0x19700] =	vst v63  }
0x5e: {  	s1 =	rddreg [dreg:$0x15]  }
0x5f: {  	[tilespmem:s24], [sflag:$0x2] =	stream.indirect.gather [hbm4b:s3+s8], $0x40, s22, s8, $0xb8;
	[tilespmem:$0x19700] =	vst v63  }
0x60: {  	s4 =	rddreg [dreg:$0x14]  }
0x61: {  	[tilespmem:s25], [sflag:$0x2] =	stream.indirect.gather [hbm4b:s3+s8], $0x40, s10, s8, $0xb8;
	[tilespmem:$0x19700] =	vst v63  }
0x62: {  	s5 =	rddreg [dreg:$0x17]  }
0x63: {  	[tilespmem:s12], [sflag:$0x2] =	stream.indirect.gather [hbm4b:s3+s8], $0x40, s11, s8, $0xb8;
	[tilespmem:$0x19700] =	vst v63  }
0x64: {  	s10 =	rddreg [dreg:$0x16]  }
0x65: {  	[tilespmem:s13], [sflag:$0x2] =	stream.indirect.gather [hbm4b:s3+s8], $0x40, s14, s8, $0xb8;
	[tilespmem:$0x19700] =	vst v63  }
0x66: {  	s11 =	rddreg [dreg:$0x19]  }
0x67: {  	[tilespmem:s15], [sflag:$0x2] =	stream.indirect.gather [hbm4b:s3+s8], $0x40, s16, s8, $0xb8;
	[tilespmem:$0x19700] =	vst v63  }
0x68: {  	s12 =	rddreg [dreg:$0x18]  }
0x69: {  	[tilespmem:s26], [sflag:$0x2] =	stream.indirect.gather [hbm4b:s3+s8], $0x40, s28, s8, $0xb8;
	[tilespmem:$0x19700] =	vst v63  }
0x6a: {  	s13 =	rddreg [dreg:$0x1b]  }
0x6b: {  	[tilespmem:s29], [sflag:$0x2] =	stream.indirect.gather [hbm4b:s3+s8], $0x40, s30, s8, $0xb8;
	[tilespmem:$0x19700] =	vst v63  }
0x6c: {  	s14 =	rddreg [dreg:$0x1a]  }
0x6d: {  	[tilespmem:s31], [sflag:$0x2] =	stream.indirect.gather [hbm4b:s3+s8], $0x40, s0, s8, $0xb8;
	[tilespmem:$0x19700] =	vst v63  }
0x6e: {  	s15 =	rddreg [dreg:$0x1d]  }
0x6f: {  	[tilespmem:s1], [sflag:$0x2] =	stream.indirect.gather [hbm4b:s3+s8], $0x40, s4, s8, $0xb8;
	[tilespmem:$0x19700] =	vst v63  }
0x70: {  	s16 =	rddreg [dreg:$0x1c]  }
0x71: {  	[tilespmem:s5], [sflag:$0x2] =	stream.indirect.gather [hbm4b:s3+s8], $0x40, s10, s8, $0xb8;
	[tilespmem:$0x19700] =	vst v63  }
0x72: {  	s26 =	rddreg [dreg:$0x1f]  }
0x73: {  	[tilespmem:s11], [sflag:$0x2] =	stream.indirect.gather [hbm4b:s3+s8], $0x40, s12, s8, $0xb8;
	[tilespmem:$0x19700] =	vst v63  }
0x74: {  	s28 =	rddreg [dreg:$0x1e]  }
0x75: {  	[tilespmem:s13], [sflag:$0x2] =	stream.indirect.gather [hbm4b:s3+s8], $0x40, s14, s8, $0xb8;
	[tilespmem:$0x19700] =	vst v63  }
0x76: {  	s29 =	sld [smem:$0x7FD]  }
0x77: {  	[tilespmem:s15], [sflag:$0x2] =	stream.indirect.gather [hbm4b:s3+s8], $0x40, s16, s8, $0xb8;
	[tilespmem:$0x19700] =	vst v63  }
0x78: {  	s30 =	sld [smem:$0x7FC]  }
0x79: {  	[tilespmem:s26], [sflag:$0x2] =	stream.indirect.gather [hbm4b:s3+s8], $0x40, s28, s8, $0xb8;
	[tilespmem:$0x19700] =	vst v63  }
0x7a: {  	_ = 	snop  }
0x7b: {  	[tilespmem:s29], [sflag:$0x2] =	stream.indirect.gather [hbm4b:s3+s8], $0x40, s30, s8, $0xb8;
	[tilespmem:$0x19700] =	vst v63  }
0x7c: {  	_ =	swait.ge [sflag:s19], $0xC80  }
0x7d: {  	[sflag:s19] =	ssyncset.done $0x0  }
0x7e: {  	[sflag:s19] =	ssyncadd.s32 $0xFFFFF380  }
0x7f: {  	_ =	swait.ge [sflag:s19], $0xC80  }
0x80: {  	[sflag:s19] =	ssyncset.done $0x0  }
0x81: {  	[sflag:s19] =	ssyncadd.s32 $0xFFFFF380  }
0x82: {  	_ =	swait.ge [sflag:s19], $0xC80  }
0x83: {  	[sflag:s19] =	ssyncset.done $0x0  }
0x84: {  	[sflag:s19] =	ssyncadd.s32 $0xFFFFF380  }
0x85: {  	_ =	swait.ge [sflag:s19], $0xC80  }
0x86: {  	[sflag:s19] =	ssyncset.done $0x0  }
0x87: {  	[sflag:s19] =	ssyncadd.s32 $0xFFFFF380  }
0x88: {  	_ =	swait.ge [sflag:s19], $0xC80  }
0x89: {  	[sflag:s19] =	ssyncset.done $0x0  }
0x8a: {  	[sflag:s19] =	ssyncadd.s32 $0xFFFFF380  }
0x8b: {  	_ =	swait.ge [sflag:s19], $0xC80  }
0x8c: {  	[sflag:s19] =	ssyncset.done $0x0  }
0x8d: {  	[sflag:s19] =	ssyncadd.s32 $0xFFFFF380  }
0x8e: {  	_ =	swait.ge [sflag:s19], $0xC80  }
0x8f: {  	[sflag:s19] =	ssyncset.done $0x0  }
0x90: {  	[sflag:s19] =	ssyncadd.s32 $0xFFFFF380  }
0x91: {  	_ =	swait.ge [sflag:s19], $0xC80  }
0x92: {  	[sflag:s19] =	ssyncset.done $0x0  }
0x93: {  	[sflag:s19] =	ssyncadd.s32 $0xFFFFF380  }
0x94: {  	_ =	swait.ge [sflag:s19], $0xC80  }
0x95: {  	[sflag:s19] =	ssyncset.done $0x0  }
0x96: {  	[sflag:s19] =	ssyncadd.s32 $0xFFFFF380  }
0x97: {  	_ =	swait.ge [sflag:s19], $0xC80  }
0x98: {  	[sflag:s19] =	ssyncset.done $0x0  }
0x99: {  	[sflag:s19] =	ssyncadd.s32 $0xFFFFF380  }
0x9a: {  	_ =	swait.ge [sflag:s19], $0xC80  }
0x9b: {  	[sflag:s19] =	ssyncset.done $0x0  }
0x9c: {  	[sflag:s19] =	ssyncadd.s32 $0xFFFFF380  }
0x9d: {  	_ =	swait.ge [sflag:s19], $0xC80  }
0x9e: {  	[sflag:s19] =	ssyncset.done $0x0  }
0x9f: {  	[sflag:s19] =	ssyncadd.s32 $0xFFFFF380  }
0xa0: {  	_ =	swait.ge [sflag:s19], $0xC80  }
0xa1: {  	[sflag:s19] =	ssyncset.done $0x0  }
0xa2: {  	[sflag:s19] =	ssyncadd.s32 $0xFFFFF380  }
0xa3: {  	_ =	swait.ge [sflag:s19], $0xC80  }
0xa4: {  	[sflag:s19] =	ssyncset.done $0x0  }
0xa5: {  	[sflag:s19] =	ssyncadd.s32 $0xFFFFF380  }
0xa6: {  	_ =	swait.ge [sflag:s19], $0xC80  }
0xa7: {  	[sflag:s19] =	ssyncset.done $0x0  }
0xa8: {  	[sflag:s19] =	ssyncadd.s32 $0xFFFFF380  }
0xa9: {  	_ =	swait.ge [sflag:s19], $0xC80  }
0xaa: {  	s31 =	rddreg [dreg:$0x3];
	[sflag:s19] =	ssyncset.done $0x0  }
0xab: {  	[sflag:s19] =	ssyncadd.s32 $0xFFFFF380;
	s24 =	sadd.s32 $0x0, s31  }
0xac: {  	[hbm4b:s24+s2] =	stream.linear.scatter [tilespmem:s9], [sflag:$0x3], $0xC800, $0x38;
	[tilespmem:$0x19700] =	vst v63  }
0xad: {  	_ =	swait.ge [sflag:s7], $0xC800  }
0xae: {  	p0 =	por $0x0, $0x0;
	[sflag:s7] =	ssyncset.done $0x0  }
0xaf: {  	s6 =	simm.s32 @!p0 $0x0;
	s22 =	simm.s32 @!p0 $0x3;
	[sflag:s7] =	ssyncadd.s32 $0xFFFF3800  }
0xb0: {  	[tilespmem:s6], [sflag:$0x3] =	stream.linear.gather @!p0 [hbm4b:s23+s6], $0x380, $0x38;
	[tilespmem:$0x19700] =	vst v63  }
0xb1: {  	_ =	swait.ge @!p0 [sflag:s22], $0x380  }
0xb2: {  	[sflag:s22] =	ssyncset.done @!p0 $0x0  }
0xb3: {  	s25 =	simm.s32 @!p0 $0x700;
	[sflag:s22] =	ssyncadd.s32 @!p0 $0xFFFFFC80;
	s22 =	simm.s32 @!p0 $0x32  }
0xb4: {  	[tilespmem:s25], [sflag:$0x1] =	stream.indirect.gather @!p0 [hbm4b:s3+s22], $0x40, s6, s22, $0xb8;
	[tilespmem:$0x19700] =	vst v63  }
0xb5: {  	s6 =	simm.s32 @!p0 $0x38;
	s25 =	simm.s32 @!p0 $0x1380  }
0xb6: {  	[tilespmem:s25], [sflag:$0x1] =	stream.indirect.gather @!p0 [hbm4b:s3+s22], $0x40, s6, s22, $0xb8;
	[tilespmem:$0x19700] =	vst v63  }
0xb7: {  	s6 =	simm.s32 @!p0 $0x70;
	s25 =	simm.s32 @!p0 $0x2000  }
0xb8: {  	[tilespmem:s25], [sflag:$0x1] =	stream.indirect.gather @!p0 [hbm4b:s3+s22], $0x40, s6, s22, $0xb8;
	[tilespmem:$0x19700] =	vst v63  }
0xb9: {  	s6 =	simm.s32 @!p0 $0xA8;
	s25 =	simm.s32 @!p0 $0x2C80  }
0xba: {  	[tilespmem:s25], [sflag:$0x1] =	stream.indirect.gather @!p0 [hbm4b:s3+s22], $0x40, s6, s22, $0xb8;
	[tilespmem:$0x19700] =	vst v63  }
0xbb: {  	s6 =	simm.s32 @!p0 $0xE0;
	s25 =	simm.s32 @!p0 $0x3900  }
0xbc: {  	[tilespmem:s25], [sflag:$0x1] =	stream.indirect.gather @!p0 [hbm4b:s3+s22], $0x40, s6, s22, $0xb8;
	[tilespmem:$0x19700] =	vst v63  }
0xbd: {  	s6 =	simm.s32 @!p0 $0x118;
	s25 =	simm.s32 @!p0 $0x4580  }
0xbe: {  	[tilespmem:s25], [sflag:$0x1] =	stream.indirect.gather @!p0 [hbm4b:s3+s22], $0x40, s6, s22, $0xb8;
	[tilespmem:$0x19700] =	vst v63  }
0xbf: {  	s6 =	simm.s32 @!p0 $0x150;
	s25 =	simm.s32 @!p0 $0x5200  }
0xc0: {  	[tilespmem:s25], [sflag:$0x1] =	stream.indirect.gather @!p0 [hbm4b:s3+s22], $0x40, s6, s22, $0xb8;
	[tilespmem:$0x19700] =	vst v63  }
0xc1: {  	s6 =	simm.s32 @!p0 $0x188;
	s25 =	simm.s32 @!p0 $0x5E80  }
0xc2: {  	[tilespmem:s25], [sflag:$0x1] =	stream.indirect.gather @!p0 [hbm4b:s3+s22], $0x40, s6, s22, $0xb8;
	[tilespmem:$0x19700] =	vst v63  }
0xc3: {  	s6 =	simm.s32 @!p0 $0x1C0;
	s25 =	simm.s32 @!p0 $0x6B00  }
0xc4: {  	[tilespmem:s25], [sflag:$0x1] =	stream.indirect.gather @!p0 [hbm4b:s3+s22], $0x40, s6, s22, $0xb8;
	[tilespmem:$0x19700] =	vst v63  }
0xc5: {  	s6 =	simm.s32 @!p0 $0x1F8;
	s25 =	simm.s32 @!p0 $0x7780  }
0xc6: {  	[tilespmem:s25], [sflag:$0x1] =	stream.indirect.gather @!p0 [hbm4b:s3+s22], $0x40, s6, s22, $0xb8;
	[tilespmem:$0x19700] =	vst v63  }
0xc7: {  	s6 =	simm.s32 @!p0 $0x230;
	s25 =	simm.s32 @!p0 $0x8400  }
0xc8: {  	[tilespmem:s25], [sflag:$0x1] =	stream.indirect.gather @!p0 [hbm4b:s3+s22], $0x40, s6, s22, $0xb8;
	[tilespmem:$0x19700] =	vst v63  }
0xc9: {  	s6 =	simm.s32 @!p0 $0x268;
	s25 =	simm.s32 @!p0 $0x9080  }
0xca: {  	[tilespmem:s25], [sflag:$0x1] =	stream.indirect.gather @!p0 [hbm4b:s3+s22], $0x40, s6, s22, $0xb8;
	[tilespmem:$0x19700] =	vst v63  }
0xcb: {  	s6 =	simm.s32 @!p0 $0x2A0;
	s25 =	simm.s32 @!p0 $0x9D00  }
0xcc: {  	[tilespmem:s25], [sflag:$0x1] =	stream.indirect.gather @!p0 [hbm4b:s3+s22], $0x40, s6, s22, $0xb8;
	[tilespmem:$0x19700] =	vst v63  }
0xcd: {  	s6 =	simm.s32 @!p0 $0x2D8;
	s25 =	simm.s32 @!p0 $0xA980  }
0xce: {  	[tilespmem:s25], [sflag:$0x1] =	stream.indirect.gather @!p0 [hbm4b:s3+s22], $0x40, s6, s22, $0xb8;
	[tilespmem:$0x19700] =	vst v63  }
0xcf: {  	s6 =	simm.s32 @!p0 $0x310;
	s25 =	simm.s32 @!p0 $0xB600  }
0xd0: {  	[tilespmem:s25], [sflag:$0x1] =	stream.indirect.gather @!p0 [hbm4b:s3+s22], $0x40, s6, s22, $0xb8;
	[tilespmem:$0x19700] =	vst v63  }
0xd1: {  	s6 =	simm.s32 @!p0 $0x348;
	s25 =	simm.s32 @!p0 $0xC280  }
0xd2: {  	[tilespmem:s25], [sflag:$0x1] =	stream.indirect.gather @!p0 [hbm4b:s3+s22], $0x40, s6, s22, $0xb8;
	[tilespmem:$0x19700] =	vst v63  }
0xd3: {  	_ =	swait.ge [sflag:s20], $0xC80  }
0xd4: {  	[sflag:s20] =	ssyncset.done $0x0  }
0xd5: {  	[sflag:s20] =	ssyncadd.s32 $0xFFFFF380  }
0xd6: {  	_ =	swait.ge [sflag:s20], $0xC80  }
0xd7: {  	[sflag:s20] =	ssyncset.done $0x0  }
0xd8: {  	[sflag:s20] =	ssyncadd.s32 $0xFFFFF380  }
0xd9: {  	_ =	swait.ge [sflag:s20], $0xC80  }
0xda: {  	[sflag:s20] =	ssyncset.done $0x0  }
0xdb: {  	[sflag:s20] =	ssyncadd.s32 $0xFFFFF380  }
0xdc: {  	_ =	swait.ge [sflag:s20], $0xC80  }
0xdd: {  	[sflag:s20] =	ssyncset.done $0x0  }
0xde: {  	[sflag:s20] =	ssyncadd.s32 $0xFFFFF380  }
0xdf: {  	_ =	swait.ge [sflag:s20], $0xC80  }
0xe0: {  	[sflag:s20] =	ssyncset.done $0x0  }
0xe1: {  	[sflag:s20] =	ssyncadd.s32 $0xFFFFF380  }
0xe2: {  	_ =	swait.ge [sflag:s20], $0xC80  }
0xe3: {  	[sflag:s20] =	ssyncset.done $0x0  }
0xe4: {  	[sflag:s20] =	ssyncadd.s32 $0xFFFFF380  }
0xe5: {  	_ =	swait.ge [sflag:s20], $0xC80  }
0xe6: {  	[sflag:s20] =	ssyncset.done $0x0  }
0xe7: {  	[sflag:s20] =	ssyncadd.s32 $0xFFFFF380  }
0xe8: {  	_ =	swait.ge [sflag:s20], $0xC80  }
0xe9: {  	[sflag:s20] =	ssyncset.done $0x0  }
0xea: {  	[sflag:s20] =	ssyncadd.s32 $0xFFFFF380  }
0xeb: {  	_ =	swait.ge [sflag:s20], $0xC80  }
0xec: {  	[sflag:s20] =	ssyncset.done $0x0  }
0xed: {  	[sflag:s20] =	ssyncadd.s32 $0xFFFFF380  }
0xee: {  	_ =	swait.ge [sflag:s20], $0xC80  }
0xef: {  	[sflag:s20] =	ssyncset.done $0x0  }
0xf0: {  	[sflag:s20] =	ssyncadd.s32 $0xFFFFF380  }
0xf1: {  	_ =	swait.ge [sflag:s20], $0xC80  }
0xf2: {  	[sflag:s20] =	ssyncset.done $0x0  }
0xf3: {  	[sflag:s20] =	ssyncadd.s32 $0xFFFFF380  }
0xf4: {  	_ =	swait.ge [sflag:s20], $0xC80  }
0xf5: {  	[sflag:s20] =	ssyncset.done $0x0  }
0xf6: {  	[sflag:s20] =	ssyncadd.s32 $0xFFFFF380  }
0xf7: {  	s22 =	simm.s32 $0x3200;
	s6 =	smov.u32 s23;
	_ =	swait.ge [sflag:s20], $0xC80  }
.LBB2_2:
0xf8: {  	[sflag:s20] =	ssyncset.done $0x0  }
0xf9: {  	[sflag:s20] =	ssyncadd.s32 $0xFFFFF380  }
0xfa: {  	_ =	swait.ge [sflag:s20], $0xC80  }
0xfb: {  	[sflag:s20] =	ssyncset.done $0x0  }
0xfc: {  	[sflag:s20] =	ssyncadd.s32 $0xFFFFF380  }
0xfd: {  	_ =	swait.ge [sflag:s20], $0xC80  }
0xfe: {  	[sflag:s20] =	ssyncset.done $0x0  }
0xff: {  	[sflag:s20] =	ssyncadd.s32 $0xFFFFF380  }
0x100: {  	_ =	swait.ge [sflag:s20], $0xC80  }
0x101: {  	[sflag:s20] =	ssyncset.done $0x0  }
0x102: {  	s24 =	sadd.s32 $0x1900, s24;
	[sflag:s20] =	ssyncadd.s32 $0xFFFFF380  }
0x103: {  	[hbm4b:s24+s2] =	stream.linear.scatter [tilespmem:s18], [sflag:$0x3], $0xC800, $0x38;
	[tilespmem:$0x19700] =	vst v63  }
0x104: {  	_ =	swait.ge [sflag:s7], $0xC800  }
0x105: {  	s6 =	sadd.s32 $0xE0, s6;
	[sflag:s7] =	ssyncset.done $0x0  }
0x106: {  	s15 =	sadd.s32 $0xFFFFFF90, s6;
	[sflag:s7] =	ssyncadd.s32 $0xFFFF3800  }
0x107: {  	[tilespmem:s17], [sflag:$0x3] =	stream.linear.gather [hbm4b:s15+s2], $0x380, $0x38;
	[tilespmem:$0x19700] =	vst v63  }
0x108: {  	_ =	swait.ge [sflag:s7], $0x380  }
0x109: {  	s24 =	sld [smem:$0x7FD]  }
0x10a: {  	s26 =	rddreg [dreg:$0x1f]  }
0x10b: {  	s28 =	rddreg [dreg:$0x1d]  }
0x10c: {  	s29 =	rddreg [dreg:$0x1b]  }
0x10d: {  	s30 =	rddreg [dreg:$0x19]  }
0x10e: {  	s31 =	rddreg [dreg:$0x17]  }
0x10f: {  	s0 =	rddreg [dreg:$0x15]  }
0x110: {  	s1 =	rddreg [dreg:$0x13]  }
0x111: {  	s10 =	rddreg [dreg:$0x11]  }
0x112: {  	s11 =	rddreg [dreg:$0xf]  }
0x113: {  	s12 =	rddreg [dreg:$0xd]  }
0x114: {  	s13 =	rddreg [dreg:$0xb]  }
0x115: {  	s14 =	rddreg [dreg:$0x8]  }
0x116: {  	s15 =	rddreg [dreg:$0x6]  }
0x117: {  	[sflag:s7] =	ssyncset.done $0x0;
	s16 =	rddreg [dreg:$0x4]  }
0x118: {  	s4 =	rddreg [dreg:$0x5];
	[sflag:s7] =	ssyncadd.s32 $0xFFFFFC80  }
0x119: {  	[tilespmem:s18], [sflag:$0x2] =	stream.indirect.gather [hbm4b:s3+s8], $0x40, s17, s8, $0xb8;
	[tilespmem:$0x19700] =	vst v63  }
0x11a: {  	s5 =	rddreg [dreg:$0x7]  }
0x11b: {  	[tilespmem:s4], [sflag:$0x2] =	stream.indirect.gather [hbm4b:s3+s8], $0x40, s16, s8, $0xb8;
	[tilespmem:$0x19700] =	vst v63  }
0x11c: {  	s4 =	rddreg [dreg:$0x9]  }
0x11d: {  	[tilespmem:s5], [sflag:$0x2] =	stream.indirect.gather [hbm4b:s3+s8], $0x40, s15, s8, $0xb8;
	[tilespmem:$0x19700] =	vst v63  }
0x11e: {  	s16 =	rddreg [dreg:$0xa]  }
0x11f: {  	[tilespmem:s4], [sflag:$0x2] =	stream.indirect.gather [hbm4b:s3+s8], $0x40, s14, s8, $0xb8;
	[tilespmem:$0x19700] =	vst v63  }
0x120: {  	s15 =	rddreg [dreg:$0xe]  }
0x121: {  	[tilespmem:s13], [sflag:$0x2] =	stream.indirect.gather [hbm4b:s3+s8], $0x40, s16, s8, $0xb8;
	[tilespmem:$0x19700] =	vst v63  }
0x122: {  	s14 =	rddreg [dreg:$0xc]  }
0x123: {  	[tilespmem:s12], [sflag:$0x2] =	stream.indirect.gather [hbm4b:s3+s8], $0x40, s14, s8, $0xb8;
	[tilespmem:$0x19700] =	vst v63  }
0x124: {  	s16 =	rddreg [dreg:$0x10]  }
0x125: {  	[tilespmem:s11], [sflag:$0x2] =	stream.indirect.gather [hbm4b:s3+s8], $0x40, s15, s8, $0xb8;
	[tilespmem:$0x19700] =	vst v63  }
0x126: {  	s13 =	rddreg [dreg:$0x16]  }
0x127: {  	[tilespmem:s10], [sflag:$0x2] =	stream.indirect.gather [hbm4b:s3+s8], $0x40, s16, s8, $0xb8;
	[tilespmem:$0x19700] =	vst v63  }
0x128: {  	s11 =	rddreg [dreg:$0x12]  }
0x129: {  	[tilespmem:s1], [sflag:$0x2] =	stream.indirect.gather [hbm4b:s3+s8], $0x40, s11, s8, $0xb8;
	[tilespmem:$0x19700] =	vst v63  }
0x12a: {  	s12 =	rddreg [dreg:$0x14]  }
0x12b: {  	[tilespmem:s0], [sflag:$0x2] =	stream.indirect.gather [hbm4b:s3+s8], $0x40, s12, s8, $0xb8;
	[tilespmem:$0x19700] =	vst v63  }
0x12c: {  	s14 =	rddreg [dreg:$0x18]  }
0x12d: {  	[tilespmem:s31], [sflag:$0x2] =	stream.indirect.gather [hbm4b:s3+s8], $0x40, s13, s8, $0xb8;
	[tilespmem:$0x19700] =	vst v63  }
0x12e: {  	s15 =	rddreg [dreg:$0x1a]  }
0x12f: {  	[tilespmem:s30], [sflag:$0x2] =	stream.indirect.gather [hbm4b:s3+s8], $0x40, s14, s8, $0xb8;
	[tilespmem:$0x19700] =	vst v63  }
0x130: {  	s16 =	rddreg [dreg:$0x1c]  }
0x131: {  	[tilespmem:s29], [sflag:$0x2] =	stream.indirect.gather [hbm4b:s3+s8], $0x40, s15, s8, $0xb8;
	[tilespmem:$0x19700] =	vst v63  }
0x132: {  	s30 =	sld [smem:$0x7FC]  }
0x133: {  	[tilespmem:s28], [sflag:$0x2] =	stream.indirect.gather [hbm4b:s3+s8], $0x40, s16, s8, $0xb8;
	[tilespmem:$0x19700] =	vst v63  }
0x134: {  	s29 =	rddreg [dreg:$0x1e]  }
0x135: {  	[tilespmem:s26], [sflag:$0x2] =	stream.indirect.gather [hbm4b:s3+s8], $0x40, s29, s8, $0xb8;
	[tilespmem:$0x19700] =	vst v63  }
0x136: {  	_ = 	snop  }
0x137: {  	[tilespmem:s24], [sflag:$0x2] =	stream.indirect.gather [hbm4b:s3+s8], $0x40, s30, s8, $0xb8;
	[tilespmem:$0x19700] =	vst v63  }
0x138: {  	_ =	swait.ge [sflag:s19], $0xC80  }
0x139: {  	[sflag:s19] =	ssyncset.done $0x0  }
0x13a: {  	[sflag:s19] =	ssyncadd.s32 $0xFFFFF380  }
0x13b: {  	_ =	swait.ge [sflag:s19], $0xC80  }
0x13c: {  	[sflag:s19] =	ssyncset.done $0x0  }
0x13d: {  	[sflag:s19] =	ssyncadd.s32 $0xFFFFF380  }
0x13e: {  	_ =	swait.ge [sflag:s19], $0xC80  }
0x13f: {  	[sflag:s19] =	ssyncset.done $0x0  }
0x140: {  	[sflag:s19] =	ssyncadd.s32 $0xFFFFF380  }
0x141: {  	_ =	swait.ge [sflag:s19], $0xC80  }
0x142: {  	[sflag:s19] =	ssyncset.done $0x0  }
0x143: {  	[sflag:s19] =	ssyncadd.s32 $0xFFFFF380  }
0x144: {  	_ =	swait.ge [sflag:s19], $0xC80  }
0x145: {  	[sflag:s19] =	ssyncset.done $0x0  }
0x146: {  	[sflag:s19] =	ssyncadd.s32 $0xFFFFF380  }
0x147: {  	_ =	swait.ge [sflag:s19], $0xC80  }
0x148: {  	[sflag:s19] =	ssyncset.done $0x0  }
0x149: {  	[sflag:s19] =	ssyncadd.s32 $0xFFFFF380  }
0x14a: {  	_ =	swait.ge [sflag:s19], $0xC80  }
0x14b: {  	[sflag:s19] =	ssyncset.done $0x0  }
0x14c: {  	[sflag:s19] =	ssyncadd.s32 $0xFFFFF380  }
0x14d: {  	_ =	swait.ge [sflag:s19], $0xC80  }
0x14e: {  	[sflag:s19] =	ssyncset.done $0x0  }
0x14f: {  	[sflag:s19] =	ssyncadd.s32 $0xFFFFF380  }
0x150: {  	_ =	swait.ge [sflag:s19], $0xC80  }
0x151: {  	[sflag:s19] =	ssyncset.done $0x0  }
0x152: {  	[sflag:s19] =	ssyncadd.s32 $0xFFFFF380  }
0x153: {  	_ =	swait.ge [sflag:s19], $0xC80  }
0x154: {  	[sflag:s19] =	ssyncset.done $0x0  }
0x155: {  	[sflag:s19] =	ssyncadd.s32 $0xFFFFF380  }
0x156: {  	_ =	swait.ge [sflag:s19], $0xC80  }
0x157: {  	[sflag:s19] =	ssyncset.done $0x0  }
0x158: {  	[sflag:s19] =	ssyncadd.s32 $0xFFFFF380  }
0x159: {  	_ =	swait.ge [sflag:s19], $0xC80  }
0x15a: {  	[sflag:s19] =	ssyncset.done $0x0  }
0x15b: {  	[sflag:s19] =	ssyncadd.s32 $0xFFFFF380  }
0x15c: {  	_ =	swait.ge [sflag:s19], $0xC80  }
0x15d: {  	[sflag:s19] =	ssyncset.done $0x0  }
0x15e: {  	[sflag:s19] =	ssyncadd.s32 $0xFFFFF380  }
0x15f: {  	_ =	swait.ge [sflag:s19], $0xC80  }
0x160: {  	[sflag:s19] =	ssyncset.done $0x0  }
0x161: {  	[sflag:s19] =	ssyncadd.s32 $0xFFFFF380  }
0x162: {  	_ =	swait.ge [sflag:s19], $0xC80  }
0x163: {  	[sflag:s19] =	ssyncset.done $0x0  }
0x164: {  	[sflag:s19] =	ssyncadd.s32 $0xFFFFF380  }
0x165: {  	_ =	swait.ge [sflag:s19], $0xC80  }
0x166: {  	s25 =	smov.u32 s22;
	s31 =	rddreg [dreg:$0x3];
	[sflag:s19] =	ssyncset.done $0x0  }
0x167: {  	[sflag:s19] =	ssyncadd.s32 $0xFFFFF380;
	s24 =	sadd.s32 s25, s31  }
0x168: {  	[hbm4b:s24+s2] =	stream.linear.scatter [tilespmem:s9], [sflag:$0x3], $0xC800, $0x38;
	[tilespmem:$0x19700] =	vst v63  }
0x169: {  	_ =	swait.ge [sflag:s7], $0xC800  }
0x16a: {  	p1 =	seq.s32 s25, $0x2EE00;
	[sflag:s7] =	ssyncset.done $0x0  }
0x16b: {  	s1 =	simm.s32 @!p1 $0x3;
	s0 =	simm.s32 @!p1 $0x0;
	[sflag:s7] =	ssyncadd.s32 $0xFFFF3800  }
0x16c: {  	[tilespmem:s0], [sflag:$0x3] =	stream.linear.gather @!p1 [hbm4b:s6+s0], $0x380, $0x38;
	[tilespmem:$0x19700] =	vst v63  }
0x16d: {  	_ =	swait.ge @!p1 [sflag:s1], $0x380  }
0x16e: {  	[sflag:s1] =	ssyncset.done @!p1 $0x0  }
0x16f: {  	s25 =	simm.s32 @!p1 $0x32;
	[sflag:s1] =	ssyncadd.s32 @!p1 $0xFFFFFC80;
	s1 =	simm.s32 @!p1 $0x700  }
0x170: {  	[tilespmem:s1], [sflag:$0x1] =	stream.indirect.gather @!p1 [hbm4b:s3+s25], $0x40, s0, s25, $0xb8;
	[tilespmem:$0x19700] =	vst v63  }
0x171: {  	s0 =	simm.s32 @!p1 $0x38;
	s1 =	simm.s32 @!p1 $0x1380  }
0x172: {  	[tilespmem:s1], [sflag:$0x1] =	stream.indirect.gather @!p1 [hbm4b:s3+s25], $0x40, s0, s25, $0xb8;
	[tilespmem:$0x19700] =	vst v63  }
0x173: {  	s0 =	simm.s32 @!p1 $0x70;
	s1 =	simm.s32 @!p1 $0x2000  }
0x174: {  	[tilespmem:s1], [sflag:$0x1] =	stream.indirect.gather @!p1 [hbm4b:s3+s25], $0x40, s0, s25, $0xb8;
	[tilespmem:$0x19700] =	vst v63  }
0x175: {  	s0 =	simm.s32 @!p1 $0xA8;
	s1 =	simm.s32 @!p1 $0x2C80  }
0x176: {  	[tilespmem:s1], [sflag:$0x1] =	stream.indirect.gather @!p1 [hbm4b:s3+s25], $0x40, s0, s25, $0xb8;
	[tilespmem:$0x19700] =	vst v63  }
0x177: {  	s0 =	simm.s32 @!p1 $0xE0;
	s1 =	simm.s32 @!p1 $0x3900  }
0x178: {  	[tilespmem:s1], [sflag:$0x1] =	stream.indirect.gather @!p1 [hbm4b:s3+s25], $0x40, s0, s25, $0xb8;
	[tilespmem:$0x19700] =	vst v63  }
0x179: {  	s0 =	simm.s32 @!p1 $0x118;
	s1 =	simm.s32 @!p1 $0x4580  }
0x17a: {  	[tilespmem:s1], [sflag:$0x1] =	stream.indirect.gather @!p1 [hbm4b:s3+s25], $0x40, s0, s25, $0xb8;
	[tilespmem:$0x19700] =	vst v63  }
0x17b: {  	s0 =	simm.s32 @!p1 $0x150;
	s1 =	simm.s32 @!p1 $0x5200  }
0x17c: {  	[tilespmem:s1], [sflag:$0x1] =	stream.indirect.gather @!p1 [hbm4b:s3+s25], $0x40, s0, s25, $0xb8;
	[tilespmem:$0x19700] =	vst v63  }
0x17d: {  	s0 =	simm.s32 @!p1 $0x188;
	s1 =	simm.s32 @!p1 $0x5E80  }
0x17e: {  	[tilespmem:s1], [sflag:$0x1] =	stream.indirect.gather @!p1 [hbm4b:s3+s25], $0x40, s0, s25, $0xb8;
	[tilespmem:$0x19700] =	vst v63  }
0x17f: {  	s0 =	simm.s32 @!p1 $0x1C0;
	s1 =	simm.s32 @!p1 $0x6B00  }
0x180: {  	[tilespmem:s1], [sflag:$0x1] =	stream.indirect.gather @!p1 [hbm4b:s3+s25], $0x40, s0, s25, $0xb8;
	[tilespmem:$0x19700] =	vst v63  }
0x181: {  	s0 =	simm.s32 @!p1 $0x1F8;
	s1 =	simm.s32 @!p1 $0x7780  }
0x182: {  	[tilespmem:s1], [sflag:$0x1] =	stream.indirect.gather @!p1 [hbm4b:s3+s25], $0x40, s0, s25, $0xb8;
	[tilespmem:$0x19700] =	vst v63  }
0x183: {  	s0 =	simm.s32 @!p1 $0x230;
	s1 =	simm.s32 @!p1 $0x8400  }
0x184: {  	[tilespmem:s1], [sflag:$0x1] =	stream.indirect.gather @!p1 [hbm4b:s3+s25], $0x40, s0, s25, $0xb8;
	[tilespmem:$0x19700] =	vst v63  }
0x185: {  	s0 =	simm.s32 @!p1 $0x268;
	s1 =	simm.s32 @!p1 $0x9080  }
0x186: {  	[tilespmem:s1], [sflag:$0x1] =	stream.indirect.gather @!p1 [hbm4b:s3+s25], $0x40, s0, s25, $0xb8;
	[tilespmem:$0x19700] =	vst v63  }
0x187: {  	s0 =	simm.s32 @!p1 $0x2A0;
	s1 =	simm.s32 @!p1 $0x9D00  }
0x188: {  	[tilespmem:s1], [sflag:$0x1] =	stream.indirect.gather @!p1 [hbm4b:s3+s25], $0x40, s0, s25, $0xb8;
	[tilespmem:$0x19700] =	vst v63  }
0x189: {  	s0 =	simm.s32 @!p1 $0x2D8;
	s1 =	simm.s32 @!p1 $0xA980  }
0x18a: {  	[tilespmem:s1], [sflag:$0x1] =	stream.indirect.gather @!p1 [hbm4b:s3+s25], $0x40, s0, s25, $0xb8;
	[tilespmem:$0x19700] =	vst v63  }
0x18b: {  	s0 =	simm.s32 @!p1 $0x310;
	s1 =	simm.s32 @!p1 $0xB600  }
0x18c: {  	[tilespmem:s1], [sflag:$0x1] =	stream.indirect.gather @!p1 [hbm4b:s3+s25], $0x40, s0, s25, $0xb8;
	[tilespmem:$0x19700] =	vst v63  }
0x18d: {  	s0 =	simm.s32 @!p1 $0x348;
	s1 =	simm.s32 @!p1 $0xC280  }
0x18e: {  	[tilespmem:s1], [sflag:$0x1] =	stream.indirect.gather @!p1 [hbm4b:s3+s25], $0x40, s0, s25, $0xb8;
	[tilespmem:$0x19700] =	vst v63  }
0x18f: {  	_ =	swait.ge [sflag:s20], $0xC80  }
0x190: {  	[sflag:s20] =	ssyncset.done $0x0  }
0x191: {  	[sflag:s20] =	ssyncadd.s32 $0xFFFFF380  }
0x192: {  	_ =	swait.ge [sflag:s20], $0xC80  }
0x193: {  	[sflag:s20] =	ssyncset.done $0x0  }
0x194: {  	[sflag:s20] =	ssyncadd.s32 $0xFFFFF380  }
0x195: {  	_ =	swait.ge [sflag:s20], $0xC80  }
0x196: {  	[sflag:s20] =	ssyncset.done $0x0  }
0x197: {  	[sflag:s20] =	ssyncadd.s32 $0xFFFFF380  }
0x198: {  	_ =	swait.ge [sflag:s20], $0xC80  }
0x199: {  	[sflag:s20] =	ssyncset.done $0x0  }
0x19a: {  	[sflag:s20] =	ssyncadd.s32 $0xFFFFF380  }
0x19b: {  	_ =	swait.ge [sflag:s20], $0xC80  }
0x19c: {  	[sflag:s20] =	ssyncset.done $0x0  }
0x19d: {  	[sflag:s20] =	ssyncadd.s32 $0xFFFFF380  }
0x19e: {  	_ =	swait.ge [sflag:s20], $0xC80  }
0x19f: {  	[sflag:s20] =	ssyncset.done $0x0  }
0x1a0: {  	[sflag:s20] =	ssyncadd.s32 $0xFFFFF380  }
0x1a1: {  	_ =	swait.ge [sflag:s20], $0xC80  }
0x1a2: {  	[sflag:s20] =	ssyncset.done $0x0  }
0x1a3: {  	[sflag:s20] =	ssyncadd.s32 $0xFFFFF380  }
0x1a4: {  	_ =	swait.ge [sflag:s20], $0xC80  }
0x1a5: {  	[sflag:s20] =	ssyncset.done $0x0  }
0x1a6: {  	[sflag:s20] =	ssyncadd.s32 $0xFFFFF380  }
0x1a7: {  	_ =	swait.ge [sflag:s20], $0xC80  }
0x1a8: {  	[sflag:s20] =	ssyncset.done $0x0  }
0x1a9: {  	[sflag:s20] =	ssyncadd.s32 $0xFFFFF380  }
0x1aa: {  	_ =	swait.ge [sflag:s20], $0xC80  }
0x1ab: {  	[sflag:s20] =	ssyncset.done $0x0  }
0x1ac: {  	[sflag:s20] =	ssyncadd.s32 $0xFFFFF380  }
0x1ad: {  	s22 =	sadd.s32 $0x3200, s22;
	_ =	swait.ge [sflag:s20], $0xC80  }
0x1ae: {  	p0 =	sne.s32 s22, $0x32000;
	[sflag:s20] =	ssyncset.done $0x0  }
.Ltmp0:
0x1af: {  	[sflag:s20] =	ssyncadd.s32 $0xFFFFF380;
	(pc) =	sbr.rel @p0 .LBB2_2-.Ltmp0, $4  }
0x1b0: {  	_ =	swait.ge [sflag:s20], $0xC80  }
0x1b1: {  	[sflag:s20] =	ssyncset.done $0x0  }
0x1b2: {  	[sflag:s20] =	ssyncadd.s32 $0xFFFFF380  }
0x1b3: {  	_ =	swait.ge [sflag:s20], $0xC80  }
0x1b4: {  	[sflag:s20] =	ssyncset.done $0x0  }
0x1b5: {  	[sflag:s20] =	ssyncadd.s32 $0xFFFFF380  }
0x1b6: {  	_ =	swait.ge [sflag:s20], $0xC80  }
0x1b7: {  	[sflag:s20] =	ssyncset.done $0x0  }
0x1b8: {  	[sflag:s20] =	ssyncadd.s32 $0xFFFFF380  }
0x1b9: {  	_ =	swait.ge [sflag:s20], $0xC80  }
0x1ba: {  	[sflag:s20] =	ssyncset.done $0x0  }
0x1bb: {  	[sflag:s20] =	ssyncadd.s32 $0xFFFFF380  }
0x1bc: {  	_ =	swait.ge [sflag:s20], $0xC80  }
0x1bd: {  	[sflag:s20] =	ssyncset.done $0x0  }
0x1be: {  	s0 =	sadd.s32 $0x1900, s24;
	[sflag:s20] =	ssyncadd.s32 $0xFFFFF380  }
0x1bf: {  	[hbm4b:s0+s2] =	stream.linear.scatter [tilespmem:s18], [sflag:$0x3], $0xC800, $0x38;
	[tilespmem:$0x19700] =	vst v63  }
0x1c0: {  	_ =	swait.ge [sflag:s7], $0xC800  }
0x1c1: {  	s31 =	sld [smem:$0x7FB];
	_ =	sdelay $0x1  }
0x1c2: {  	s21 =	sadd.s32 $0x1, s21  }
0x1c3: {  	p0 =	sne.s32 s21, s31  }
.Ltmp1:
0x1c4: {  	_ = 	snop;
	(pc) =	sbr.rel @p0 .LBB2_1-.Ltmp1, $3  }
0x1c5: {  	_ =	sdelay $0x1  }
0x1c6: {  	[sflag:s7] =	ssyncset.done $0x0  }
0x1c7: {  	[sflag:s7] =	ssyncadd.s32 $0xFFFF3800  }
0x1c8: {  	_ =	sfence.sel $0x180000  }
0x1c9: {  	[bflag:$0x0] =	sbarrier.arrive $0xFFFF  }
0x1ca: {  	_ =	strace $0x90000047  }
0x1cb: {  	s0 =	stileid.u32;
	[bflag:$0x2] =	sbarrier.arrive $0xFFFF  }
0x1cc: {  	p0 =	sne.s32 s0, $0x0;
	s0 =	rddreg [dreg:$0x2]  }
0x1cd: {  	s0 =	sadd.s32 @!p0 $0x100000, s0  }
0x1ce: {  	[sflag:s0] =	ssyncadd.tile.s32 @!p0 $0x1;
	_ =	shalt  }
.Lfunc_end2:
_tile_overlayer_lowered:
.L_overlay_start_2:
0x1cf: {  	(tag) =	ssettag $0x2  }
0x1d0: {  	s0 =	rddreg [dreg:$0x0];
	s2 =	stileid.u32  }
0x1d1: {  	s1 =	rddreg [dreg:$0x1];
	p0 =	sne.s32 s2, $0x0  }
0x1d2: {  	s3 =	rddreg [dreg:$0x2];
	[bflag:$0x3] =	sbarrier.arrive $0xFFFF;
	s2 =	simm.s32 @!p0 $0x1C03  }
0x1d3: {  	[timem:s3], [sflag:s2] =	dma.local @!p0 [hbm:s0], s1  }
0x1d4: {  	s0 =	simm.s32 @!p0 $0x3  }
0x1d5: {  	_ =	swait.ge @!p0 [sflag:s0], s1  }
0x1d6: {  	s1 =	ssub.s32 @!p0 $0x0, s1;
	[sflag:s0] =	ssyncset.done @!p0 $0x0  }
0x1d7: {  	[sflag:s0] =	ssyncadd.s32 @!p0 s1  }
0x1d8: {  	[bflag:$0x3] =	sbarrier.arrive $0xFFFF  }
0x1d9: {  	_ =	shalt  }

// kernel: sparse-core-data-format-call.cloned.1.call-start
scs
called_computation_lowered:
.L_overlay_start_0:
0x0: {  	s2 =	sld [smem:$0x3FD9]  }
0x1: {  	s3 =	sld [smem:$0x3FFE];
	_ =	sdelay $0x1  }
0x2: {  	s1 =	srdreg.scid  }
0x3: {  	s0 =	sand.u32 $0x1, s1  }
0x4: {  	s18 =	sshll.u32 s0, $0xA;
	s2 =	sadd.s32 s3, s2  }
0x5: {  	s2 =	sadd.s32 s2, s18  }
0x6: {  	[smem:$0x3FC6] =	sst s2  }
0x7: {  	_ = 	snop  }
0x8: {  	s2 =	sld [smem:$0x3FD0];
	(tm) =	ssettm $0x1  }
0x9: {  	s19 =	sld [smem:$0x3FFB];
	_ =	sdelay $0x3  }
0xa: {  	_ =	strace s19  }
0xb: {  	s3 =	sld [smem:$0x3FFC];
	_ =	sdelay $0x3  }
0xc: {  	_ =	strace s3  }
0xd: {  	s3 =	sld [smem:$0x3FFD];
	_ =	sdelay $0x3  }
0xe: {  	_ =	strace s3  }
0xf: {  	_ =	strace $0x8FFFFFFF  }
0x10: {  	s20 =	sld [smem:$0x3FDB];
	_ =	sdelay $0x1  }
0x11: {  	s4 =	simm.s32 $_scs_section_size  }
0x12: {  	s5 =	simm.s32 $_size__tile_overlayer_lowered;
	s6 =	simm.s32 $_tile_overlayer_lowered  }
0x13: {  	s23 =	simm.s32 $0x1BFF;
	s22 =	sshll.u32 s6, $0x1;
	s3 =	sadd.s32 s4, s20  }
0x14: {  	s7 =	simm.s32 $0x0;
	s21 =	sshll.u32 s5, $0x1;
	s5 =	sadd.s32 s22, s3  }
0x15: {  	[timem:s7], [sflag:s23] =	dma.local [hbm:s5], s21  }
0x16: {  	_ =	swait.ge [sflag:s23], s21  }
0x17: {  	s4 =	ssub.s32 $0x0, s21;
	[sflag:s23] =	ssyncset.done $0x0  }
0x18: {  	[sflag:s23] =	ssyncadd.s32 s4;
	_ =	sdelay $0x1  }
0x19: {  	s24 =	simm.s32 $0x1B8B  }
0x1a: {  	_ =	swait.ge [sflag:s24], $0x1  }
0x1b: {  	[sflag:s24] =	ssyncset.done $0x0  }
0x1c: {  	s26 =	simm.s32 $0x1B8E;
	s25 =	sld [smem:$0x3FFE];
	[sflag:s24] =	ssyncadd.s32 $0xFFFFFFFF  }
0x1d: {  	s27 =	simm.s32 $execute0_lowered;
	[smem:$0x3FD2] =	sst s26  }
0x1e: {  	s5 =	sshll.u32 s27, $0x1;
	_ =	strace $0x80000049;
	[dreg:$0x1] =	wrdreg $0xFFFFFFFF  }
0x1f: {  	s28 =	simm.s32 $_size_execute0_lowered;
	s3 =	sadd.s32 s3, s5;
	[dreg:$0x0] =	wrdreg $0x0  }
0x20: {  	s5 =	sshll.u32 s28, $0x1;
	[dreg:$0x2] =	wrdreg s3  }
0x21: {  	[dreg:$0x3] =	wrdreg s5  }
0x22: {  	[dreg:$0x4] =	wrdreg $0xC0  }
0x23: {  	_ =	task [dreg:s7], $0x5FFFF  }
0x24: {  	[dreg:$0x1] =	wrdreg $0xFFFFFFFF  }
0x25: {  	[dreg:$0x0] =	wrdreg $0x60  }
0x26: {  	[dreg:$0x2] =	wrdreg s25  }
0x27: {  	[dreg:$0x3] =	wrdreg s2  }
0x28: {  	[dreg:$0x4] =	wrdreg $0x9  }
0x29: {  	_ =	task.clear_ibuf [dreg:s7], $0x5FFFF;
	_ =	strace $0x90000049  }
0x2a: {  	s29 =	simm.s32 $0x9;
	_ =	strace $0x8000004B  }
0x2b: {  	_ =	swait.ge [sflag:s29], $0x1  }
0x2c: {  	[sflag:s29] =	ssyncadd.s32 $0xFFFFFFFF  }
0x2d: {  	_ =	strace $0x9000004B  }
0x2e: {  	_ =	sfence  }
0x2f: {  	s30 =	sld [smem:$0x0];
	_ =	sdelay $0x2  }
0x30: {  	s31 =	sshll.u32 s1, $0xD;
	s1 =	sshrl.u32 s1, $0x2  }
0x31: {  	s3 =	sand.u32 $0x4000, s31;
	s1 =	sadd.s32 s1, s30  }
0x32: {  	s0 =	sor.u32 s3, s0;
	s1 =	sshll.u32 s1, $0x11  }
0x33: {  	s0 =	sor.u32 s1, s0  }
0x34: {  	s0 =	sadd.s32 $0x8F2B, s0  }
0x35: {  	[sflag:s0] =	ssyncadd.remote.s32 $0x1  }
0x36: {  	_ =	sfence.sel $0xFFFF  }
0x37: {  	[dreg:$0x0] =	wrdreg $0xFFFFFFFF;
	(pc) =	sbr.abs _section_cstart, $3  }
0x38: {  	[dreg:$0x1] =	wrdreg $0xFFFFFFFF  }
0x39: {  	_ =	task.clear_ibuf [dreg:s7], $0x2FFFF;
	_ =	strace $0x9FFFFFFF  }
0x3a: {  	(tm) =	ssettm $0x7FFFFFFF  }
0x3b: {  	_ =	shalt  }
tec
execute0_lowered:
.L_overlay_start_1:
0x0: {  	(tag) =	ssettag $0x1  }
0x1: {  	s0 =	srdreg.scid  }
0x2: {  	s1 =	sshll.u32 s0, $0x4  }
0x3: {  	s0 =	stileid.u32;
	s1 =	sand.u32 $0x10, s1  }
0x4: {  	s1 =	sor.u32 s0, s1  }
0x5: {  	s6 =	rddreg [dreg:$0x0];
	s4 =	simm.s32 $0x1;
	s2 =	sshll.u32 s1, $0x7  }
0x6: {  	s7 =	simm.s32 $0x2;
	s12 =	simm.s32 $0x0;
	s1 =	ssub.s32 $0x4000, s2  }
0x7: {  	s8 =	simm.s32 $0x20000;
	s13 =	simm.s32 $0x0;
	s3 =	sand.u32 $0xF80, s1  }
0x8: {  	s9 =	simm.s32 $0x0;
	s5 =	sshrl.u32 s1, $0xC;
	p0 =	sne.s32 s3, $0x0  }
.Ltmp0:
0x9: {  	s1 =	rddreg [dreg:$0x2];
	s4 =	simm.s32 @!p0 $0x0;
	(pc) =	sbr.rel .LBB1_1-.Ltmp0, $4  }
0xa: {  	s11 =	simm.s32 $0x0;
	s3 =	rddreg [dreg:$0x1];
	s5 =	sadd.s32 s4, s5  }
0xb: {  	_ =	strace $0x8000004A;
	s4 =	simm.s32 $0x1;
	s5 =	smul.u32 $0x32, s5  }
0xc: {  	s6 =	sadd.s32 $0xA00, s6;
	s10 =	smov.u32 s2;
	[sflag:s4] =	ssyncpa.u1 $0x0  }
0xd: {  	p0 =	por $0x0, $0x0;
	[sflag:s7] =	ssyncpa.u1 $0x0;
	s7 =	sor.u32 $0x1, s5  }
.LBB1_4:
0xe: {  	s16 =	sshll.u32 s13, $0x3;
	s17 =	sand.u32 $0x78, s13  }
0xf: {  	s30 =	sand.u32 $0x1F800, s13;
	s12 =	sshll.u32 s12, $0x11;
	s16 =	sand.u32 $0x3C00, s16  }
0x10: {  	[tilespmem:s15+$0x810 ss:$0x81] =	vst.msk $0xffff, v2;
	s31 =	sand.u32 $0x7, s13;
	s16 =	sor.u32 s17, s16;
	s17 =	sadd.s32 s3, s30  }
0x11: {  	[tilespmem:s15+$0x1020 ss:$0x81] =	vst.msk $0xffff, v0;
	s13 =	sshll.u32 s31, $0x12;
	s12 =	sadd.s32 s12, s17;
	s16 =	sshrl.u32 s16, $0x3  }
0x12: {  	[tilespmem:s15+$0x0 ss:$0x81] =	vst.msk $0xffff, v1;
	s13 =	sor.u32 $0x400, s13;
	s12 =	sadd.s32 s16, s12  }
0x13: {  	[hbm4b:s12+s13] =	stream.strided.scatter [tilespmem:s14], [sflag:$0x2], $0x2000, s8, s13, $0x20;
	[tilespmem:$0x8080] =	vst v63  }
.LBB1_5:
0x14: {  	s14 =	sadd.s32 $0x1, s9  }
0x15: {  	s12 =	sadd.s32 $0x1000, s10;
	s16 =	smov.u32 s10;
	p2 =	sgt.s32 s14, $0x31  }
0x16: {  	s16 =	smov.u32 @p2 s12  }
0x17: {  	s14 =	simm.s32 @p2 $0x0;
	p2 =	sgt.s32 s16, $0x3FFF  }
0x18: {  	s16 =	smov.u32 @p2 s2;
	p2 =	sne.s32 s11, s7  }
.Ltmp1:
0x19: {  	p1 =	slt.u32 s11, $0x2;
	(pc) =	sbr.rel @!p2 .LBB1_6-.Ltmp1, $4  }
0x1a: {  	s15 =	simm.s32 @!p1 $0x2  }
0x1b: {  	s13 =	smov.u32 s10;
	p0 =	por !p0, !p0;
	_ =	swait.ge @!p1 [sflag:s15], $0x2000  }
0x1c: {  	s12 =	smov.u32 s9;
	[sflag:s15] =	ssyncset.done @!p1 $0x0;
	s9 =	smov.u32 s14  }
0x1d: {  	s11 =	sadd.s32 $0x1, s11;
	[sflag:s15] =	ssyncadd.s32 @!p1 $0xFFFFE000;
	s10 =	smov.u32 s16  }
.LBB1_1:
0x1e: {  	p1 =	sge.u32 s11, s5  }
0x1f: {  	s14 =	sand.u32 @!p1 $0x1FFFFFF, s9  }
0x20: {  	s15 =	smulhi.u32 @!p1 $0x4924925, s14;
	_ =	sdelay $0x1  }
0x21: {  	s15 =	smul.u32 @!p1 $0x38, s15  }
0x22: {  	s16 =	sxor.u32 @!p1 $0xFFFFFFFF, s11;
	s17 =	smul.u32 @!p1 $0x380, s10  }
0x23: {  	s31 =	sadd.s32 $0xFFFFFFFF, s11;
	s16 =	sshll.u32 @!p1 s16, $0xD;
	s14 =	ssub.s32 @!p1 s14, s15  }
0x24: {  	s15 =	sand.u32 @!p1 $0x2000, s16;
	s16 =	sadd.s32 @!p1 s6, s17;
	s14 =	sshll.u32 @!p1 s14, $0x4  }
0x25: {  	s17 =	simm.s32 @!p1 $0x1C00;
	s14 =	sadd.s32 @!p1 s14, s16;
	s16 =	simm.s32 @!p1 $0x40  }
0x26: {  	[tilespmem:s15], [sflag:$0x1] =	stream.strided.gather @!p1 [hbm4b:s14+s16], $0x2000, s17, s16, $0x38;
	[tilespmem:$0x8080] =	vst v63  }
0x27: {  	p1 =	sge.u32 s31, s5  }
.Ltmp2:
0x28: {  	_ = 	snop;
	(pc) =	sbr.rel @p1 .LBB1_5-.Ltmp2, $1  }
0x29: {  	_ =	sdelay $0x3  }
0x2a: {  	s14 =	simm.s32 $0x1  }
0x2b: {  	_ =	swait.ge [sflag:s4], $0x2000;
	s14 =	simm.s32 @!p0 $0x0  }
0x2c: {  	[sflag:s4] =	ssyncset.done $0x0;
	s15 =	sshll.u32 s14, $0xD  }
0x2d: {  	[sflag:s4] =	ssyncadd.s32 $0xFFFFE000;
	s18 =	sor.u32 $0x20, s15  }
0x2e: {  	s14 =	smul.u32 $0x8100, s14;
	v3 =	vld [tilespmem:s18+$0x10]  }
0x2f: {  	s30 =	sand.u32 $0x1, s11;
	v2 =	vld [tilespmem:s18+$0xFFFFFFF0]  }
0x30: {  	s15 =	smul.u32 $0x8100, s30;
	s14 =	sshrl.u32 s14, $0x2;
	v0 =	vld [tilespmem:s18+$0x0]  }
0x31: {  	v1 =	vld [tilespmem:s18+$0xFFFFFFE0];
	s16 =	sor.u32 $0x4000, s14  }
0x32: {  	s31 =	sshrl.u32 s15, $0x2;
	s15 =	sadd.s32 $0x0, s16  }
0x33: {  	s17 =	simm.s32 $0x4;
	s18 =	sadd.s32 $0x40, s18;
	s14 =	sor.u32 $0x4000, s31;
	[tilespmem:s15+$0x1830 ss:$0x81] =	vst.msk $0xffff, v3  }
.LBB1_3:
0x34: {  	v3 =	vld [tilespmem:s18+$0x10];
	p1 =	sne.s32 s17, $0x1FC;
	[tilespmem:s15+$0x810 ss:$0x81] =	vst.msk $0xffff, v2;
	s19 =	smov.u32 s17;
	s17 =	sadd.s32 $0x4, s17  }
.Ltmp3:
0x35: {  	v2 =	vld [tilespmem:s18+$0xFFFFFFF0];
	[tilespmem:s15+$0x1020 ss:$0x81] =	vst.msk $0xffff, v0;
	(pc) =	sbr.rel @p1 .LBB1_3-.Ltmp3, $4  }
0x36: {  	v0 =	vld [tilespmem:s18+$0x0];
	[tilespmem:s15+$0x0 ss:$0x81] =	vst.msk $0xffff, v1  }
0x37: {  	s15 =	sshra.s32 s19, $0x2;
	v1 =	vld [tilespmem:s18+$0xFFFFFFE0]  }
0x38: {  	s15 =	sadd.s32 s15, s16  }
0x39: {  	s18 =	sadd.s32 $0x40, s18;
	[tilespmem:s15+$0x1830 ss:$0x81] =	vst.msk $0xffff, v3  }
.Ltmp4:
0x3a: {  	_ = 	snop;
	(pc) =	sbr.rel .LBB1_4-.Ltmp4, $1  }
0x3b: {  	_ =	sdelay $0x3  }
.LBB1_6:
0x3c: {  	_ =	sfence.sel $0x180000  }
0x3d: {  	s2 =	simm.s32 $0x1;
	[bflag:$0x0] =	sbarrier.arrive $0xFFFF  }
0x3e: {  	s31 =	simm.s32 $0x2;
	[sflag:s2] =	ssyncpa.u1 $0x1  }
0x3f: {  	[sflag:s31] =	ssyncpa.u1 $0x1  }
0x40: {  	p0 =	sne.s32 s0, $0x0;
	_ =	strace $0x9000004A  }
0x41: {  	s0 =	sadd.s32 @!p0 $0x100000, s1;
	[bflag:$0x2] =	sbarrier.arrive $0xFFFF  }
0x42: {  	[sflag:s0] =	ssyncadd.tile.s32 @!p0 $0x1;
	_ =	shalt  }
.Lfunc_end1:
_tile_overlayer_lowered:
.L_overlay_start_2:
0x43: {  	(tag) =	ssettag $0x2  }
0x44: {  	s0 =	rddreg [dreg:$0x0];
	s2 =	stileid.u32  }
0x45: {  	s1 =	rddreg [dreg:$0x1];
	p0 =	sne.s32 s2, $0x0  }
0x46: {  	s3 =	rddreg [dreg:$0x2];
	[bflag:$0x3] =	sbarrier.arrive $0xFFFF;
	s2 =	simm.s32 @!p0 $0x1C01  }
0x47: {  	[timem:s3], [sflag:s2] =	dma.local @!p0 [hbm:s0], s1  }
0x48: {  	s0 =	simm.s32 @!p0 $0x1  }
0x49: {  	_ =	swait.ge @!p0 [sflag:s0], s1  }
0x4a: {  	s1 =	ssub.s32 @!p0 $0x0, s1;
	[sflag:s0] =	ssyncset.done @!p0 $0x0  }
0x4b: {  	[sflag:s0] =	ssyncadd.s32 @!p0 s1  }
0x4c: {  	[bflag:$0x3] =	sbarrier.arrive $0xFFFF  }
0x4d: {  	_ =	shalt  }

</sc_bundles>
